<compile_context>
chip_gen: v7x
topology: tpu7x:2x2x1
jax: 0.10.2.dev20260603
libtpu: 0.0.44.dev20260713+nightly
codegen_flags: <defaults>
</compile_context>

<pallas_src>
import functools

import jax
import jax.numpy as jnp
from jax import lax
from jax.experimental import pallas as pl
from jax.experimental.pallas import tpu as pltpu
from jax.experimental.pallas import tpu_sc as plsc

N_NODES = 10000
E_EDGES = 160000
D_FEAT = 256
D_EDGE = 16
HIDDEN = 256
OUT = 256

NC = 2
NS = 16
LANES = 16
G = E_EDGES // 128
GPC = G // NC
HALF0 = 313
NB = 79
NCH = 4
N_PAD = 10240


def _sc_segment_sum(ea_v, idx_v):
    mesh = plsc.VectorSubcoreMesh(
        core_axis_name="c", subcore_axis_name="s", num_cores=NC, num_subcores=NS
    )

    @functools.partial(
        pl.kernel,
        out_type=jax.ShapeDtypeStruct((NC, 2, 2, 8, N_PAD), jnp.float32),
        name="sc_segment_sum",
        mesh=mesh,
        compiler_params=pltpu.CompilerParams(
            use_tc_tiling_on_sc=False, needs_layout_passes=False
        ),
        scratch_types=[
            pltpu.VMEM((2, NB, 128), jnp.float32),
            pltpu.VMEM((2, NB, 128), jnp.float32),
            pltpu.VMEM((2, NB, 128), jnp.int32),
            pltpu.VMEM((N_PAD,), jnp.float32),
            pltpu.VMEM((N_PAD,), jnp.float32),
            pltpu.SemaphoreType.DMA,
            pltpu.SemaphoreType.DMA,
        ],
    )
    def k(ea_hbm, idx_hbm, out_hbm, val0_v, val1_v, ind_v, acc0_v, acc1_v, sem0, sem1):
        cid = lax.axis_index("c")
        sid = lax.axis_index("s")
        p = sid % 8
        h = sid // 8
        fa = p // 4
        fr = 2 * (p % 4)
        size_h = HALF0 - h
        hbase = cid * GPC + h * HALF0
        sems = (sem0, sem1)

        def start(ch, buf):
            c0 = jnp.minimum(ch * NB, size_h - NB)
            g0 = hbase + c0
            dv0 = pltpu.async_copy(
                ea_hbm.at[fa, pl.ds(g0, NB), fr], val0_v.at[buf], sems[buf]
            )
            dv1 = pltpu.async_copy(
                ea_hbm.at[fa, pl.ds(g0, NB), fr + 1], val1_v.at[buf], sems[buf]
            )
            di = pltpu.async_copy(
                idx_hbm.at[pl.ds(g0, NB), 0], ind_v.at[buf], sems[buf]
            )
            return dv0, dv1, di

        pend = start(0, 0)

        @plsc.parallel_loop(0, N_PAD, step=LANES)
        def _(i):
            acc0_v[pl.ds(i, LANES)] = jnp.zeros((LANES,), jnp.float32)
            acc1_v[pl.ds(i, LANES)] = jnp.zeros((LANES,), jnp.float32)

        for ch in range(NCH):
            buf = ch % 2
            nxt = start(ch + 1, 1 - buf) if ch + 1 < NCH else None
            pend[0].wait()
            pend[1].wait()
            pend[2].wait()
            last = ch == NCH - 1
            j0 = ch * NB - (size_h - NB)

            @plsc.parallel_loop(0, NB, step=1, unroll=4)
            def _(j):
                keep = jnp.broadcast_to(j >= j0, (LANES,)) if last else None
                for u in range(8):
                    ix = ind_v[buf, j, pl.ds(u * LANES, LANES)]
                    v0 = val0_v[buf, j, pl.ds(u * LANES, LANES)]
                    v1 = val1_v[buf, j, pl.ds(u * LANES, LANES)]
                    plsc.addupdate_scatter(acc0_v, [ix], v0, mask=keep)
                    plsc.addupdate_scatter(acc1_v, [ix], v1, mask=keep)

            pend = nxt

        pltpu.sync_copy(acc0_v, out_hbm.at[cid, h, fa, fr])
        pltpu.sync_copy(acc1_v, out_hbm.at[cid, h, fa, fr + 1])

    return k(ea_v, idx_v)


def _tc_mlp(x, partials, w1x, w1m, b1, w2, b2):
    tiles = 16
    cols = tiles * 128
    grid = (N_PAD // cols,)

    def body(x_ref, p_ref, w1x_ref, w1m_ref, b1_ref, w2_ref, b2_ref, o_ref):
        pr = p_ref[...]
        psum = pr[0, 0] + pr[0, 1] + pr[1, 0] + pr[1, 1]
        h = jnp.dot(
            x_ref[...].astype(jnp.bfloat16),
            w1x_ref[...].astype(jnp.bfloat16),
            preferred_element_type=jnp.float32,
        )
        hm = []
        for t in range(tiles):
            msg_t = jnp.concatenate([psum[0, :, t], psum[1, :, t]], axis=0)
            hm.append(
                lax.dot_general(
                    msg_t, w1m_ref[...], (((0,), (0,)), ((), ())),
                    preferred_element_type=jnp.float32,
                )
            )
        h = h + jnp.concatenate(hm, axis=0)
        h = jnp.maximum(h + b1_ref[...], 0.0)
        o_ref[...] = (
            jnp.dot(
                h.astype(jnp.bfloat16),
                w2_ref[...].astype(jnp.bfloat16),
                preferred_element_type=jnp.float32,
            )
            + b2_ref[...]
        )

    return pl.pallas_call(
        body,
        grid=grid,
        in_specs=[
            pl.BlockSpec((cols, D_FEAT), lambda i: (i, 0)),
            pl.BlockSpec((NC, 2, 2, 8, tiles, 128), lambda i: (0, 0, 0, 0, i, 0)),
            pl.BlockSpec((D_FEAT, HIDDEN), lambda i: (0, 0)),
            pl.BlockSpec((D_EDGE, HIDDEN), lambda i: (0, 0)),
            pl.BlockSpec((1, HIDDEN), lambda i: (0, 0)),
            pl.BlockSpec((HIDDEN, OUT), lambda i: (0, 0)),
            pl.BlockSpec((1, OUT), lambda i: (0, 0)),
        ],
        out_specs=pl.BlockSpec((cols, OUT), lambda i: (i, 0)),
        out_shape=jax.ShapeDtypeStruct((N_NODES, OUT), jnp.float32),
    )(x, partials, w1x, w1m, b1.reshape(1, HIDDEN), w2, b2.reshape(1, OUT))


def kernel(x, edge_index, edge_attr, W1, b1, W2, b2):
    ea_v = edge_attr.T.reshape(2, 8, 1250, 128).transpose(0, 2, 1, 3)
    idx_v = edge_index.reshape(2, 1250, 128).transpose(1, 0, 2)
    partials = _sc_segment_sum(ea_v, idx_v)
    partials = partials.reshape(NC, 2, 2, 8, N_PAD // 128, 128)
    return _tc_mlp(x, partials, W1[:D_FEAT], W1[D_FEAT:], b1, W2, b2)

# --- scband reference (transcript-rebuilt; emitter-appended) ---
"""Pipeline reference for scband-node-model-19104014532837 (READ-ONLY COPY).

The authoritative reference and input builder live on the scoring server;
editing this copy changes nothing except your own understanding.
"""

import jax, jax.numpy as jnp
import numpy as np

N = 10000
E = 160000
D_FEAT = 256
D_EDGE = 16
HIDDEN = 256
OUT = 256


def setup_inputs(seed: int = 0) -> dict:
    key = jax.random.key(seed)
    ks = jax.random.split(key, 8)
    x = jax.random.normal(ks[0], (N, D_FEAT), dtype=jnp.float32)
    edge_index = jax.random.randint(ks[1], (2, E), 0, N, dtype=jnp.int32)
    edge_attr = jax.random.normal(ks[2], (E, D_EDGE), dtype=jnp.float32)
    d_in = D_FEAT + D_EDGE
    W1 = jax.random.normal(ks[3], (d_in, HIDDEN), dtype=jnp.float32) * (1.0 / np.sqrt(d_in))
    b1 = jnp.zeros((HIDDEN,), dtype=jnp.float32)
    W2 = jax.random.normal(ks[4], (HIDDEN, OUT), dtype=jnp.float32) * (1.0 / np.sqrt(HIDDEN))
    b2 = jnp.zeros((OUT,), dtype=jnp.float32)
    return {"x": x, "edge_index": edge_index, "edge_attr": edge_attr, "W1": W1, "b1": b1, "W2": W2, "b2": b2}


def reference(x, edge_index, edge_attr, W1, b1, W2, b2):
    # row, col = edge_index
    row = edge_index[0]
    # node_agg_fn: scatter_add of edge_attr into per-node buckets keyed by row (src node)
    message = jax.ops.segment_sum(edge_attr, row, num_segments=x.shape[0])
    # node_message = torch.cat([x, message], dim=1)
    node_message = jnp.concatenate([x, message], axis=1)
    # node_mlp: Linear(272,256) -> ReLU -> Linear(256,256)
    h = jnp.maximum(node_message @ W1 + b1, 0.0)
    out = h @ W2 + b2
    return out

if __name__ == "__main__":
    import jax
    _d = setup_inputs()
    print(jax.jit(kernel)(*tuple(_d.values())))

</pallas_src>

<mosaic_0001>
#map = affine_map<(d0, d1) -> (0, 0, 0, 0)>
#map1 = affine_map<(d0, d1) -> (0, 0, 0)>
#map2 = affine_map<(d0, d1) -> (0, 0, 0, 0, 0)>
module attributes {stable_mosaic.version = 14 : i64} {
  func.func @sc_segment_sum(%arg0: i32, %arg1: i32, %arg2: memref<2x1250x8x128xf32, #tpu.memory_space<hbm>>, %arg3: memref<1250x2x128xi32, #tpu.memory_space<hbm>>, %arg4: memref<2x2x2x8x10240xf32, #tpu.memory_space<hbm>>, %arg5: memref<2x79x128xf32, #tpu.memory_space<vmem>>, %arg6: memref<2x79x128xf32, #tpu.memory_space<vmem>>, %arg7: memref<2x79x128xi32, #tpu.memory_space<vmem>>, %arg8: memref<10240xf32, #tpu.memory_space<vmem>>, %arg9: memref<10240xf32, #tpu.memory_space<vmem>>, %arg10: memref<!tpu.dma_semaphore, #tpu.memory_space<semaphore_mem>>, %arg11: memref<!tpu.dma_semaphore, #tpu.memory_space<semaphore_mem>>) attributes {dimension_semantics = [#tpu.dimension_semantics<core_parallel>, #tpu.dimension_semantics<subcore_parallel>], iteration_bounds = array<i64: 2, 16>, scalar_prefetch = 0 : i64, scratch_operands = 7 : i64, tpu.core_type = #tpu.core_type<sc_vector_subcore>, window_params = [{transform_indices = #map}, {transform_indices = #map1}, {transform_indices = #map2}]} {
    %jit3A = arith.constant 8 : i32
    %eq3A = arith.constant 0 : i32
    %eq3A_0 = arith.cmpi eq, %jit3A, %eq3A : i32
    %jit3A_1 = arith.constant 1 : i32
    %select_n3A = arith.select %eq3A_0, %jit3A_1, %jit3A : i32
    %rem3A = arith.remsi %arg1, %select_n3A : i32
    %ne3A = arith.constant 0 : i32
    %ne3A_2 = arith.cmpi ne, %rem3A, %ne3A : i32
    %lt3A = arith.constant 0 : i32
    %lt3A_3 = arith.cmpi slt, %rem3A, %lt3A : i32
    %lt3A_4 = arith.constant 0 : i32
    %lt3A_5 = arith.cmpi slt, %select_n3A, %lt3A_4 : i32
    %ne3A_6 = arith.xori %lt3A_3, %lt3A_5 : i1
    %and3A = arith.andi %ne3A_6, %ne3A_2 : i1
    %add3A = arith.addi %rem3A, %select_n3A : i32
    %select_n3A_7 = arith.select %and3A, %add3A, %rem3A : i32
    %jit3A_8 = arith.constant 8 : i32
    %div3A = arith.divsi %arg1, %jit3A_8 : i32
    %sign3A = arith.constant 0 : i32
    %sign3A_9 = arith.cmpi sgt, %arg1, %sign3A : i32
    %sign3A_10 = arith.extui %sign3A_9 : i1 to i32
    %sign3A_11 = arith.constant 0 : i32
    %sign3A_12 = arith.cmpi slt, %arg1, %sign3A_11 : i32
    %sign3A_13 = arith.extui %sign3A_12 : i1 to i32
    %sign3A_14 = arith.subi %sign3A_10, %sign3A_13 : i32
    %sign3A_15 = arith.constant 0 : i32
    %sign3A_16 = arith.cmpi sgt, %jit3A_8, %sign3A_15 : i32
    %sign3A_17 = arith.extui %sign3A_16 : i1 to i32
    %sign3A_18 = arith.constant 0 : i32
    %sign3A_19 = arith.cmpi slt, %jit3A_8, %sign3A_18 : i32
    %sign3A_20 = arith.extui %sign3A_19 : i1 to i32
    %sign3A_21 = arith.subi %sign3A_17, %sign3A_20 : i32
    %ne3A_22 = arith.cmpi ne, %sign3A_14, %sign3A_21 : i32
    %rem3A_23 = arith.remsi %arg1, %jit3A_8 : i32
    %ne3A_24 = arith.constant 0 : i32
    %ne3A_25 = arith.cmpi ne, %rem3A_23, %ne3A_24 : i32
    %and3A_26 = arith.andi %ne3A_22, %ne3A_25 : i1
    %sub3A = arith.constant 1 : i32
    %sub3A_27 = arith.subi %div3A, %sub3A : i32
    %select_n3A_28 = arith.select %and3A_26, %sub3A_27, %div3A : i32
    %jit3A_29 = arith.constant 4 : i32
    %div3A_30 = arith.divsi %select_n3A_7, %jit3A_29 : i32
    %sign3A_31 = arith.constant 0 : i32
    %sign3A_32 = arith.cmpi sgt, %select_n3A_7, %sign3A_31 : i32
    %sign3A_33 = arith.extui %sign3A_32 : i1 to i32
    %sign3A_34 = arith.constant 0 : i32
    %sign3A_35 = arith.cmpi slt, %select_n3A_7, %sign3A_34 : i32
    %sign3A_36 = arith.extui %sign3A_35 : i1 to i32
    %sign3A_37 = arith.subi %sign3A_33, %sign3A_36 : i32
    %sign3A_38 = arith.constant 0 : i32
    %sign3A_39 = arith.cmpi sgt, %jit3A_29, %sign3A_38 : i32
    %sign3A_40 = arith.extui %sign3A_39 : i1 to i32
    %sign3A_41 = arith.constant 0 : i32
    %sign3A_42 = arith.cmpi slt, %jit3A_29, %sign3A_41 : i32
    %sign3A_43 = arith.extui %sign3A_42 : i1 to i32
    %sign3A_44 = arith.subi %sign3A_40, %sign3A_43 : i32
    %ne3A_45 = arith.cmpi ne, %sign3A_37, %sign3A_44 : i32
    %rem3A_46 = arith.remsi %select_n3A_7, %jit3A_29 : i32
    %ne3A_47 = arith.constant 0 : i32
    %ne3A_48 = arith.cmpi ne, %rem3A_46, %ne3A_47 : i32
    %and3A_49 = arith.andi %ne3A_45, %ne3A_48 : i1
    %sub3A_50 = arith.constant 1 : i32
    %sub3A_51 = arith.subi %div3A_30, %sub3A_50 : i32
    %select_n3A_52 = arith.select %and3A_49, %sub3A_51, %div3A_30 : i32
    %jit3A_53 = arith.constant 4 : i32
    %eq3A_54 = arith.constant 0 : i32
    %eq3A_55 = arith.cmpi eq, %jit3A_53, %eq3A_54 : i32
    %jit3A_56 = arith.constant 1 : i32
    %select_n3A_57 = arith.select %eq3A_55, %jit3A_56, %jit3A_53 : i32
    %rem3A_58 = arith.remsi %select_n3A_7, %select_n3A_57 : i32
    %ne3A_59 = arith.constant 0 : i32
    %ne3A_60 = arith.cmpi ne, %rem3A_58, %ne3A_59 : i32
    %lt3A_61 = arith.constant 0 : i32
    %lt3A_62 = arith.cmpi slt, %rem3A_58, %lt3A_61 : i32
    %lt3A_63 = arith.constant 0 : i32
    %lt3A_64 = arith.cmpi slt, %select_n3A_57, %lt3A_63 : i32
    %ne3A_65 = arith.xori %lt3A_62, %lt3A_64 : i1
    %and3A_66 = arith.andi %ne3A_65, %ne3A_60 : i1
    %add3A_67 = arith.addi %rem3A_58, %select_n3A_57 : i32
    %select_n3A_68 = arith.select %and3A_66, %add3A_67, %rem3A_58 : i32
    %mul3A = arith.constant 2 : i32
    %mul3A_69 = arith.muli %mul3A, %select_n3A_68 : i32
    %sub3A_70 = arith.constant 313 : i32
    %sub3A_71 = arith.subi %sub3A_70, %select_n3A_28 : i32
    %mul3A_72 = arith.constant 625 : i32
    %mul3A_73 = arith.muli %arg0, %mul3A_72 : i32
    %mul3A_74 = arith.constant 313 : i32
    %mul3A_75 = arith.muli %select_n3A_28, %mul3A_74 : i32
    %add3A_76 = arith.addi %mul3A_73, %mul3A_75 : i32
    %sub3A_77 = arith.constant 79 : i32
    %sub3A_78 = arith.subi %sub3A_71, %sub3A_77 : i32
    %min3A = arith.constant 0 : i32
    %min3A_79 = arith.minsi %min3A, %sub3A_78 : i32
    %add3A_80 = arith.addi %add3A_76, %min3A_79 : i32
    %dma_start3A = arith.constant 0 : i32
    %dma_start3A_81 = arith.constant 0 : i32
    %dma_start3A_82 = arith.constant 0 : i32
    %dma_start3A_83 = tpu.memref_slice %arg5[%dma_start3A, %dma_start3A_81, %dma_start3A_82] : memref<2x79x128xf32, #tpu.memory_space<vmem>> -> memref<1x79x128xf32, #tpu.memory_space<vmem>>
    %dma_start3A_84 = tpu.memref_squeeze %dma_start3A_83 : memref<1x79x128xf32, #tpu.memory_space<vmem>> -> memref<79x128xf32, #tpu.memory_space<vmem>>
    %dma_start3A_85 = arith.constant 0 : i32
    %dma_start3A_86 = tpu.memref_slice %arg2[%select_n3A_52, %add3A_80, %mul3A_69, %dma_start3A_85] : memref<2x1250x8x128xf32, #tpu.memory_space<hbm>> -> memref<1x79x1x128xf32, #tpu.memory_space<hbm>>
    %dma_start3A_87 = tpu.memref_squeeze %dma_start3A_86 : memref<1x79x1x128xf32, #tpu.memory_space<hbm>> -> memref<79x128xf32, #tpu.memory_space<hbm>>
    %dma_start3A_88 = arith.constant 0 : i32
    %dma_start3A_89 = arith.constant 0 : i32
    %dma_start3A_90 = tpu.memref_slice %arg5[%dma_start3A, %dma_start3A_88, %dma_start3A_89] : memref<2x79x128xf32, #tpu.memory_space<vmem>> -> memref<1x79x128xf32, #tpu.memory_space<vmem>>
    %dma_start3A_91 = tpu.memref_squeeze %dma_start3A_90 : memref<1x79x128xf32, #tpu.memory_space<vmem>> -> memref<79x128xf32, #tpu.memory_space<vmem>>
    %dma_start3A_92 = arith.constant 0 : i32
    %dma_start3A_93 = tpu.memref_slice %arg2[%select_n3A_52, %add3A_80, %mul3A_69, %dma_start3A_92] : memref<2x1250x8x128xf32, #tpu.memory_space<hbm>> -> memref<1x79x1x128xf32, #tpu.memory_space<hbm>>
    %dma_start3A_94 = tpu.memref_squeeze %dma_start3A_93 : memref<1x79x1x128xf32, #tpu.memory_space<hbm>> -> memref<79x128xf32, #tpu.memory_space<hbm>>
    tpu.enqueue_dma source(%dma_start3A_94 : memref<79x128xf32, #tpu.memory_space<hbm>>) target(%dma_start3A_91 : memref<79x128xf32, #tpu.memory_space<vmem>>) target_semaphore(%arg10 : memref<!tpu.dma_semaphore, #tpu.memory_space<semaphore_mem>>)
    %add3A_95 = arith.constant 1 : i32
    %add3A_96 = arith.addi %mul3A_69, %add3A_95 : i32
    %dma_start3A_97 = arith.constant 0 : i32
    %dma_start3A_98 = arith.constant 0 : i32
    %dma_start3A_99 = arith.constant 0 : i32
    %dma_start3A_100 = tpu.memref_slice %arg6[%dma_start3A_97, %dma_start3A_98, %dma_start3A_99] : memref<2x79x128xf32, #tpu.memory_space<vmem>> -> memref<1x79x128xf32, #tpu.memory_space<vmem>>
    %dma_start3A_101 = tpu.memref_squeeze %dma_start3A_100 : memref<1x79x128xf32, #tpu.memory_space<vmem>> -> memref<79x128xf32, #tpu.memory_space<vmem>>
    %dma_start3A_102 = arith.constant 0 : i32
    %dma_start3A_103 = tpu.memref_slice %arg2[%select_n3A_52, %add3A_80, %add3A_96, %dma_start3A_102] : memref<2x1250x8x128xf32, #tpu.memory_space<hbm>> -> memref<1x79x1x128xf32, #tpu.memory_space<hbm>>
    %dma_start3A_104 = tpu.memref_squeeze %dma_start3A_103 : memref<1x79x1x128xf32, #tpu.memory_space<hbm>> -> memref<79x128xf32, #tpu.memory_space<hbm>>
    %dma_start3A_105 = arith.constant 0 : i32
    %dma_start3A_106 = arith.constant 0 : i32
    %dma_start3A_107 = tpu.memref_slice %arg6[%dma_start3A_97, %dma_start3A_105, %dma_start3A_106] : memref<2x79x128xf32, #tpu.memory_space<vmem>> -> memref<1x79x128xf32, #tpu.memory_space<vmem>>
    %dma_start3A_108 = tpu.memref_squeeze %dma_start3A_107 : memref<1x79x128xf32, #tpu.memory_space<vmem>> -> memref<79x128xf32, #tpu.memory_space<vmem>>
    %dma_start3A_109 = arith.constant 0 : i32
    %dma_start3A_110 = tpu.memref_slice %arg2[%select_n3A_52, %add3A_80, %add3A_96, %dma_start3A_109] : memref<2x1250x8x128xf32, #tpu.memory_space<hbm>> -> memref<1x79x1x128xf32, #tpu.memory_space<hbm>>
    %dma_start3A_111 = tpu.memref_squeeze %dma_start3A_110 : memref<1x79x1x128xf32, #tpu.memory_space<hbm>> -> memref<79x128xf32, #tpu.memory_space<hbm>>
    tpu.enqueue_dma source(%dma_start3A_111 : memref<79x128xf32, #tpu.memory_space<hbm>>) target(%dma_start3A_108 : memref<79x128xf32, #tpu.memory_space<vmem>>) target_semaphore(%arg10 : memref<!tpu.dma_semaphore, #tpu.memory_space<semaphore_mem>>)
    %dma_start3A_112 = arith.constant 0 : i32
    %dma_start3A_113 = arith.constant 0 : i32
    %dma_start3A_114 = arith.constant 0 : i32
    %dma_start3A_115 = arith.constant 0 : i32
    %dma_start3A_116 = tpu.memref_slice %arg7[%dma_start3A_113, %dma_start3A_114, %dma_start3A_115] : memref<2x79x128xi32, #tpu.memory_space<vmem>> -> memref<1x79x128xi32, #tpu.memory_space<vmem>>
    %dma_start3A_117 = tpu.memref_squeeze %dma_start3A_116 : memref<1x79x128xi32, #tpu.memory_space<vmem>> -> memref<79x128xi32, #tpu.memory_space<vmem>>
    %dma_start3A_118 = arith.constant 0 : i32
    %dma_start3A_119 = tpu.memref_slice %arg3[%add3A_80, %dma_start3A_112, %dma_start3A_118] : memref<1250x2x128xi32, #tpu.memory_space<hbm>> -> memref<79x1x128xi32, #tpu.memory_space<hbm>>
    %dma_start3A_120 = tpu.memref_squeeze %dma_start3A_119 : memref<79x1x128xi32, #tpu.memory_space<hbm>> -> memref<79x128xi32, #tpu.memory_space<hbm>>
    %dma_start3A_121 = arith.constant 0 : i32
    %dma_start3A_122 = arith.constant 0 : i32
    %dma_start3A_123 = tpu.memref_slice %arg7[%dma_start3A_113, %dma_start3A_121, %dma_start3A_122] : memref<2x79x128xi32, #tpu.memory_space<vmem>> -> memref<1x79x128xi32, #tpu.memory_space<vmem>>
    %dma_start3A_124 = tpu.memref_squeeze %dma_start3A_123 : memref<1x79x128xi32, #tpu.memory_space<vmem>> -> memref<79x128xi32, #tpu.memory_space<vmem>>
    %dma_start3A_125 = arith.constant 0 : i32
    %dma_start3A_126 = tpu.memref_slice %arg3[%add3A_80, %dma_start3A_112, %dma_start3A_125] : memref<1250x2x128xi32, #tpu.memory_space<hbm>> -> memref<79x1x128xi32, #tpu.memory_space<hbm>>
    %dma_start3A_127 = tpu.memref_squeeze %dma_start3A_126 : memref<79x1x128xi32, #tpu.memory_space<hbm>> -> memref<79x128xi32, #tpu.memory_space<hbm>>
    tpu.enqueue_dma source(%dma_start3A_127 : memref<79x128xi32, #tpu.memory_space<hbm>>) target(%dma_start3A_124 : memref<79x128xi32, #tpu.memory_space<vmem>>) target_semaphore(%arg10 : memref<!tpu.dma_semaphore, #tpu.memory_space<semaphore_mem>>)
    %parallel_loop3A = arith.constant 0 : i32
    %parallel_loop3A_128 = arith.constant 10240 : i32
    %parallel_loop3A_129 = arith.constant 16 : i32
    scf.for %parallel_loop3A_502 = %parallel_loop3A to %parallel_loop3A_128 step %parallel_loop3A_129  : i32 {
      %parallel_loop3A_503 = arith.constant 0.000000e+00 : f32
      %parallel_loop3A_504 = vector.broadcast %parallel_loop3A_503 : f32 to vector<16xf32>
      %parallel_loop3A_505 = arith.index_cast %parallel_loop3A_502 : i32 to index
      %parallel_loop3A_506 = tpu.vector_load %arg8[%parallel_loop3A_505] {strides = array<i32>} : memref<10240xf32, #tpu.memory_space<vmem>>, vector<16xf32>,
      tpu.vector_store %arg8[%parallel_loop3A_505], %parallel_loop3A_504 {strides = array<i32>} : memref<10240xf32, #tpu.memory_space<vmem>>, vector<16xf32>,
      %parallel_loop3A_507 = arith.constant 0.000000e+00 : f32
      %parallel_loop3A_508 = vector.broadcast %parallel_loop3A_507 : f32 to vector<16xf32>
      %parallel_loop3A_509 = arith.index_cast %parallel_loop3A_502 : i32 to index
      %parallel_loop3A_510 = tpu.vector_load %arg9[%parallel_loop3A_509] {strides = array<i32>} : memref<10240xf32, #tpu.memory_space<vmem>>, vector<16xf32>,
      tpu.vector_store %arg9[%parallel_loop3A_509], %parallel_loop3A_508 {strides = array<i32>} : memref<10240xf32, #tpu.memory_space<vmem>>, vector<16xf32>,
    } {sc.loop_unroll_factor = 1 : i64, sc.parallel_access}
    %sub3A_130 = arith.constant 79 : i32
    %sub3A_131 = arith.subi %sub3A_71, %sub3A_130 : i32
    %min3A_132 = arith.constant 79 : i32
    %min3A_133 = arith.minsi %min3A_132, %sub3A_131 : i32
    %add3A_134 = arith.addi %add3A_76, %min3A_133 : i32
    %dma_start3A_135 = arith.constant 1 : i32
    %dma_start3A_136 = arith.constant 0 : i32
    %dma_start3A_137 = arith.constant 0 : i32
    %dma_start3A_138 = tpu.memref_slice %arg5[%dma_start3A_135, %dma_start3A_136, %dma_start3A_137] : memref<2x79x128xf32, #tpu.memory_space<vmem>> -> memref<1x79x128xf32, #tpu.memory_space<vmem>>
    %dma_start3A_139 = tpu.memref_squeeze %dma_start3A_138 : memref<1x79x128xf32, #tpu.memory_space<vmem>> -> memref<79x128xf32, #tpu.memory_space<vmem>>
    %dma_start3A_140 = arith.constant 0 : i32
    %dma_start3A_141 = tpu.memref_slice %arg2[%select_n3A_52, %add3A_134, %mul3A_69, %dma_start3A_140] : memref<2x1250x8x128xf32, #tpu.memory_space<hbm>> -> memref<1x79x1x128xf32, #tpu.memory_space<hbm>>
    %dma_start3A_142 = tpu.memref_squeeze %dma_start3A_141 : memref<1x79x1x128xf32, #tpu.memory_space<hbm>> -> memref<79x128xf32, #tpu.memory_space<hbm>>
    %dma_start3A_143 = arith.constant 0 : i32
    %dma_start3A_144 = arith.constant 0 : i32
    %dma_start3A_145 = tpu.memref_slice %arg5[%dma_start3A_135, %dma_start3A_143, %dma_start3A_144] : memref<2x79x128xf32, #tpu.memory_space<vmem>> -> memref<1x79x128xf32, #tpu.memory_space<vmem>>
    %dma_start3A_146 = tpu.memref_squeeze %dma_start3A_145 : memref<1x79x128xf32, #tpu.memory_space<vmem>> -> memref<79x128xf32, #tpu.memory_space<vmem>>
    %dma_start3A_147 = arith.constant 0 : i32
    %dma_start3A_148 = tpu.memref_slice %arg2[%select_n3A_52, %add3A_134, %mul3A_69, %dma_start3A_147] : memref<2x1250x8x128xf32, #tpu.memory_space<hbm>> -> memref<1x79x1x128xf32, #tpu.memory_space<hbm>>
    %dma_start3A_149 = tpu.memref_squeeze %dma_start3A_148 : memref<1x79x1x128xf32, #tpu.memory_space<hbm>> -> memref<79x128xf32, #tpu.memory_space<hbm>>
    tpu.enqueue_dma source(%dma_start3A_149 : memref<79x128xf32, #tpu.memory_space<hbm>>) target(%dma_start3A_146 : memref<79x128xf32, #tpu.memory_space<vmem>>) target_semaphore(%arg11 : memref<!tpu.dma_semaphore, #tpu.memory_space<semaphore_mem>>)
    %add3A_150 = arith.constant 1 : i32
    %add3A_151 = arith.addi %mul3A_69, %add3A_150 : i32
    %dma_start3A_152 = arith.constant 1 : i32
    %dma_start3A_153 = arith.constant 0 : i32
    %dma_start3A_154 = arith.constant 0 : i32
    %dma_start3A_155 = tpu.memref_slice %arg6[%dma_start3A_152, %dma_start3A_153, %dma_start3A_154] : memref<2x79x128xf32, #tpu.memory_space<vmem>> -> memref<1x79x128xf32, #tpu.memory_space<vmem>>
    %dma_start3A_156 = tpu.memref_squeeze %dma_start3A_155 : memref<1x79x128xf32, #tpu.memory_space<vmem>> -> memref<79x128xf32, #tpu.memory_space<vmem>>
    %dma_start3A_157 = arith.constant 0 : i32
    %dma_start3A_158 = tpu.memref_slice %arg2[%select_n3A_52, %add3A_134, %add3A_151, %dma_start3A_157] : memref<2x1250x8x128xf32, #tpu.memory_space<hbm>> -> memref<1x79x1x128xf32, #tpu.memory_space<hbm>>
    %dma_start3A_159 = tpu.memref_squeeze %dma_start3A_158 : memref<1x79x1x128xf32, #tpu.memory_space<hbm>> -> memref<79x128xf32, #tpu.memory_space<hbm>>
    %dma_start3A_160 = arith.constant 0 : i32
    %dma_start3A_161 = arith.constant 0 : i32
    %dma_start3A_162 = tpu.memref_slice %arg6[%dma_start3A_152, %dma_start3A_160, %dma_start3A_161] : memref<2x79x128xf32, #tpu.memory_space<vmem>> -> memref<1x79x128xf32, #tpu.memory_space<vmem>>
    %dma_start3A_163 = tpu.memref_squeeze %dma_start3A_162 : memref<1x79x128xf32, #tpu.memory_space<vmem>> -> memref<79x128xf32, #tpu.memory_space<vmem>>
    %dma_start3A_164 = arith.constant 0 : i32
    %dma_start3A_165 = tpu.memref_slice %arg2[%select_n3A_52, %add3A_134, %add3A_151, %dma_start3A_164] : memref<2x1250x8x128xf32, #tpu.memory_space<hbm>> -> memref<1x79x1x128xf32, #tpu.memory_space<hbm>>
    %dma_start3A_166 = tpu.memref_squeeze %dma_start3A_165 : memref<1x79x1x128xf32, #tpu.memory_space<hbm>> -> memref<79x128xf32, #tpu.memory_space<hbm>>
    tpu.enqueue_dma source(%dma_start3A_166 : memref<79x128xf32, #tpu.memory_space<hbm>>) target(%dma_start3A_163 : memref<79x128xf32, #tpu.memory_space<vmem>>) target_semaphore(%arg11 : memref<!tpu.dma_semaphore, #tpu.memory_space<semaphore_mem>>)
    %dma_start3A_167 = arith.constant 0 : i32
    %dma_start3A_168 = arith.constant 1 : i32
    %dma_start3A_169 = arith.constant 0 : i32
    %dma_start3A_170 = arith.constant 0 : i32
    %dma_start3A_171 = tpu.memref_slice %arg7[%dma_start3A_168, %dma_start3A_169, %dma_start3A_170] : memref<2x79x128xi32, #tpu.memory_space<vmem>> -> memref<1x79x128xi32, #tpu.memory_space<vmem>>
    %dma_start3A_172 = tpu.memref_squeeze %dma_start3A_171 : memref<1x79x128xi32, #tpu.memory_space<vmem>> -> memref<79x128xi32, #tpu.memory_space<vmem>>
    %dma_start3A_173 = arith.constant 0 : i32
    %dma_start3A_174 = tpu.memref_slice %arg3[%add3A_134, %dma_start3A_167, %dma_start3A_173] : memref<1250x2x128xi32, #tpu.memory_space<hbm>> -> memref<79x1x128xi32, #tpu.memory_space<hbm>>
    %dma_start3A_175 = tpu.memref_squeeze %dma_start3A_174 : memref<79x1x128xi32, #tpu.memory_space<hbm>> -> memref<79x128xi32, #tpu.memory_space<hbm>>
    %dma_start3A_176 = arith.constant 0 : i32
    %dma_start3A_177 = arith.constant 0 : i32
    %dma_start3A_178 = tpu.memref_slice %arg7[%dma_start3A_168, %dma_start3A_176, %dma_start3A_177] : memref<2x79x128xi32, #tpu.memory_space<vmem>> -> memref<1x79x128xi32, #tpu.memory_space<vmem>>
    %dma_start3A_179 = tpu.memref_squeeze %dma_start3A_178 : memref<1x79x128xi32, #tpu.memory_space<vmem>> -> memref<79x128xi32, #tpu.memory_space<vmem>>
    %dma_start3A_180 = arith.constant 0 : i32
    %dma_start3A_181 = tpu.memref_slice %arg3[%add3A_134, %dma_start3A_167, %dma_start3A_180] : memref<1250x2x128xi32, #tpu.memory_space<hbm>> -> memref<79x1x128xi32, #tpu.memory_space<hbm>>
    %dma_start3A_182 = tpu.memref_squeeze %dma_start3A_181 : memref<79x1x128xi32, #tpu.memory_space<hbm>> -> memref<79x128xi32, #tpu.memory_space<hbm>>
    tpu.enqueue_dma source(%dma_start3A_182 : memref<79x128xi32, #tpu.memory_space<hbm>>) target(%dma_start3A_179 : memref<79x128xi32, #tpu.memory_space<vmem>>) target_semaphore(%arg11 : memref<!tpu.dma_semaphore, #tpu.memory_space<semaphore_mem>>)
    %dma_wait3A = arith.constant 0 : i32
    %dma_wait3A_183 = arith.constant 0 : i32
    %dma_wait3A_184 = arith.constant 0 : i32
    %dma_wait3A_185 = tpu.memref_slice %arg5[%dma_wait3A, %dma_wait3A_183, %dma_wait3A_184] : memref<2x79x128xf32, #tpu.memory_space<vmem>> -> memref<1x79x128xf32, #tpu.memory_space<vmem>>
    %dma_wait3A_186 = tpu.memref_squeeze %dma_wait3A_185 : memref<1x79x128xf32, #tpu.memory_space<vmem>> -> memref<79x128xf32, #tpu.memory_space<vmem>>
    %dma_wait3A_187 = arith.constant 0 : i32
    %dma_wait3A_188 = tpu.memref_slice %arg2[%select_n3A_52, %add3A_80, %mul3A_69, %dma_wait3A_187] : memref<2x1250x8x128xf32, #tpu.memory_space<hbm>> -> memref<1x79x1x128xf32, #tpu.memory_space<hbm>>
    %dma_wait3A_189 = tpu.memref_squeeze %dma_wait3A_188 : memref<1x79x1x128xf32, #tpu.memory_space<hbm>> -> memref<79x128xf32, #tpu.memory_space<hbm>>
    %dma_wait3A_190 = arith.constant 0 : i32
    %dma_wait3A_191 = arith.constant 0 : i32
    %dma_wait3A_192 = tpu.memref_slice %arg5[%dma_wait3A, %dma_wait3A_190, %dma_wait3A_191] : memref<2x79x128xf32, #tpu.memory_space<vmem>> -> memref<1x79x128xf32, #tpu.memory_space<vmem>>
    %dma_wait3A_193 = tpu.memref_squeeze %dma_wait3A_192 : memref<1x79x128xf32, #tpu.memory_space<vmem>> -> memref<79x128xf32, #tpu.memory_space<vmem>>
    %dma_wait3A_194 = arith.constant 0 : i32
    %dma_wait3A_195 = tpu.memref_slice %arg2[%select_n3A_52, %add3A_80, %mul3A_69, %dma_wait3A_194] : memref<2x1250x8x128xf32, #tpu.memory_space<hbm>> -> memref<1x79x1x128xf32, #tpu.memory_space<hbm>>
    %dma_wait3A_196 = tpu.memref_squeeze %dma_wait3A_195 : memref<1x79x1x128xf32, #tpu.memory_space<hbm>> -> memref<79x128xf32, #tpu.memory_space<hbm>>
    tpu.wait_dma2 semaphore(%arg10 : memref<!tpu.dma_semaphore, #tpu.memory_space<semaphore_mem>>) src(%dma_wait3A_196 : memref<79x128xf32, #tpu.memory_space<hbm>>) dst(%dma_wait3A_193 : memref<79x128xf32, #tpu.memory_space<vmem>>)
    %dma_wait3A_197 = arith.constant 0 : i32
    %dma_wait3A_198 = arith.constant 0 : i32
    %dma_wait3A_199 = arith.constant 0 : i32
    %dma_wait3A_200 = tpu.memref_slice %arg6[%dma_wait3A_197, %dma_wait3A_198, %dma_wait3A_199] : memref<2x79x128xf32, #tpu.memory_space<vmem>> -> memref<1x79x128xf32, #tpu.memory_space<vmem>>
    %dma_wait3A_201 = tpu.memref_squeeze %dma_wait3A_200 : memref<1x79x128xf32, #tpu.memory_space<vmem>> -> memref<79x128xf32, #tpu.memory_space<vmem>>
    %dma_wait3A_202 = arith.constant 0 : i32
    %dma_wait3A_203 = tpu.memref_slice %arg2[%select_n3A_52, %add3A_80, %add3A_96, %dma_wait3A_202] : memref<2x1250x8x128xf32, #tpu.memory_space<hbm>> -> memref<1x79x1x128xf32, #tpu.memory_space<hbm>>
    %dma_wait3A_204 = tpu.memref_squeeze %dma_wait3A_203 : memref<1x79x1x128xf32, #tpu.memory_space<hbm>> -> memref<79x128xf32, #tpu.memory_space<hbm>>
    %dma_wait3A_205 = arith.constant 0 : i32
    %dma_wait3A_206 = arith.constant 0 : i32
    %dma_wait3A_207 = tpu.memref_slice %arg6[%dma_wait3A_197, %dma_wait3A_205, %dma_wait3A_206] : memref<2x79x128xf32, #tpu.memory_space<vmem>> -> memref<1x79x128xf32, #tpu.memory_space<vmem>>
    %dma_wait3A_208 = tpu.memref_squeeze %dma_wait3A_207 : memref<1x79x128xf32, #tpu.memory_space<vmem>> -> memref<79x128xf32, #tpu.memory_space<vmem>>
    %dma_wait3A_209 = arith.constant 0 : i32
    %dma_wait3A_210 = tpu.memref_slice %arg2[%select_n3A_52, %add3A_80, %add3A_96, %dma_wait3A_209] : memref<2x1250x8x128xf32, #tpu.memory_space<hbm>> -> memref<1x79x1x128xf32, #tpu.memory_space<hbm>>
    %dma_wait3A_211 = tpu.memref_squeeze %dma_wait3A_210 : memref<1x79x1x128xf32, #tpu.memory_space<hbm>> -> memref<79x128xf32, #tpu.memory_space<hbm>>
    tpu.wait_dma2 semaphore(%arg10 : memref<!tpu.dma_semaphore, #tpu.memory_space<semaphore_mem>>) src(%dma_wait3A_211 : memref<79x128xf32, #tpu.memory_space<hbm>>) dst(%dma_wait3A_208 : memref<79x128xf32, #tpu.memory_space<vmem>>)
    %dma_wait3A_212 = arith.constant 0 : i32
    %dma_wait3A_213 = arith.constant 0 : i32
    %dma_wait3A_214 = arith.constant 0 : i32
    %dma_wait3A_215 = arith.constant 0 : i32
    %dma_wait3A_216 = tpu.memref_slice %arg7[%dma_wait3A_213, %dma_wait3A_214, %dma_wait3A_215] : memref<2x79x128xi32, #tpu.memory_space<vmem>> -> memref<1x79x128xi32, #tpu.memory_space<vmem>>
    %dma_wait3A_217 = tpu.memref_squeeze %dma_wait3A_216 : memref<1x79x128xi32, #tpu.memory_space<vmem>> -> memref<79x128xi32, #tpu.memory_space<vmem>>
    %dma_wait3A_218 = arith.constant 0 : i32
    %dma_wait3A_219 = tpu.memref_slice %arg3[%add3A_80, %dma_wait3A_212, %dma_wait3A_218] : memref<1250x2x128xi32, #tpu.memory_space<hbm>> -> memref<79x1x128xi32, #tpu.memory_space<hbm>>
    %dma_wait3A_220 = tpu.memref_squeeze %dma_wait3A_219 : memref<79x1x128xi32, #tpu.memory_space<hbm>> -> memref<79x128xi32, #tpu.memory_space<hbm>>
    %dma_wait3A_221 = arith.constant 0 : i32
    %dma_wait3A_222 = arith.constant 0 : i32
    %dma_wait3A_223 = tpu.memref_slice %arg7[%dma_wait3A_213, %dma_wait3A_221, %dma_wait3A_222] : memref<2x79x128xi32, #tpu.memory_space<vmem>> -> memref<1x79x128xi32, #tpu.memory_space<vmem>>
    %dma_wait3A_224 = tpu.memref_squeeze %dma_wait3A_223 : memref<1x79x128xi32, #tpu.memory_space<vmem>> -> memref<79x128xi32, #tpu.memory_space<vmem>>
    %dma_wait3A_225 = arith.constant 0 : i32
    %dma_wait3A_226 = tpu.memref_slice %arg3[%add3A_80, %dma_wait3A_212, %dma_wait3A_225] : memref<1250x2x128xi32, #tpu.memory_space<hbm>> -> memref<79x1x128xi32, #tpu.memory_space<hbm>>
    %dma_wait3A_227 = tpu.memref_squeeze %dma_wait3A_226 : memref<79x1x128xi32, #tpu.memory_space<hbm>> -> memref<79x128xi32, #tpu.memory_space<hbm>>
    tpu.wait_dma2 semaphore(%arg10 : memref<!tpu.dma_semaphore, #tpu.memory_space<semaphore_mem>>) src(%dma_wait3A_227 : memref<79x128xi32, #tpu.memory_space<hbm>>) dst(%dma_wait3A_224 : memref<79x128xi32, #tpu.memory_space<vmem>>)
    %sub3A_228 = arith.constant 79 : i32
    %sub3A_229 = arith.subi %sub3A_71, %sub3A_228 : i32
    %sub3A_230 = arith.constant 0 : i32
    %sub3A_231 = arith.subi %sub3A_230, %sub3A_229 : i32
    %parallel_loop3A_232 = arith.constant 0 : i32
    %parallel_loop3A_233 = arith.constant 79 : i32
    %parallel_loop3A_234 = arith.constant 1 : i32
    scf.for %parallel_loop3A_502 = %parallel_loop3A_232 to %parallel_loop3A_233 step %parallel_loop3A_234  : i32 {
      %parallel_loop3A_503 = arith.constant 0 : i32
      %parallel_loop3A_504 = arith.index_cast %parallel_loop3A_503 : i32 to index
      %parallel_loop3A_505 = arith.index_cast %parallel_loop3A_502 : i32 to index
      %parallel_loop3A_506 = arith.constant 0 : index
      %parallel_loop3A_507 = tpu.vector_load %arg7[%parallel_loop3A_504, %parallel_loop3A_505, %parallel_loop3A_506] {strides = array<i32>} : memref<2x79x128xi32, #tpu.memory_space<vmem>>, vector<16xi32>,
      %parallel_loop3A_508 = arith.constant 0 : i32
      %parallel_loop3A_509 = arith.index_cast %parallel_loop3A_508 : i32 to index
      %parallel_loop3A_510 = arith.index_cast %parallel_loop3A_502 : i32 to index
      %parallel_loop3A_511 = arith.constant 0 : index
      %parallel_loop3A_512 = tpu.vector_load %arg5[%parallel_loop3A_509, %parallel_loop3A_510, %parallel_loop3A_511] {strides = array<i32>} : memref<2x79x128xf32, #tpu.memory_space<vmem>>, vector<16xf32>,
      %parallel_loop3A_513 = arith.constant 0 : i32
      %parallel_loop3A_514 = arith.index_cast %parallel_loop3A_513 : i32 to index
      %parallel_loop3A_515 = arith.index_cast %parallel_loop3A_502 : i32 to index
      %parallel_loop3A_516 = arith.constant 0 : index
      %parallel_loop3A_517 = tpu.vector_load %arg6[%parallel_loop3A_514, %parallel_loop3A_515, %parallel_loop3A_516] {strides = array<i32>} : memref<2x79x128xf32, #tpu.memory_space<vmem>>, vector<16xf32>,
      tpu.vector_store_idx %arg8[%parallel_loop3A_507], %parallel_loop3A_512 {add = true} : memref<10240xf32, #tpu.memory_space<vmem>>[vector<16xi32>], vector<16xf32>,
      tpu.vector_store_idx %arg9[%parallel_loop3A_507], %parallel_loop3A_517 {add = true} : memref<10240xf32, #tpu.memory_space<vmem>>[vector<16xi32>], vector<16xf32>,
      %parallel_loop3A_518 = arith.constant 0 : i32
      %parallel_loop3A_519 = arith.index_cast %parallel_loop3A_518 : i32 to index
      %parallel_loop3A_520 = arith.index_cast %parallel_loop3A_502 : i32 to index
      %parallel_loop3A_521 = arith.constant 16 : index
      %parallel_loop3A_522 = tpu.vector_load %arg7[%parallel_loop3A_519, %parallel_loop3A_520, %parallel_loop3A_521] {strides = array<i32>} : memref<2x79x128xi32, #tpu.memory_space<vmem>>, vector<16xi32>,
      %parallel_loop3A_523 = arith.constant 0 : i32
      %parallel_loop3A_524 = arith.index_cast %parallel_loop3A_523 : i32 to index
      %parallel_loop3A_525 = arith.index_cast %parallel_loop3A_502 : i32 to index
      %parallel_loop3A_526 = arith.constant 16 : index
      %parallel_loop3A_527 = tpu.vector_load %arg5[%parallel_loop3A_524, %parallel_loop3A_525, %parallel_loop3A_526] {strides = array<i32>} : memref<2x79x128xf32, #tpu.memory_space<vmem>>, vector<16xf32>,
      %parallel_loop3A_528 = arith.constant 0 : i32
      %parallel_loop3A_529 = arith.index_cast %parallel_loop3A_528 : i32 to index
      %parallel_loop3A_530 = arith.index_cast %parallel_loop3A_502 : i32 to index
      %parallel_loop3A_531 = arith.constant 16 : index
      %parallel_loop3A_532 = tpu.vector_load %arg6[%parallel_loop3A_529, %parallel_loop3A_530, %parallel_loop3A_531] {strides = array<i32>} : memref<2x79x128xf32, #tpu.memory_space<vmem>>, vector<16xf32>,
      tpu.vector_store_idx %arg8[%parallel_loop3A_522], %parallel_loop3A_527 {add = true} : memref<10240xf32, #tpu.memory_space<vmem>>[vector<16xi32>], vector<16xf32>,
      tpu.vector_store_idx %arg9[%parallel_loop3A_522], %parallel_loop3A_532 {add = true} : memref<10240xf32, #tpu.memory_space<vmem>>[vector<16xi32>], vector<16xf32>,
      %parallel_loop3A_533 = arith.constant 0 : i32
      %parallel_loop3A_534 = arith.index_cast %parallel_loop3A_533 : i32 to index
      %parallel_loop3A_535 = arith.index_cast %parallel_loop3A_502 : i32 to index
      %parallel_loop3A_536 = arith.constant 32 : index
      %parallel_loop3A_537 = tpu.vector_load %arg7[%parallel_loop3A_534, %parallel_loop3A_535, %parallel_loop3A_536] {strides = array<i32>} : memref<2x79x128xi32, #tpu.memory_space<vmem>>, vector<16xi32>,
      %parallel_loop3A_538 = arith.constant 0 : i32
      %parallel_loop3A_539 = arith.index_cast %parallel_loop3A_538 : i32 to index
      %parallel_loop3A_540 = arith.index_cast %parallel_loop3A_502 : i32 to index
      %parallel_loop3A_541 = arith.constant 32 : index
      %parallel_loop3A_542 = tpu.vector_load %arg5[%parallel_loop3A_539, %parallel_loop3A_540, %parallel_loop3A_541] {strides = array<i32>} : memref<2x79x128xf32, #tpu.memory_space<vmem>>, vector<16xf32>,
      %parallel_loop3A_543 = arith.constant 0 : i32
      %parallel_loop3A_544 = arith.index_cast %parallel_loop3A_543 : i32 to index
      %parallel_loop3A_545 = arith.index_cast %parallel_loop3A_502 : i32 to index
      %parallel_loop3A_546 = arith.constant 32 : index
      %parallel_loop3A_547 = tpu.vector_load %arg6[%parallel_loop3A_544, %parallel_loop3A_545, %parallel_loop3A_546] {strides = array<i32>} : memref<2x79x128xf32, #tpu.memory_space<vmem>>, vector<16xf32>,
      tpu.vector_store_idx %arg8[%parallel_loop3A_537], %parallel_loop3A_542 {add = true} : memref<10240xf32, #tpu.memory_space<vmem>>[vector<16xi32>], vector<16xf32>,
      tpu.vector_store_idx %arg9[%parallel_loop3A_537], %parallel_loop3A_547 {add = true} : memref<10240xf32, #tpu.memory_space<vmem>>[vector<16xi32>], vector<16xf32>,
      %parallel_loop3A_548 = arith.constant 0 : i32
      %parallel_loop3A_549 = arith.index_cast %parallel_loop3A_548 : i32 to index
      %parallel_loop3A_550 = arith.index_cast %parallel_loop3A_502 : i32 to index
      %parallel_loop3A_551 = arith.constant 48 : index
      %parallel_loop3A_552 = tpu.vector_load %arg7[%parallel_loop3A_549, %parallel_loop3A_550, %parallel_loop3A_551] {strides = array<i32>} : memref<2x79x128xi32, #tpu.memory_space<vmem>>, vector<16xi32>,
      %parallel_loop3A_553 = arith.constant 0 : i32
      %parallel_loop3A_554 = arith.index_cast %parallel_loop3A_553 : i32 to index
      %parallel_loop3A_555 = arith.index_cast %parallel_loop3A_502 : i32 to index
      %parallel_loop3A_556 = arith.constant 48 : index
      %parallel_loop3A_557 = tpu.vector_load %arg5[%parallel_loop3A_554, %parallel_loop3A_555, %parallel_loop3A_556] {strides = array<i32>} : memref<2x79x128xf32, #tpu.memory_space<vmem>>, vector<16xf32>,
      %parallel_loop3A_558 = arith.constant 0 : i32
      %parallel_loop3A_559 = arith.index_cast %parallel_loop3A_558 : i32 to index
      %parallel_loop3A_560 = arith.index_cast %parallel_loop3A_502 : i32 to index
      %parallel_loop3A_561 = arith.constant 48 : index
      %parallel_loop3A_562 = tpu.vector_load %arg6[%parallel_loop3A_559, %parallel_loop3A_560, %parallel_loop3A_561] {strides = array<i32>} : memref<2x79x128xf32, #tpu.memory_space<vmem>>, vector<16xf32>,
      tpu.vector_store_idx %arg8[%parallel_loop3A_552], %parallel_loop3A_557 {add = true} : memref<10240xf32, #tpu.memory_space<vmem>>[vector<16xi32>], vector<16xf32>,
      tpu.vector_store_idx %arg9[%parallel_loop3A_552], %parallel_loop3A_562 {add = true} : memref<10240xf32, #tpu.memory_space<vmem>>[vector<16xi32>], vector<16xf32>,
      %parallel_loop3A_563 = arith.constant 0 : i32
      %parallel_loop3A_564 = arith.index_cast %parallel_loop3A_563 : i32 to index
      %parallel_loop3A_565 = arith.index_cast %parallel_loop3A_502 : i32 to index
      %parallel_loop3A_566 = arith.constant 64 : index
      %parallel_loop3A_567 = tpu.vector_load %arg7[%parallel_loop3A_564, %parallel_loop3A_565, %parallel_loop3A_566] {strides = array<i32>} : memref<2x79x128xi32, #tpu.memory_space<vmem>>, vector<16xi32>,
      %parallel_loop3A_568 = arith.constant 0 : i32
      %parallel_loop3A_569 = arith.index_cast %parallel_loop3A_568 : i32 to index
      %parallel_loop3A_570 = arith.index_cast %parallel_loop3A_502 : i32 to index
      %parallel_loop3A_571 = arith.constant 64 : index
      %parallel_loop3A_572 = tpu.vector_load %arg5[%parallel_loop3A_569, %parallel_loop3A_570, %parallel_loop3A_571] {strides = array<i32>} : memref<2x79x128xf32, #tpu.memory_space<vmem>>, vector<16xf32>,
      %parallel_loop3A_573 = arith.constant 0 : i32
      %parallel_loop3A_574 = arith.index_cast %parallel_loop3A_573 : i32 to index
      %parallel_loop3A_575 = arith.index_cast %parallel_loop3A_502 : i32 to index
      %parallel_loop3A_576 = arith.constant 64 : index
      %parallel_loop3A_577 = tpu.vector_load %arg6[%parallel_loop3A_574, %parallel_loop3A_575, %parallel_loop3A_576] {strides = array<i32>} : memref<2x79x128xf32, #tpu.memory_space<vmem>>, vector<16xf32>,
      tpu.vector_store_idx %arg8[%parallel_loop3A_567], %parallel_loop3A_572 {add = true} : memref<10240xf32, #tpu.memory_space<vmem>>[vector<16xi32>], vector<16xf32>,
      tpu.vector_store_idx %arg9[%parallel_loop3A_567], %parallel_loop3A_577 {add = true} : memref<10240xf32, #tpu.memory_space<vmem>>[vector<16xi32>], vector<16xf32>,
      %parallel_loop3A_578 = arith.constant 0 : i32
      %parallel_loop3A_579 = arith.index_cast %parallel_loop3A_578 : i32 to index
      %parallel_loop3A_580 = arith.index_cast %parallel_loop3A_502 : i32 to index
      %parallel_loop3A_581 = arith.constant 80 : index
      %parallel_loop3A_582 = tpu.vector_load %arg7[%parallel_loop3A_579, %parallel_loop3A_580, %parallel_loop3A_581] {strides = array<i32>} : memref<2x79x128xi32, #tpu.memory_space<vmem>>, vector<16xi32>,
      %parallel_loop3A_583 = arith.constant 0 : i32
      %parallel_loop3A_584 = arith.index_cast %parallel_loop3A_583 : i32 to index
      %parallel_loop3A_585 = arith.index_cast %parallel_loop3A_502 : i32 to index
      %parallel_loop3A_586 = arith.constant 80 : index
      %parallel_loop3A_587 = tpu.vector_load %arg5[%parallel_loop3A_584, %parallel_loop3A_585, %parallel_loop3A_586] {strides = array<i32>} : memref<2x79x128xf32, #tpu.memory_space<vmem>>, vector<16xf32>,
      %parallel_loop3A_588 = arith.constant 0 : i32
      %parallel_loop3A_589 = arith.index_cast %parallel_loop3A_588 : i32 to index
      %parallel_loop3A_590 = arith.index_cast %parallel_loop3A_502 : i32 to index
      %parallel_loop3A_591 = arith.constant 80 : index
      %parallel_loop3A_592 = tpu.vector_load %arg6[%parallel_loop3A_589, %parallel_loop3A_590, %parallel_loop3A_591] {strides = array<i32>} : memref<2x79x128xf32, #tpu.memory_space<vmem>>, vector<16xf32>,
      tpu.vector_store_idx %arg8[%parallel_loop3A_582], %parallel_loop3A_587 {add = true} : memref<10240xf32, #tpu.memory_space<vmem>>[vector<16xi32>], vector<16xf32>,
      tpu.vector_store_idx %arg9[%parallel_loop3A_582], %parallel_loop3A_592 {add = true} : memref<10240xf32, #tpu.memory_space<vmem>>[vector<16xi32>], vector<16xf32>,
      %parallel_loop3A_593 = arith.constant 0 : i32
      %parallel_loop3A_594 = arith.index_cast %parallel_loop3A_593 : i32 to index
      %parallel_loop3A_595 = arith.index_cast %parallel_loop3A_502 : i32 to index
      %parallel_loop3A_596 = arith.constant 96 : index
      %parallel_loop3A_597 = tpu.vector_load %arg7[%parallel_loop3A_594, %parallel_loop3A_595, %parallel_loop3A_596] {strides = array<i32>} : memref<2x79x128xi32, #tpu.memory_space<vmem>>, vector<16xi32>,
      %parallel_loop3A_598 = arith.constant 0 : i32
      %parallel_loop3A_599 = arith.index_cast %parallel_loop3A_598 : i32 to index
      %parallel_loop3A_600 = arith.index_cast %parallel_loop3A_502 : i32 to index
      %parallel_loop3A_601 = arith.constant 96 : index
      %parallel_loop3A_602 = tpu.vector_load %arg5[%parallel_loop3A_599, %parallel_loop3A_600, %parallel_loop3A_601] {strides = array<i32>} : memref<2x79x128xf32, #tpu.memory_space<vmem>>, vector<16xf32>,
      %parallel_loop3A_603 = arith.constant 0 : i32
      %parallel_loop3A_604 = arith.index_cast %parallel_loop3A_603 : i32 to index
      %parallel_loop3A_605 = arith.index_cast %parallel_loop3A_502 : i32 to index
      %parallel_loop3A_606 = arith.constant 96 : index
      %parallel_loop3A_607 = tpu.vector_load %arg6[%parallel_loop3A_604, %parallel_loop3A_605, %parallel_loop3A_606] {strides = array<i32>} : memref<2x79x128xf32, #tpu.memory_space<vmem>>, vector<16xf32>,
      tpu.vector_store_idx %arg8[%parallel_loop3A_597], %parallel_loop3A_602 {add = true} : memref<10240xf32, #tpu.memory_space<vmem>>[vector<16xi32>], vector<16xf32>,
      tpu.vector_store_idx %arg9[%parallel_loop3A_597], %parallel_loop3A_607 {add = true} : memref<10240xf32, #tpu.memory_space<vmem>>[vector<16xi32>], vector<16xf32>,
      %parallel_loop3A_608 = arith.constant 0 : i32
      %parallel_loop3A_609 = arith.index_cast %parallel_loop3A_608 : i32 to index
      %parallel_loop3A_610 = arith.index_cast %parallel_loop3A_502 : i32 to index
      %parallel_loop3A_611 = arith.constant 112 : index
      %parallel_loop3A_612 = tpu.vector_load %arg7[%parallel_loop3A_609, %parallel_loop3A_610, %parallel_loop3A_611] {strides = array<i32>} : memref<2x79x128xi32, #tpu.memory_space<vmem>>, vector<16xi32>,
      %parallel_loop3A_613 = arith.constant 0 : i32
      %parallel_loop3A_614 = arith.index_cast %parallel_loop3A_613 : i32 to index
      %parallel_loop3A_615 = arith.index_cast %parallel_loop3A_502 : i32 to index
      %parallel_loop3A_616 = arith.constant 112 : index
      %parallel_loop3A_617 = tpu.vector_load %arg5[%parallel_loop3A_614, %parallel_loop3A_615, %parallel_loop3A_616] {strides = array<i32>} : memref<2x79x128xf32, #tpu.memory_space<vmem>>, vector<16xf32>,
      %parallel_loop3A_618 = arith.constant 0 : i32
      %parallel_loop3A_619 = arith.index_cast %parallel_loop3A_618 : i32 to index
      %parallel_loop3A_620 = arith.index_cast %parallel_loop3A_502 : i32 to index
      %parallel_loop3A_621 = arith.constant 112 : index
      %parallel_loop3A_622 = tpu.vector_load %arg6[%parallel_loop3A_619, %parallel_loop3A_620, %parallel_loop3A_621] {strides = array<i32>} : memref<2x79x128xf32, #tpu.memory_space<vmem>>, vector<16xf32>,
      tpu.vector_store_idx %arg8[%parallel_loop3A_612], %parallel_loop3A_617 {add = true} : memref<10240xf32, #tpu.memory_space<vmem>>[vector<16xi32>], vector<16xf32>,
      tpu.vector_store_idx %arg9[%parallel_loop3A_612], %parallel_loop3A_622 {add = true} : memref<10240xf32, #tpu.memory_space<vmem>>[vector<16xi32>], vector<16xf32>,
    } {sc.loop_unroll_factor = 4 : i64, sc.parallel_access}
    %sub3A_235 = arith.constant 79 : i32
    %sub3A_236 = arith.subi %sub3A_71, %sub3A_235 : i32
    %min3A_237 = arith.constant 158 : i32
    %min3A_238 = arith.minsi %min3A_237, %sub3A_236 : i32
    %add3A_239 = arith.addi %add3A_76, %min3A_238 : i32
    %dma_start3A_240 = arith.constant 0 : i32
    %dma_start3A_241 = arith.constant 0 : i32
    %dma_start3A_242 = arith.constant 0 : i32
    %dma_start3A_243 = tpu.memref_slice %arg5[%dma_start3A_240, %dma_start3A_241, %dma_start3A_242] : memref<2x79x128xf32, #tpu.memory_space<vmem>> -> memref<1x79x128xf32, #tpu.memory_space<vmem>>
    %dma_start3A_244 = tpu.memref_squeeze %dma_start3A_243 : memref<1x79x128xf32, #tpu.memory_space<vmem>> -> memref<79x128xf32, #tpu.memory_space<vmem>>
    %dma_start3A_245 = arith.constant 0 : i32
    %dma_start3A_246 = tpu.memref_slice %arg2[%select_n3A_52, %add3A_239, %mul3A_69, %dma_start3A_245] : memref<2x1250x8x128xf32, #tpu.memory_space<hbm>> -> memref<1x79x1x128xf32, #tpu.memory_space<hbm>>
    %dma_start3A_247 = tpu.memref_squeeze %dma_start3A_246 : memref<1x79x1x128xf32, #tpu.memory_space<hbm>> -> memref<79x128xf32, #tpu.memory_space<hbm>>
    %dma_start3A_248 = arith.constant 0 : i32
    %dma_start3A_249 = arith.constant 0 : i32
    %dma_start3A_250 = tpu.memref_slice %arg5[%dma_start3A_240, %dma_start3A_248, %dma_start3A_249] : memref<2x79x128xf32, #tpu.memory_space<vmem>> -> memref<1x79x128xf32, #tpu.memory_space<vmem>>
    %dma_start3A_251 = tpu.memref_squeeze %dma_start3A_250 : memref<1x79x128xf32, #tpu.memory_space<vmem>> -> memref<79x128xf32, #tpu.memory_space<vmem>>
    %dma_start3A_252 = arith.constant 0 : i32
    %dma_start3A_253 = tpu.memref_slice %arg2[%select_n3A_52, %add3A_239, %mul3A_69, %dma_start3A_252] : memref<2x1250x8x128xf32, #tpu.memory_space<hbm>> -> memref<1x79x1x128xf32, #tpu.memory_space<hbm>>
    %dma_start3A_254 = tpu.memref_squeeze %dma_start3A_253 : memref<1x79x1x128xf32, #tpu.memory_space<hbm>> -> memref<79x128xf32, #tpu.memory_space<hbm>>
    tpu.enqueue_dma source(%dma_start3A_254 : memref<79x128xf32, #tpu.memory_space<hbm>>) target(%dma_start3A_251 : memref<79x128xf32, #tpu.memory_space<vmem>>) target_semaphore(%arg10 : memref<!tpu.dma_semaphore, #tpu.memory_space<semaphore_mem>>)
    %add3A_255 = arith.constant 1 : i32
    %add3A_256 = arith.addi %mul3A_69, %add3A_255 : i32
    %dma_start3A_257 = arith.constant 0 : i32
    %dma_start3A_258 = arith.constant 0 : i32
    %dma_start3A_259 = arith.constant 0 : i32
    %dma_start3A_260 = tpu.memref_slice %arg6[%dma_start3A_257, %dma_start3A_258, %dma_start3A_259] : memref<2x79x128xf32, #tpu.memory_space<vmem>> -> memref<1x79x128xf32, #tpu.memory_space<vmem>>
    %dma_start3A_261 = tpu.memref_squeeze %dma_start3A_260 : memref<1x79x128xf32, #tpu.memory_space<vmem>> -> memref<79x128xf32, #tpu.memory_space<vmem>>
    %dma_start3A_262 = arith.constant 0 : i32
    %dma_start3A_263 = tpu.memref_slice %arg2[%select_n3A_52, %add3A_239, %add3A_256, %dma_start3A_262] : memref<2x1250x8x128xf32, #tpu.memory_space<hbm>> -> memref<1x79x1x128xf32, #tpu.memory_space<hbm>>
    %dma_start3A_264 = tpu.memref_squeeze %dma_start3A_263 : memref<1x79x1x128xf32, #tpu.memory_space<hbm>> -> memref<79x128xf32, #tpu.memory_space<hbm>>
    %dma_start3A_265 = arith.constant 0 : i32
    %dma_start3A_266 = arith.constant 0 : i32
    %dma_start3A_267 = tpu.memref_slice %arg6[%dma_start3A_257, %dma_start3A_265, %dma_start3A_266] : memref<2x79x128xf32, #tpu.memory_space<vmem>> -> memref<1x79x128xf32, #tpu.memory_space<vmem>>
    %dma_start3A_268 = tpu.memref_squeeze %dma_start3A_267 : memref<1x79x128xf32, #tpu.memory_space<vmem>> -> memref<79x128xf32, #tpu.memory_space<vmem>>
    %dma_start3A_269 = arith.constant 0 : i32
    %dma_start3A_270 = tpu.memref_slice %arg2[%select_n3A_52, %add3A_239, %add3A_256, %dma_start3A_269] : memref<2x1250x8x128xf32, #tpu.memory_space<hbm>> -> memref<1x79x1x128xf32, #tpu.memory_space<hbm>>
    %dma_start3A_271 = tpu.memref_squeeze %dma_start3A_270 : memref<1x79x1x128xf32, #tpu.memory_space<hbm>> -> memref<79x128xf32, #tpu.memory_space<hbm>>
    tpu.enqueue_dma source(%dma_start3A_271 : memref<79x128xf32, #tpu.memory_space<hbm>>) target(%dma_start3A_268 : memref<79x128xf32, #tpu.memory_space<vmem>>) target_semaphore(%arg10 : memref<!tpu.dma_semaphore, #tpu.memory_space<semaphore_mem>>)
    %dma_start3A_272 = arith.constant 0 : i32
    %dma_start3A_273 = arith.constant 0 : i32
    %dma_start3A_274 = arith.constant 0 : i32
    %dma_start3A_275 = arith.constant 0 : i32
    %dma_start3A_276 = tpu.memref_slice %arg7[%dma_start3A_273, %dma_start3A_274, %dma_start3A_275] : memref<2x79x128xi32, #tpu.memory_space<vmem>> -> memref<1x79x128xi32, #tpu.memory_space<vmem>>
    %dma_start3A_277 = tpu.memref_squeeze %dma_start3A_276 : memref<1x79x128xi32, #tpu.memory_space<vmem>> -> memref<79x128xi32, #tpu.memory_space<vmem>>
    %dma_start3A_278 = arith.constant 0 : i32
    %dma_start3A_279 = tpu.memref_slice %arg3[%add3A_239, %dma_start3A_272, %dma_start3A_278] : memref<1250x2x128xi32, #tpu.memory_space<hbm>> -> memref<79x1x128xi32, #tpu.memory_space<hbm>>
    %dma_start3A_280 = tpu.memref_squeeze %dma_start3A_279 : memref<79x1x128xi32, #tpu.memory_space<hbm>> -> memref<79x128xi32, #tpu.memory_space<hbm>>
    %dma_start3A_281 = arith.constant 0 : i32
    %dma_start3A_282 = arith.constant 0 : i32
    %dma_start3A_283 = tpu.memref_slice %arg7[%dma_start3A_273, %dma_start3A_281, %dma_start3A_282] : memref<2x79x128xi32, #tpu.memory_space<vmem>> -> memref<1x79x128xi32, #tpu.memory_space<vmem>>
    %dma_start3A_284 = tpu.memref_squeeze %dma_start3A_283 : memref<1x79x128xi32, #tpu.memory_space<vmem>> -> memref<79x128xi32, #tpu.memory_space<vmem>>
    %dma_start3A_285 = arith.constant 0 : i32
    %dma_start3A_286 = tpu.memref_slice %arg3[%add3A_239, %dma_start3A_272, %dma_start3A_285] : memref<1250x2x128xi32, #tpu.memory_space<hbm>> -> memref<79x1x128xi32, #tpu.memory_space<hbm>>
    %dma_start3A_287 = tpu.memref_squeeze %dma_start3A_286 : memref<79x1x128xi32, #tpu.memory_space<hbm>> -> memref<79x128xi32, #tpu.memory_space<hbm>>
    tpu.enqueue_dma source(%dma_start3A_287 : memref<79x128xi32, #tpu.memory_space<hbm>>) target(%dma_start3A_284 : memref<79x128xi32, #tpu.memory_space<vmem>>) target_semaphore(%arg10 : memref<!tpu.dma_semaphore, #tpu.memory_space<semaphore_mem>>)
    %dma_wait3A_288 = arith.constant 1 : i32
    %dma_wait3A_289 = arith.constant 0 : i32
    %dma_wait3A_290 = arith.constant 0 : i32
    %dma_wait3A_291 = tpu.memref_slice %arg5[%dma_wait3A_288, %dma_wait3A_289, %dma_wait3A_290] : memref<2x79x128xf32, #tpu.memory_space<vmem>> -> memref<1x79x128xf32, #tpu.memory_space<vmem>>
    %dma_wait3A_292 = tpu.memref_squeeze %dma_wait3A_291 : memref<1x79x128xf32, #tpu.memory_space<vmem>> -> memref<79x128xf32, #tpu.memory_space<vmem>>
    %dma_wait3A_293 = arith.constant 0 : i32
    %dma_wait3A_294 = tpu.memref_slice %arg2[%select_n3A_52, %add3A_134, %mul3A_69, %dma_wait3A_293] : memref<2x1250x8x128xf32, #tpu.memory_space<hbm>> -> memref<1x79x1x128xf32, #tpu.memory_space<hbm>>
    %dma_wait3A_295 = tpu.memref_squeeze %dma_wait3A_294 : memref<1x79x1x128xf32, #tpu.memory_space<hbm>> -> memref<79x128xf32, #tpu.memory_space<hbm>>
    %dma_wait3A_296 = arith.constant 0 : i32
    %dma_wait3A_297 = arith.constant 0 : i32
    %dma_wait3A_298 = tpu.memref_slice %arg5[%dma_wait3A_288, %dma_wait3A_296, %dma_wait3A_297] : memref<2x79x128xf32, #tpu.memory_space<vmem>> -> memref<1x79x128xf32, #tpu.memory_space<vmem>>
    %dma_wait3A_299 = tpu.memref_squeeze %dma_wait3A_298 : memref<1x79x128xf32, #tpu.memory_space<vmem>> -> memref<79x128xf32, #tpu.memory_space<vmem>>
    %dma_wait3A_300 = arith.constant 0 : i32
    %dma_wait3A_301 = tpu.memref_slice %arg2[%select_n3A_52, %add3A_134, %mul3A_69, %dma_wait3A_300] : memref<2x1250x8x128xf32, #tpu.memory_space<hbm>> -> memref<1x79x1x128xf32, #tpu.memory_space<hbm>>
    %dma_wait3A_302 = tpu.memref_squeeze %dma_wait3A_301 : memref<1x79x1x128xf32, #tpu.memory_space<hbm>> -> memref<79x128xf32, #tpu.memory_space<hbm>>
    tpu.wait_dma2 semaphore(%arg11 : memref<!tpu.dma_semaphore, #tpu.memory_space<semaphore_mem>>) src(%dma_wait3A_302 : memref<79x128xf32, #tpu.memory_space<hbm>>) dst(%dma_wait3A_299 : memref<79x128xf32, #tpu.memory_space<vmem>>)
    %dma_wait3A_303 = arith.constant 1 : i32
    %dma_wait3A_304 = arith.constant 0 : i32
    %dma_wait3A_305 = arith.constant 0 : i32
    %dma_wait3A_306 = tpu.memref_slice %arg6[%dma_wait3A_303, %dma_wait3A_304, %dma_wait3A_305] : memref<2x79x128xf32, #tpu.memory_space<vmem>> -> memref<1x79x128xf32, #tpu.memory_space<vmem>>
    %dma_wait3A_307 = tpu.memref_squeeze %dma_wait3A_306 : memref<1x79x128xf32, #tpu.memory_space<vmem>> -> memref<79x128xf32, #tpu.memory_space<vmem>>
    %dma_wait3A_308 = arith.constant 0 : i32
    %dma_wait3A_309 = tpu.memref_slice %arg2[%select_n3A_52, %add3A_134, %add3A_151, %dma_wait3A_308] : memref<2x1250x8x128xf32, #tpu.memory_space<hbm>> -> memref<1x79x1x128xf32, #tpu.memory_space<hbm>>
    %dma_wait3A_310 = tpu.memref_squeeze %dma_wait3A_309 : memref<1x79x1x128xf32, #tpu.memory_space<hbm>> -> memref<79x128xf32, #tpu.memory_space<hbm>>
    %dma_wait3A_311 = arith.constant 0 : i32
    %dma_wait3A_312 = arith.constant 0 : i32
    %dma_wait3A_313 = tpu.memref_slice %arg6[%dma_wait3A_303, %dma_wait3A_311, %dma_wait3A_312] : memref<2x79x128xf32, #tpu.memory_space<vmem>> -> memref<1x79x128xf32, #tpu.memory_space<vmem>>
    %dma_wait3A_314 = tpu.memref_squeeze %dma_wait3A_313 : memref<1x79x128xf32, #tpu.memory_space<vmem>> -> memref<79x128xf32, #tpu.memory_space<vmem>>
    %dma_wait3A_315 = arith.constant 0 : i32
    %dma_wait3A_316 = tpu.memref_slice %arg2[%select_n3A_52, %add3A_134, %add3A_151, %dma_wait3A_315] : memref<2x1250x8x128xf32, #tpu.memory_space<hbm>> -> memref<1x79x1x128xf32, #tpu.memory_space<hbm>>
    %dma_wait3A_317 = tpu.memref_squeeze %dma_wait3A_316 : memref<1x79x1x128xf32, #tpu.memory_space<hbm>> -> memref<79x128xf32, #tpu.memory_space<hbm>>
    tpu.wait_dma2 semaphore(%arg11 : memref<!tpu.dma_semaphore, #tpu.memory_space<semaphore_mem>>) src(%dma_wait3A_317 : memref<79x128xf32, #tpu.memory_space<hbm>>) dst(%dma_wait3A_314 : memref<79x128xf32, #tpu.memory_space<vmem>>)
    %dma_wait3A_318 = arith.constant 0 : i32
    %dma_wait3A_319 = arith.constant 1 : i32
    %dma_wait3A_320 = arith.constant 0 : i32
    %dma_wait3A_321 = arith.constant 0 : i32
    %dma_wait3A_322 = tpu.memref_slice %arg7[%dma_wait3A_319, %dma_wait3A_320, %dma_wait3A_321] : memref<2x79x128xi32, #tpu.memory_space<vmem>> -> memref<1x79x128xi32, #tpu.memory_space<vmem>>
    %dma_wait3A_323 = tpu.memref_squeeze %dma_wait3A_322 : memref<1x79x128xi32, #tpu.memory_space<vmem>> -> memref<79x128xi32, #tpu.memory_space<vmem>>
    %dma_wait3A_324 = arith.constant 0 : i32
    %dma_wait3A_325 = tpu.memref_slice %arg3[%add3A_134, %dma_wait3A_318, %dma_wait3A_324] : memref<1250x2x128xi32, #tpu.memory_space<hbm>> -> memref<79x1x128xi32, #tpu.memory_space<hbm>>
    %dma_wait3A_326 = tpu.memref_squeeze %dma_wait3A_325 : memref<79x1x128xi32, #tpu.memory_space<hbm>> -> memref<79x128xi32, #tpu.memory_space<hbm>>
    %dma_wait3A_327 = arith.constant 0 : i32
    %dma_wait3A_328 = arith.constant 0 : i32
    %dma_wait3A_329 = tpu.memref_slice %arg7[%dma_wait3A_319, %dma_wait3A_327, %dma_wait3A_328] : memref<2x79x128xi32, #tpu.memory_space<vmem>> -> memref<1x79x128xi32, #tpu.memory_space<vmem>>
    %dma_wait3A_330 = tpu.memref_squeeze %dma_wait3A_329 : memref<1x79x128xi32, #tpu.memory_space<vmem>> -> memref<79x128xi32, #tpu.memory_space<vmem>>
    %dma_wait3A_331 = arith.constant 0 : i32
    %dma_wait3A_332 = tpu.memref_slice %arg3[%add3A_134, %dma_wait3A_318, %dma_wait3A_331] : memref<1250x2x128xi32, #tpu.memory_space<hbm>> -> memref<79x1x128xi32, #tpu.memory_space<hbm>>
    %dma_wait3A_333 = tpu.memref_squeeze %dma_wait3A_332 : memref<79x1x128xi32, #tpu.memory_space<hbm>> -> memref<79x128xi32, #tpu.memory_space<hbm>>
    tpu.wait_dma2 semaphore(%arg11 : memref<!tpu.dma_semaphore, #tpu.memory_space<semaphore_mem>>) src(%dma_wait3A_333 : memref<79x128xi32, #tpu.memory_space<hbm>>) dst(%dma_wait3A_330 : memref<79x128xi32, #tpu.memory_space<vmem>>)
    %sub3A_334 = arith.constant 79 : i32
    %sub3A_335 = arith.subi %sub3A_71, %sub3A_334 : i32
    %sub3A_336 = arith.constant 79 : i32
    %sub3A_337 = arith.subi %sub3A_336, %sub3A_335 : i32
    %parallel_loop3A_338 = arith.constant 0 : i32
    %parallel_loop3A_339 = arith.constant 79 : i32
    %parallel_loop3A_340 = arith.constant 1 : i32
    scf.for %parallel_loop3A_502 = %parallel_loop3A_338 to %parallel_loop3A_339 step %parallel_loop3A_340  : i32 {
      %parallel_loop3A_503 = arith.constant 1 : i32
      %parallel_loop3A_504 = arith.index_cast %parallel_loop3A_503 : i32 to index
      %parallel_loop3A_505 = arith.index_cast %parallel_loop3A_502 : i32 to index
      %parallel_loop3A_506 = arith.constant 0 : index
      %parallel_loop3A_507 = tpu.vector_load %arg7[%parallel_loop3A_504, %parallel_loop3A_505, %parallel_loop3A_506] {strides = array<i32>} : memref<2x79x128xi32, #tpu.memory_space<vmem>>, vector<16xi32>,
      %parallel_loop3A_508 = arith.constant 1 : i32
      %parallel_loop3A_509 = arith.index_cast %parallel_loop3A_508 : i32 to index
      %parallel_loop3A_510 = arith.index_cast %parallel_loop3A_502 : i32 to index
      %parallel_loop3A_511 = arith.constant 0 : index
      %parallel_loop3A_512 = tpu.vector_load %arg5[%parallel_loop3A_509, %parallel_loop3A_510, %parallel_loop3A_511] {strides = array<i32>} : memref<2x79x128xf32, #tpu.memory_space<vmem>>, vector<16xf32>,
      %parallel_loop3A_513 = arith.constant 1 : i32
      %parallel_loop3A_514 = arith.index_cast %parallel_loop3A_513 : i32 to index
      %parallel_loop3A_515 = arith.index_cast %parallel_loop3A_502 : i32 to index
      %parallel_loop3A_516 = arith.constant 0 : index
      %parallel_loop3A_517 = tpu.vector_load %arg6[%parallel_loop3A_514, %parallel_loop3A_515, %parallel_loop3A_516] {strides = array<i32>} : memref<2x79x128xf32, #tpu.memory_space<vmem>>, vector<16xf32>,
      tpu.vector_store_idx %arg8[%parallel_loop3A_507], %parallel_loop3A_512 {add = true} : memref<10240xf32, #tpu.memory_space<vmem>>[vector<16xi32>], vector<16xf32>,
      tpu.vector_store_idx %arg9[%parallel_loop3A_507], %parallel_loop3A_517 {add = true} : memref<10240xf32, #tpu.memory_space<vmem>>[vector<16xi32>], vector<16xf32>,
      %parallel_loop3A_518 = arith.constant 1 : i32
      %parallel_loop3A_519 = arith.index_cast %parallel_loop3A_518 : i32 to index
      %parallel_loop3A_520 = arith.index_cast %parallel_loop3A_502 : i32 to index
      %parallel_loop3A_521 = arith.constant 16 : index
      %parallel_loop3A_522 = tpu.vector_load %arg7[%parallel_loop3A_519, %parallel_loop3A_520, %parallel_loop3A_521] {strides = array<i32>} : memref<2x79x128xi32, #tpu.memory_space<vmem>>, vector<16xi32>,
      %parallel_loop3A_523 = arith.constant 1 : i32
      %parallel_loop3A_524 = arith.index_cast %parallel_loop3A_523 : i32 to index
      %parallel_loop3A_525 = arith.index_cast %parallel_loop3A_502 : i32 to index
      %parallel_loop3A_526 = arith.constant 16 : index
      %parallel_loop3A_527 = tpu.vector_load %arg5[%parallel_loop3A_524, %parallel_loop3A_525, %parallel_loop3A_526] {strides = array<i32>} : memref<2x79x128xf32, #tpu.memory_space<vmem>>, vector<16xf32>,
      %parallel_loop3A_528 = arith.constant 1 : i32
      %parallel_loop3A_529 = arith.index_cast %parallel_loop3A_528 : i32 to index
      %parallel_loop3A_530 = arith.index_cast %parallel_loop3A_502 : i32 to index
      %parallel_loop3A_531 = arith.constant 16 : index
      %parallel_loop3A_532 = tpu.vector_load %arg6[%parallel_loop3A_529, %parallel_loop3A_530, %parallel_loop3A_531] {strides = array<i32>} : memref<2x79x128xf32, #tpu.memory_space<vmem>>, vector<16xf32>,
      tpu.vector_store_idx %arg8[%parallel_loop3A_522], %parallel_loop3A_527 {add = true} : memref<10240xf32, #tpu.memory_space<vmem>>[vector<16xi32>], vector<16xf32>,
      tpu.vector_store_idx %arg9[%parallel_loop3A_522], %parallel_loop3A_532 {add = true} : memref<10240xf32, #tpu.memory_space<vmem>>[vector<16xi32>], vector<16xf32>,
      %parallel_loop3A_533 = arith.constant 1 : i32
      %parallel_loop3A_534 = arith.index_cast %parallel_loop3A_533 : i32 to index
      %parallel_loop3A_535 = arith.index_cast %parallel_loop3A_502 : i32 to index
      %parallel_loop3A_536 = arith.constant 32 : index
      %parallel_loop3A_537 = tpu.vector_load %arg7[%parallel_loop3A_534, %parallel_loop3A_535, %parallel_loop3A_536] {strides = array<i32>} : memref<2x79x128xi32, #tpu.memory_space<vmem>>, vector<16xi32>,
      %parallel_loop3A_538 = arith.constant 1 : i32
      %parallel_loop3A_539 = arith.index_cast %parallel_loop3A_538 : i32 to index
      %parallel_loop3A_540 = arith.index_cast %parallel_loop3A_502 : i32 to index
      %parallel_loop3A_541 = arith.constant 32 : index
      %parallel_loop3A_542 = tpu.vector_load %arg5[%parallel_loop3A_539, %parallel_loop3A_540, %parallel_loop3A_541] {strides = array<i32>} : memref<2x79x128xf32, #tpu.memory_space<vmem>>, vector<16xf32>,
      %parallel_loop3A_543 = arith.constant 1 : i32
      %parallel_loop3A_544 = arith.index_cast %parallel_loop3A_543 : i32 to index
      %parallel_loop3A_545 = arith.index_cast %parallel_loop3A_502 : i32 to index
      %parallel_loop3A_546 = arith.constant 32 : index
      %parallel_loop3A_547 = tpu.vector_load %arg6[%parallel_loop3A_544, %parallel_loop3A_545, %parallel_loop3A_546] {strides = array<i32>} : memref<2x79x128xf32, #tpu.memory_space<vmem>>, vector<16xf32>,
      tpu.vector_store_idx %arg8[%parallel_loop3A_537], %parallel_loop3A_542 {add = true} : memref<10240xf32, #tpu.memory_space<vmem>>[vector<16xi32>], vector<16xf32>,
      tpu.vector_store_idx %arg9[%parallel_loop3A_537], %parallel_loop3A_547 {add = true} : memref<10240xf32, #tpu.memory_space<vmem>>[vector<16xi32>], vector<16xf32>,
      %parallel_loop3A_548 = arith.constant 1 : i32
      %parallel_loop3A_549 = arith.index_cast %parallel_loop3A_548 : i32 to index
      %parallel_loop3A_550 = arith.index_cast %parallel_loop3A_502 : i32 to index
      %parallel_loop3A_551 = arith.constant 48 : index
      %parallel_loop3A_552 = tpu.vector_load %arg7[%parallel_loop3A_549, %parallel_loop3A_550, %parallel_loop3A_551] {strides = array<i32>} : memref<2x79x128xi32, #tpu.memory_space<vmem>>, vector<16xi32>,
      %parallel_loop3A_553 = arith.constant 1 : i32
      %parallel_loop3A_554 = arith.index_cast %parallel_loop3A_553 : i32 to index
      %parallel_loop3A_555 = arith.index_cast %parallel_loop3A_502 : i32 to index
      %parallel_loop3A_556 = arith.constant 48 : index
      %parallel_loop3A_557 = tpu.vector_load %arg5[%parallel_loop3A_554, %parallel_loop3A_555, %parallel_loop3A_556] {strides = array<i32>} : memref<2x79x128xf32, #tpu.memory_space<vmem>>, vector<16xf32>,
      %parallel_loop3A_558 = arith.constant 1 : i32
      %parallel_loop3A_559 = arith.index_cast %parallel_loop3A_558 : i32 to index
      %parallel_loop3A_560 = arith.index_cast %parallel_loop3A_502 : i32 to index
      %parallel_loop3A_561 = arith.constant 48 : index
      %parallel_loop3A_562 = tpu.vector_load %arg6[%parallel_loop3A_559, %parallel_loop3A_560, %parallel_loop3A_561] {strides = array<i32>} : memref<2x79x128xf32, #tpu.memory_space<vmem>>, vector<16xf32>,
      tpu.vector_store_idx %arg8[%parallel_loop3A_552], %parallel_loop3A_557 {add = true} : memref<10240xf32, #tpu.memory_space<vmem>>[vector<16xi32>], vector<16xf32>,
      tpu.vector_store_idx %arg9[%parallel_loop3A_552], %parallel_loop3A_562 {add = true} : memref<10240xf32, #tpu.memory_space<vmem>>[vector<16xi32>], vector<16xf32>,
      %parallel_loop3A_563 = arith.constant 1 : i32
      %parallel_loop3A_564 = arith.index_cast %parallel_loop3A_563 : i32 to index
      %parallel_loop3A_565 = arith.index_cast %parallel_loop3A_502 : i32 to index
      %parallel_loop3A_566 = arith.constant 64 : index
      %parallel_loop3A_567 = tpu.vector_load %arg7[%parallel_loop3A_564, %parallel_loop3A_565, %parallel_loop3A_566] {strides = array<i32>} : memref<2x79x128xi32, #tpu.memory_space<vmem>>, vector<16xi32>,
      %parallel_loop3A_568 = arith.constant 1 : i32
      %parallel_loop3A_569 = arith.index_cast %parallel_loop3A_568 : i32 to index
      %parallel_loop3A_570 = arith.index_cast %parallel_loop3A_502 : i32 to index
      %parallel_loop3A_571 = arith.constant 64 : index
      %parallel_loop3A_572 = tpu.vector_load %arg5[%parallel_loop3A_569, %parallel_loop3A_570, %parallel_loop3A_571] {strides = array<i32>} : memref<2x79x128xf32, #tpu.memory_space<vmem>>, vector<16xf32>,
      %parallel_loop3A_573 = arith.constant 1 : i32
      %parallel_loop3A_574 = arith.index_cast %parallel_loop3A_573 : i32 to index
      %parallel_loop3A_575 = arith.index_cast %parallel_loop3A_502 : i32 to index
      %parallel_loop3A_576 = arith.constant 64 : index
      %parallel_loop3A_577 = tpu.vector_load %arg6[%parallel_loop3A_574, %parallel_loop3A_575, %parallel_loop3A_576] {strides = array<i32>} : memref<2x79x128xf32, #tpu.memory_space<vmem>>, vector<16xf32>,
      tpu.vector_store_idx %arg8[%parallel_loop3A_567], %parallel_loop3A_572 {add = true} : memref<10240xf32, #tpu.memory_space<vmem>>[vector<16xi32>], vector<16xf32>,
      tpu.vector_store_idx %arg9[%parallel_loop3A_567], %parallel_loop3A_577 {add = true} : memref<10240xf32, #tpu.memory_space<vmem>>[vector<16xi32>], vector<16xf32>,
      %parallel_loop3A_578 = arith.constant 1 : i32
      %parallel_loop3A_579 = arith.index_cast %parallel_loop3A_578 : i32 to index
      %parallel_loop3A_580 = arith.index_cast %parallel_loop3A_502 : i32 to index
      %parallel_loop3A_581 = arith.constant 80 : index
      %parallel_loop3A_582 = tpu.vector_load %arg7[%parallel_loop3A_579, %parallel_loop3A_580, %parallel_loop3A_581] {strides = array<i32>} : memref<2x79x128xi32, #tpu.memory_space<vmem>>, vector<16xi32>,
      %parallel_loop3A_583 = arith.constant 1 : i32
      %parallel_loop3A_584 = arith.index_cast %parallel_loop3A_583 : i32 to index
      %parallel_loop3A_585 = arith.index_cast %parallel_loop3A_502 : i32 to index
      %parallel_loop3A_586 = arith.constant 80 : index
      %parallel_loop3A_587 = tpu.vector_load %arg5[%parallel_loop3A_584, %parallel_loop3A_585, %parallel_loop3A_586] {strides = array<i32>} : memref<2x79x128xf32, #tpu.memory_space<vmem>>, vector<16xf32>,
      %parallel_loop3A_588 = arith.constant 1 : i32
      %parallel_loop3A_589 = arith.index_cast %parallel_loop3A_588 : i32 to index
      %parallel_loop3A_590 = arith.index_cast %parallel_loop3A_502 : i32 to index
      %parallel_loop3A_591 = arith.constant 80 : index
      %parallel_loop3A_592 = tpu.vector_load %arg6[%parallel_loop3A_589, %parallel_loop3A_590, %parallel_loop3A_591] {strides = array<i32>} : memref<2x79x128xf32, #tpu.memory_space<vmem>>, vector<16xf32>,
      tpu.vector_store_idx %arg8[%parallel_loop3A_582], %parallel_loop3A_587 {add = true} : memref<10240xf32, #tpu.memory_space<vmem>>[vector<16xi32>], vector<16xf32>,
      tpu.vector_store_idx %arg9[%parallel_loop3A_582], %parallel_loop3A_592 {add = true} : memref<10240xf32, #tpu.memory_space<vmem>>[vector<16xi32>], vector<16xf32>,
      %parallel_loop3A_593 = arith.constant 1 : i32
      %parallel_loop3A_594 = arith.index_cast %parallel_loop3A_593 : i32 to index
      %parallel_loop3A_595 = arith.index_cast %parallel_loop3A_502 : i32 to index
      %parallel_loop3A_596 = arith.constant 96 : index
      %parallel_loop3A_597 = tpu.vector_load %arg7[%parallel_loop3A_594, %parallel_loop3A_595, %parallel_loop3A_596] {strides = array<i32>} : memref<2x79x128xi32, #tpu.memory_space<vmem>>, vector<16xi32>,
      %parallel_loop3A_598 = arith.constant 1 : i32
      %parallel_loop3A_599 = arith.index_cast %parallel_loop3A_598 : i32 to index
      %parallel_loop3A_600 = arith.index_cast %parallel_loop3A_502 : i32 to index
      %parallel_loop3A_601 = arith.constant 96 : index
      %parallel_loop3A_602 = tpu.vector_load %arg5[%parallel_loop3A_599, %parallel_loop3A_600, %parallel_loop3A_601] {strides = array<i32>} : memref<2x79x128xf32, #tpu.memory_space<vmem>>, vector<16xf32>,
      %parallel_loop3A_603 = arith.constant 1 : i32
      %parallel_loop3A_604 = arith.index_cast %parallel_loop3A_603 : i32 to index
      %parallel_loop3A_605 = arith.index_cast %parallel_loop3A_502 : i32 to index
      %parallel_loop3A_606 = arith.constant 96 : index
      %parallel_loop3A_607 = tpu.vector_load %arg6[%parallel_loop3A_604, %parallel_loop3A_605, %parallel_loop3A_606] {strides = array<i32>} : memref<2x79x128xf32, #tpu.memory_space<vmem>>, vector<16xf32>,
      tpu.vector_store_idx %arg8[%parallel_loop3A_597], %parallel_loop3A_602 {add = true} : memref<10240xf32, #tpu.memory_space<vmem>>[vector<16xi32>], vector<16xf32>,
      tpu.vector_store_idx %arg9[%parallel_loop3A_597], %parallel_loop3A_607 {add = true} : memref<10240xf32, #tpu.memory_space<vmem>>[vector<16xi32>], vector<16xf32>,
      %parallel_loop3A_608 = arith.constant 1 : i32
      %parallel_loop3A_609 = arith.index_cast %parallel_loop3A_608 : i32 to index
      %parallel_loop3A_610 = arith.index_cast %parallel_loop3A_502 : i32 to index
      %parallel_loop3A_611 = arith.constant 112 : index
      %parallel_loop3A_612 = tpu.vector_load %arg7[%parallel_loop3A_609, %parallel_loop3A_610, %parallel_loop3A_611] {strides = array<i32>} : memref<2x79x128xi32, #tpu.memory_space<vmem>>, vector<16xi32>,
      %parallel_loop3A_613 = arith.constant 1 : i32
      %parallel_loop3A_614 = arith.index_cast %parallel_loop3A_613 : i32 to index
      %parallel_loop3A_615 = arith.index_cast %parallel_loop3A_502 : i32 to index
      %parallel_loop3A_616 = arith.constant 112 : index
      %parallel_loop3A_617 = tpu.vector_load %arg5[%parallel_loop3A_614, %parallel_loop3A_615, %parallel_loop3A_616] {strides = array<i32>} : memref<2x79x128xf32, #tpu.memory_space<vmem>>, vector<16xf32>,
      %parallel_loop3A_618 = arith.constant 1 : i32
      %parallel_loop3A_619 = arith.index_cast %parallel_loop3A_618 : i32 to index
      %parallel_loop3A_620 = arith.index_cast %parallel_loop3A_502 : i32 to index
      %parallel_loop3A_621 = arith.constant 112 : index
      %parallel_loop3A_622 = tpu.vector_load %arg6[%parallel_loop3A_619, %parallel_loop3A_620, %parallel_loop3A_621] {strides = array<i32>} : memref<2x79x128xf32, #tpu.memory_space<vmem>>, vector<16xf32>,
      tpu.vector_store_idx %arg8[%parallel_loop3A_612], %parallel_loop3A_617 {add = true} : memref<10240xf32, #tpu.memory_space<vmem>>[vector<16xi32>], vector<16xf32>,
      tpu.vector_store_idx %arg9[%parallel_loop3A_612], %parallel_loop3A_622 {add = true} : memref<10240xf32, #tpu.memory_space<vmem>>[vector<16xi32>], vector<16xf32>,
    } {sc.loop_unroll_factor = 4 : i64, sc.parallel_access}
    %sub3A_341 = arith.constant 79 : i32
    %sub3A_342 = arith.subi %sub3A_71, %sub3A_341 : i32
    %min3A_343 = arith.constant 237 : i32
    %min3A_344 = arith.minsi %min3A_343, %sub3A_342 : i32
    %add3A_345 = arith.addi %add3A_76, %min3A_344 : i32
    %dma_start3A_346 = arith.constant 1 : i32
    %dma_start3A_347 = arith.constant 0 : i32
    %dma_start3A_348 = arith.constant 0 : i32
    %dma_start3A_349 = tpu.memref_slice %arg5[%dma_start3A_346, %dma_start3A_347, %dma_start3A_348] : memref<2x79x128xf32, #tpu.memory_space<vmem>> -> memref<1x79x128xf32, #tpu.memory_space<vmem>>
    %dma_start3A_350 = tpu.memref_squeeze %dma_start3A_349 : memref<1x79x128xf32, #tpu.memory_space<vmem>> -> memref<79x128xf32, #tpu.memory_space<vmem>>
    %dma_start3A_351 = arith.constant 0 : i32
    %dma_start3A_352 = tpu.memref_slice %arg2[%select_n3A_52, %add3A_345, %mul3A_69, %dma_start3A_351] : memref<2x1250x8x128xf32, #tpu.memory_space<hbm>> -> memref<1x79x1x128xf32, #tpu.memory_space<hbm>>
    %dma_start3A_353 = tpu.memref_squeeze %dma_start3A_352 : memref<1x79x1x128xf32, #tpu.memory_space<hbm>> -> memref<79x128xf32, #tpu.memory_space<hbm>>
    %dma_start3A_354 = arith.constant 0 : i32
    %dma_start3A_355 = arith.constant 0 : i32
    %dma_start3A_356 = tpu.memref_slice %arg5[%dma_start3A_346, %dma_start3A_354, %dma_start3A_355] : memref<2x79x128xf32, #tpu.memory_space<vmem>> -> memref<1x79x128xf32, #tpu.memory_space<vmem>>
    %dma_start3A_357 = tpu.memref_squeeze %dma_start3A_356 : memref<1x79x128xf32, #tpu.memory_space<vmem>> -> memref<79x128xf32, #tpu.memory_space<vmem>>
    %dma_start3A_358 = arith.constant 0 : i32
    %dma_start3A_359 = tpu.memref_slice %arg2[%select_n3A_52, %add3A_345, %mul3A_69, %dma_start3A_358] : memref<2x1250x8x128xf32, #tpu.memory_space<hbm>> -> memref<1x79x1x128xf32, #tpu.memory_space<hbm>>
    %dma_start3A_360 = tpu.memref_squeeze %dma_start3A_359 : memref<1x79x1x128xf32, #tpu.memory_space<hbm>> -> memref<79x128xf32, #tpu.memory_space<hbm>>
    tpu.enqueue_dma source(%dma_start3A_360 : memref<79x128xf32, #tpu.memory_space<hbm>>) target(%dma_start3A_357 : memref<79x128xf32, #tpu.memory_space<vmem>>) target_semaphore(%arg11 : memref<!tpu.dma_semaphore, #tpu.memory_space<semaphore_mem>>)
    %add3A_361 = arith.constant 1 : i32
    %add3A_362 = arith.addi %mul3A_69, %add3A_361 : i32
    %dma_start3A_363 = arith.constant 1 : i32
    %dma_start3A_364 = arith.constant 0 : i32
    %dma_start3A_365 = arith.constant 0 : i32
    %dma_start3A_366 = tpu.memref_slice %arg6[%dma_start3A_363, %dma_start3A_364, %dma_start3A_365] : memref<2x79x128xf32, #tpu.memory_space<vmem>> -> memref<1x79x128xf32, #tpu.memory_space<vmem>>
    %dma_start3A_367 = tpu.memref_squeeze %dma_start3A_366 : memref<1x79x128xf32, #tpu.memory_space<vmem>> -> memref<79x128xf32, #tpu.memory_space<vmem>>
    %dma_start3A_368 = arith.constant 0 : i32
    %dma_start3A_369 = tpu.memref_slice %arg2[%select_n3A_52, %add3A_345, %add3A_362, %dma_start3A_368] : memref<2x1250x8x128xf32, #tpu.memory_space<hbm>> -> memref<1x79x1x128xf32, #tpu.memory_space<hbm>>
    %dma_start3A_370 = tpu.memref_squeeze %dma_start3A_369 : memref<1x79x1x128xf32, #tpu.memory_space<hbm>> -> memref<79x128xf32, #tpu.memory_space<hbm>>
    %dma_start3A_371 = arith.constant 0 : i32
    %dma_start3A_372 = arith.constant 0 : i32
    %dma_start3A_373 = tpu.memref_slice %arg6[%dma_start3A_363, %dma_start3A_371, %dma_start3A_372] : memref<2x79x128xf32, #tpu.memory_space<vmem>> -> memref<1x79x128xf32, #tpu.memory_space<vmem>>
    %dma_start3A_374 = tpu.memref_squeeze %dma_start3A_373 : memref<1x79x128xf32, #tpu.memory_space<vmem>> -> memref<79x128xf32, #tpu.memory_space<vmem>>
    %dma_start3A_375 = arith.constant 0 : i32
    %dma_start3A_376 = tpu.memref_slice %arg2[%select_n3A_52, %add3A_345, %add3A_362, %dma_start3A_375] : memref<2x1250x8x128xf32, #tpu.memory_space<hbm>> -> memref<1x79x1x128xf32, #tpu.memory_space<hbm>>
    %dma_start3A_377 = tpu.memref_squeeze %dma_start3A_376 : memref<1x79x1x128xf32, #tpu.memory_space<hbm>> -> memref<79x128xf32, #tpu.memory_space<hbm>>
    tpu.enqueue_dma source(%dma_start3A_377 : memref<79x128xf32, #tpu.memory_space<hbm>>) target(%dma_start3A_374 : memref<79x128xf32, #tpu.memory_space<vmem>>) target_semaphore(%arg11 : memref<!tpu.dma_semaphore, #tpu.memory_space<semaphore_mem>>)
    %dma_start3A_378 = arith.constant 0 : i32
    %dma_start3A_379 = arith.constant 1 : i32
    %dma_start3A_380 = arith.constant 0 : i32
    %dma_start3A_381 = arith.constant 0 : i32
    %dma_start3A_382 = tpu.memref_slice %arg7[%dma_start3A_379, %dma_start3A_380, %dma_start3A_381] : memref<2x79x128xi32, #tpu.memory_space<vmem>> -> memref<1x79x128xi32, #tpu.memory_space<vmem>>
    %dma_start3A_383 = tpu.memref_squeeze %dma_start3A_382 : memref<1x79x128xi32, #tpu.memory_space<vmem>> -> memref<79x128xi32, #tpu.memory_space<vmem>>
    %dma_start3A_384 = arith.constant 0 : i32
    %dma_start3A_385 = tpu.memref_slice %arg3[%add3A_345, %dma_start3A_378, %dma_start3A_384] : memref<1250x2x128xi32, #tpu.memory_space<hbm>> -> memref<79x1x128xi32, #tpu.memory_space<hbm>>
    %dma_start3A_386 = tpu.memref_squeeze %dma_start3A_385 : memref<79x1x128xi32, #tpu.memory_space<hbm>> -> memref<79x128xi32, #tpu.memory_space<hbm>>
    %dma_start3A_387 = arith.constant 0 : i32
    %dma_start3A_388 = arith.constant 0 : i32
    %dma_start3A_389 = tpu.memref_slice %arg7[%dma_start3A_379, %dma_start3A_387, %dma_start3A_388] : memref<2x79x128xi32, #tpu.memory_space<vmem>> -> memref<1x79x128xi32, #tpu.memory_space<vmem>>
    %dma_start3A_390 = tpu.memref_squeeze %dma_start3A_389 : memref<1x79x128xi32, #tpu.memory_space<vmem>> -> memref<79x128xi32, #tpu.memory_space<vmem>>
    %dma_start3A_391 = arith.constant 0 : i32
    %dma_start3A_392 = tpu.memref_slice %arg3[%add3A_345, %dma_start3A_378, %dma_start3A_391] : memref<1250x2x128xi32, #tpu.memory_space<hbm>> -> memref<79x1x128xi32, #tpu.memory_space<hbm>>
    %dma_start3A_393 = tpu.memref_squeeze %dma_start3A_392 : memref<79x1x128xi32, #tpu.memory_space<hbm>> -> memref<79x128xi32, #tpu.memory_space<hbm>>
    tpu.enqueue_dma source(%dma_start3A_393 : memref<79x128xi32, #tpu.memory_space<hbm>>) target(%dma_start3A_390 : memref<79x128xi32, #tpu.memory_space<vmem>>) target_semaphore(%arg11 : memref<!tpu.dma_semaphore, #tpu.memory_space<semaphore_mem>>)
    %dma_wait3A_394 = arith.constant 0 : i32
    %dma_wait3A_395 = arith.constant 0 : i32
    %dma_wait3A_396 = arith.constant 0 : i32
    %dma_wait3A_397 = tpu.memref_slice %arg5[%dma_wait3A_394, %dma_wait3A_395, %dma_wait3A_396] : memref<2x79x128xf32, #tpu.memory_space<vmem>> -> memref<1x79x128xf32, #tpu.memory_space<vmem>>
    %dma_wait3A_398 = tpu.memref_squeeze %dma_wait3A_397 : memref<1x79x128xf32, #tpu.memory_space<vmem>> -> memref<79x128xf32, #tpu.memory_space<vmem>>
    %dma_wait3A_399 = arith.constant 0 : i32
    %dma_wait3A_400 = tpu.memref_slice %arg2[%select_n3A_52, %add3A_239, %mul3A_69, %dma_wait3A_399] : memref<2x1250x8x128xf32, #tpu.memory_space<hbm>> -> memref<1x79x1x128xf32, #tpu.memory_space<hbm>>
    %dma_wait3A_401 = tpu.memref_squeeze %dma_wait3A_400 : memref<1x79x1x128xf32, #tpu.memory_space<hbm>> -> memref<79x128xf32, #tpu.memory_space<hbm>>
    %dma_wait3A_402 = arith.constant 0 : i32
    %dma_wait3A_403 = arith.constant 0 : i32
    %dma_wait3A_404 = tpu.memref_slice %arg5[%dma_wait3A_394, %dma_wait3A_402, %dma_wait3A_403] : memref<2x79x128xf32, #tpu.memory_space<vmem>> -> memref<1x79x128xf32, #tpu.memory_space<vmem>>
    %dma_wait3A_405 = tpu.memref_squeeze %dma_wait3A_404 : memref<1x79x128xf32, #tpu.memory_space<vmem>> -> memref<79x128xf32, #tpu.memory_space<vmem>>
    %dma_wait3A_406 = arith.constant 0 : i32
    %dma_wait3A_407 = tpu.memref_slice %arg2[%select_n3A_52, %add3A_239, %mul3A_69, %dma_wait3A_406] : memref<2x1250x8x128xf32, #tpu.memory_space<hbm>> -> memref<1x79x1x128xf32, #tpu.memory_space<hbm>>
    %dma_wait3A_408 = tpu.memref_squeeze %dma_wait3A_407 : memref<1x79x1x128xf32, #tpu.memory_space<hbm>> -> memref<79x128xf32, #tpu.memory_space<hbm>>
    tpu.wait_dma2 semaphore(%arg10 : memref<!tpu.dma_semaphore, #tpu.memory_space<semaphore_mem>>) src(%dma_wait3A_408 : memref<79x128xf32, #tpu.memory_space<hbm>>) dst(%dma_wait3A_405 : memref<79x128xf32, #tpu.memory_space<vmem>>)
    %dma_wait3A_409 = arith.constant 0 : i32
    %dma_wait3A_410 = arith.constant 0 : i32
    %dma_wait3A_411 = arith.constant 0 : i32
    %dma_wait3A_412 = tpu.memref_slice %arg6[%dma_wait3A_409, %dma_wait3A_410, %dma_wait3A_411] : memref<2x79x128xf32, #tpu.memory_space<vmem>> -> memref<1x79x128xf32, #tpu.memory_space<vmem>>
    %dma_wait3A_413 = tpu.memref_squeeze %dma_wait3A_412 : memref<1x79x128xf32, #tpu.memory_space<vmem>> -> memref<79x128xf32, #tpu.memory_space<vmem>>
    %dma_wait3A_414 = arith.constant 0 : i32
    %dma_wait3A_415 = tpu.memref_slice %arg2[%select_n3A_52, %add3A_239, %add3A_256, %dma_wait3A_414] : memref<2x1250x8x128xf32, #tpu.memory_space<hbm>> -> memref<1x79x1x128xf32, #tpu.memory_space<hbm>>
    %dma_wait3A_416 = tpu.memref_squeeze %dma_wait3A_415 : memref<1x79x1x128xf32, #tpu.memory_space<hbm>> -> memref<79x128xf32, #tpu.memory_space<hbm>>
    %dma_wait3A_417 = arith.constant 0 : i32
    %dma_wait3A_418 = arith.constant 0 : i32
    %dma_wait3A_419 = tpu.memref_slice %arg6[%dma_wait3A_409, %dma_wait3A_417, %dma_wait3A_418] : memref<2x79x128xf32, #tpu.memory_space<vmem>> -> memref<1x79x128xf32, #tpu.memory_space<vmem>>
    %dma_wait3A_420 = tpu.memref_squeeze %dma_wait3A_419 : memref<1x79x128xf32, #tpu.memory_space<vmem>> -> memref<79x128xf32, #tpu.memory_space<vmem>>
    %dma_wait3A_421 = arith.constant 0 : i32
    %dma_wait3A_422 = tpu.memref_slice %arg2[%select_n3A_52, %add3A_239, %add3A_256, %dma_wait3A_421] : memref<2x1250x8x128xf32, #tpu.memory_space<hbm>> -> memref<1x79x1x128xf32, #tpu.memory_space<hbm>>
    %dma_wait3A_423 = tpu.memref_squeeze %dma_wait3A_422 : memref<1x79x1x128xf32, #tpu.memory_space<hbm>> -> memref<79x128xf32, #tpu.memory_space<hbm>>
    tpu.wait_dma2 semaphore(%arg10 : memref<!tpu.dma_semaphore, #tpu.memory_space<semaphore_mem>>) src(%dma_wait3A_423 : memref<79x128xf32, #tpu.memory_space<hbm>>) dst(%dma_wait3A_420 : memref<79x128xf32, #tpu.memory_space<vmem>>)
    %dma_wait3A_424 = arith.constant 0 : i32
    %dma_wait3A_425 = arith.constant 0 : i32
    %dma_wait3A_426 = arith.constant 0 : i32
    %dma_wait3A_427 = arith.constant 0 : i32
    %dma_wait3A_428 = tpu.memref_slice %arg7[%dma_wait3A_425, %dma_wait3A_426, %dma_wait3A_427] : memref<2x79x128xi32, #tpu.memory_space<vmem>> -> memref<1x79x128xi32, #tpu.memory_space<vmem>>
    %dma_wait3A_429 = tpu.memref_squeeze %dma_wait3A_428 : memref<1x79x128xi32, #tpu.memory_space<vmem>> -> memref<79x128xi32, #tpu.memory_space<vmem>>
    %dma_wait3A_430 = arith.constant 0 : i32
    %dma_wait3A_431 = tpu.memref_slice %arg3[%add3A_239, %dma_wait3A_424, %dma_wait3A_430] : memref<1250x2x128xi32, #tpu.memory_space<hbm>> -> memref<79x1x128xi32, #tpu.memory_space<hbm>>
    %dma_wait3A_432 = tpu.memref_squeeze %dma_wait3A_431 : memref<79x1x128xi32, #tpu.memory_space<hbm>> -> memref<79x128xi32, #tpu.memory_space<hbm>>
    %dma_wait3A_433 = arith.constant 0 : i32
    %dma_wait3A_434 = arith.constant 0 : i32
    %dma_wait3A_435 = tpu.memref_slice %arg7[%dma_wait3A_425, %dma_wait3A_433, %dma_wait3A_434] : memref<2x79x128xi32, #tpu.memory_space<vmem>> -> memref<1x79x128xi32, #tpu.memory_space<vmem>>
    %dma_wait3A_436 = tpu.memref_squeeze %dma_wait3A_435 : memref<1x79x128xi32, #tpu.memory_space<vmem>> -> memref<79x128xi32, #tpu.memory_space<vmem>>
    %dma_wait3A_437 = arith.constant 0 : i32
    %dma_wait3A_438 = tpu.memref_slice %arg3[%add3A_239, %dma_wait3A_424, %dma_wait3A_437] : memref<1250x2x128xi32, #tpu.memory_space<hbm>> -> memref<79x1x128xi32, #tpu.memory_space<hbm>>
    %dma_wait3A_439 = tpu.memref_squeeze %dma_wait3A_438 : memref<79x1x128xi32, #tpu.memory_space<hbm>> -> memref<79x128xi32, #tpu.memory_space<hbm>>
    tpu.wait_dma2 semaphore(%arg10 : memref<!tpu.dma_semaphore, #tpu.memory_space<semaphore_mem>>) src(%dma_wait3A_439 : memref<79x128xi32, #tpu.memory_space<hbm>>) dst(%dma_wait3A_436 : memref<79x128xi32, #tpu.memory_space<vmem>>)
    %sub3A_440 = arith.constant 79 : i32
    %sub3A_441 = arith.subi %sub3A_71, %sub3A_440 : i32
    %sub3A_442 = arith.constant 158 : i32
    %sub3A_443 = arith.subi %sub3A_442, %sub3A_441 : i32
    %parallel_loop3A_444 = arith.constant 0 : i32
    %parallel_loop3A_445 = arith.constant 79 : i32
    %parallel_loop3A_446 = arith.constant 1 : i32
    scf.for %parallel_loop3A_502 = %parallel_loop3A_444 to %parallel_loop3A_445 step %parallel_loop3A_446  : i32 {
      %parallel_loop3A_503 = arith.constant 0 : i32
      %parallel_loop3A_504 = arith.index_cast %parallel_loop3A_503 : i32 to index
      %parallel_loop3A_505 = arith.index_cast %parallel_loop3A_502 : i32 to index
      %parallel_loop3A_506 = arith.constant 0 : index
      %parallel_loop3A_507 = tpu.vector_load %arg7[%parallel_loop3A_504, %parallel_loop3A_505, %parallel_loop3A_506] {strides = array<i32>} : memref<2x79x128xi32, #tpu.memory_space<vmem>>, vector<16xi32>,
      %parallel_loop3A_508 = arith.constant 0 : i32
      %parallel_loop3A_509 = arith.index_cast %parallel_loop3A_508 : i32 to index
      %parallel_loop3A_510 = arith.index_cast %parallel_loop3A_502 : i32 to index
      %parallel_loop3A_511 = arith.constant 0 : index
      %parallel_loop3A_512 = tpu.vector_load %arg5[%parallel_loop3A_509, %parallel_loop3A_510, %parallel_loop3A_511] {strides = array<i32>} : memref<2x79x128xf32, #tpu.memory_space<vmem>>, vector<16xf32>,
      %parallel_loop3A_513 = arith.constant 0 : i32
      %parallel_loop3A_514 = arith.index_cast %parallel_loop3A_513 : i32 to index
      %parallel_loop3A_515 = arith.index_cast %parallel_loop3A_502 : i32 to index
      %parallel_loop3A_516 = arith.constant 0 : index
      %parallel_loop3A_517 = tpu.vector_load %arg6[%parallel_loop3A_514, %parallel_loop3A_515, %parallel_loop3A_516] {strides = array<i32>} : memref<2x79x128xf32, #tpu.memory_space<vmem>>, vector<16xf32>,
      tpu.vector_store_idx %arg8[%parallel_loop3A_507], %parallel_loop3A_512 {add = true} : memref<10240xf32, #tpu.memory_space<vmem>>[vector<16xi32>], vector<16xf32>,
      tpu.vector_store_idx %arg9[%parallel_loop3A_507], %parallel_loop3A_517 {add = true} : memref<10240xf32, #tpu.memory_space<vmem>>[vector<16xi32>], vector<16xf32>,
      %parallel_loop3A_518 = arith.constant 0 : i32
      %parallel_loop3A_519 = arith.index_cast %parallel_loop3A_518 : i32 to index
      %parallel_loop3A_520 = arith.index_cast %parallel_loop3A_502 : i32 to index
      %parallel_loop3A_521 = arith.constant 16 : index
      %parallel_loop3A_522 = tpu.vector_load %arg7[%parallel_loop3A_519, %parallel_loop3A_520, %parallel_loop3A_521] {strides = array<i32>} : memref<2x79x128xi32, #tpu.memory_space<vmem>>, vector<16xi32>,
      %parallel_loop3A_523 = arith.constant 0 : i32
      %parallel_loop3A_524 = arith.index_cast %parallel_loop3A_523 : i32 to index
      %parallel_loop3A_525 = arith.index_cast %parallel_loop3A_502 : i32 to index
      %parallel_loop3A_526 = arith.constant 16 : index
      %parallel_loop3A_527 = tpu.vector_load %arg5[%parallel_loop3A_524, %parallel_loop3A_525, %parallel_loop3A_526] {strides = array<i32>} : memref<2x79x128xf32, #tpu.memory_space<vmem>>, vector<16xf32>,
      %parallel_loop3A_528 = arith.constant 0 : i32
      %parallel_loop3A_529 = arith.index_cast %parallel_loop3A_528 : i32 to index
      %parallel_loop3A_530 = arith.index_cast %parallel_loop3A_502 : i32 to index
      %parallel_loop3A_531 = arith.constant 16 : index
      %parallel_loop3A_532 = tpu.vector_load %arg6[%parallel_loop3A_529, %parallel_loop3A_530, %parallel_loop3A_531] {strides = array<i32>} : memref<2x79x128xf32, #tpu.memory_space<vmem>>, vector<16xf32>,
      tpu.vector_store_idx %arg8[%parallel_loop3A_522], %parallel_loop3A_527 {add = true} : memref<10240xf32, #tpu.memory_space<vmem>>[vector<16xi32>], vector<16xf32>,
      tpu.vector_store_idx %arg9[%parallel_loop3A_522], %parallel_loop3A_532 {add = true} : memref<10240xf32, #tpu.memory_space<vmem>>[vector<16xi32>], vector<16xf32>,
      %parallel_loop3A_533 = arith.constant 0 : i32
      %parallel_loop3A_534 = arith.index_cast %parallel_loop3A_533 : i32 to index
      %parallel_loop3A_535 = arith.index_cast %parallel_loop3A_502 : i32 to index
      %parallel_loop3A_536 = arith.constant 32 : index
      %parallel_loop3A_537 = tpu.vector_load %arg7[%parallel_loop3A_534, %parallel_loop3A_535, %parallel_loop3A_536] {strides = array<i32>} : memref<2x79x128xi32, #tpu.memory_space<vmem>>, vector<16xi32>,
      %parallel_loop3A_538 = arith.constant 0 : i32
      %parallel_loop3A_539 = arith.index_cast %parallel_loop3A_538 : i32 to index
      %parallel_loop3A_540 = arith.index_cast %parallel_loop3A_502 : i32 to index
      %parallel_loop3A_541 = arith.constant 32 : index
      %parallel_loop3A_542 = tpu.vector_load %arg5[%parallel_loop3A_539, %parallel_loop3A_540, %parallel_loop3A_541] {strides = array<i32>} : memref<2x79x128xf32, #tpu.memory_space<vmem>>, vector<16xf32>,
      %parallel_loop3A_543 = arith.constant 0 : i32
      %parallel_loop3A_544 = arith.index_cast %parallel_loop3A_543 : i32 to index
      %parallel_loop3A_545 = arith.index_cast %parallel_loop3A_502 : i32 to index
      %parallel_loop3A_546 = arith.constant 32 : index
      %parallel_loop3A_547 = tpu.vector_load %arg6[%parallel_loop3A_544, %parallel_loop3A_545, %parallel_loop3A_546] {strides = array<i32>} : memref<2x79x128xf32, #tpu.memory_space<vmem>>, vector<16xf32>,
      tpu.vector_store_idx %arg8[%parallel_loop3A_537], %parallel_loop3A_542 {add = true} : memref<10240xf32, #tpu.memory_space<vmem>>[vector<16xi32>], vector<16xf32>,
      tpu.vector_store_idx %arg9[%parallel_loop3A_537], %parallel_loop3A_547 {add = true} : memref<10240xf32, #tpu.memory_space<vmem>>[vector<16xi32>], vector<16xf32>,
      %parallel_loop3A_548 = arith.constant 0 : i32
      %parallel_loop3A_549 = arith.index_cast %parallel_loop3A_548 : i32 to index
      %parallel_loop3A_550 = arith.index_cast %parallel_loop3A_502 : i32 to index
      %parallel_loop3A_551 = arith.constant 48 : index
      %parallel_loop3A_552 = tpu.vector_load %arg7[%parallel_loop3A_549, %parallel_loop3A_550, %parallel_loop3A_551] {strides = array<i32>} : memref<2x79x128xi32, #tpu.memory_space<vmem>>, vector<16xi32>,
      %parallel_loop3A_553 = arith.constant 0 : i32
      %parallel_loop3A_554 = arith.index_cast %parallel_loop3A_553 : i32 to index
      %parallel_loop3A_555 = arith.index_cast %parallel_loop3A_502 : i32 to index
      %parallel_loop3A_556 = arith.constant 48 : index
      %parallel_loop3A_557 = tpu.vector_load %arg5[%parallel_loop3A_554, %parallel_loop3A_555, %parallel_loop3A_556] {strides = array<i32>} : memref<2x79x128xf32, #tpu.memory_space<vmem>>, vector<16xf32>,
      %parallel_loop3A_558 = arith.constant 0 : i32
      %parallel_loop3A_559 = arith.index_cast %parallel_loop3A_558 : i32 to index
      %parallel_loop3A_560 = arith.index_cast %parallel_loop3A_502 : i32 to index
      %parallel_loop3A_561 = arith.constant 48 : index
      %parallel_loop3A_562 = tpu.vector_load %arg6[%parallel_loop3A_559, %parallel_loop3A_560, %parallel_loop3A_561] {strides = array<i32>} : memref<2x79x128xf32, #tpu.memory_space<vmem>>, vector<16xf32>,
      tpu.vector_store_idx %arg8[%parallel_loop3A_552], %parallel_loop3A_557 {add = true} : memref<10240xf32, #tpu.memory_space<vmem>>[vector<16xi32>], vector<16xf32>,
      tpu.vector_store_idx %arg9[%parallel_loop3A_552], %parallel_loop3A_562 {add = true} : memref<10240xf32, #tpu.memory_space<vmem>>[vector<16xi32>], vector<16xf32>,
      %parallel_loop3A_563 = arith.constant 0 : i32
      %parallel_loop3A_564 = arith.index_cast %parallel_loop3A_563 : i32 to index
      %parallel_loop3A_565 = arith.index_cast %parallel_loop3A_502 : i32 to index
      %parallel_loop3A_566 = arith.constant 64 : index
      %parallel_loop3A_567 = tpu.vector_load %arg7[%parallel_loop3A_564, %parallel_loop3A_565, %parallel_loop3A_566] {strides = array<i32>} : memref<2x79x128xi32, #tpu.memory_space<vmem>>, vector<16xi32>,
      %parallel_loop3A_568 = arith.constant 0 : i32
      %parallel_loop3A_569 = arith.index_cast %parallel_loop3A_568 : i32 to index
      %parallel_loop3A_570 = arith.index_cast %parallel_loop3A_502 : i32 to index
      %parallel_loop3A_571 = arith.constant 64 : index
      %parallel_loop3A_572 = tpu.vector_load %arg5[%parallel_loop3A_569, %parallel_loop3A_570, %parallel_loop3A_571] {strides = array<i32>} : memref<2x79x128xf32, #tpu.memory_space<vmem>>, vector<16xf32>,
      %parallel_loop3A_573 = arith.constant 0 : i32
      %parallel_loop3A_574 = arith.index_cast %parallel_loop3A_573 : i32 to index
      %parallel_loop3A_575 = arith.index_cast %parallel_loop3A_502 : i32 to index
      %parallel_loop3A_576 = arith.constant 64 : index
      %parallel_loop3A_577 = tpu.vector_load %arg6[%parallel_loop3A_574, %parallel_loop3A_575, %parallel_loop3A_576] {strides = array<i32>} : memref<2x79x128xf32, #tpu.memory_space<vmem>>, vector<16xf32>,
      tpu.vector_store_idx %arg8[%parallel_loop3A_567], %parallel_loop3A_572 {add = true} : memref<10240xf32, #tpu.memory_space<vmem>>[vector<16xi32>], vector<16xf32>,
      tpu.vector_store_idx %arg9[%parallel_loop3A_567], %parallel_loop3A_577 {add = true} : memref<10240xf32, #tpu.memory_space<vmem>>[vector<16xi32>], vector<16xf32>,
      %parallel_loop3A_578 = arith.constant 0 : i32
      %parallel_loop3A_579 = arith.index_cast %parallel_loop3A_578 : i32 to index
      %parallel_loop3A_580 = arith.index_cast %parallel_loop3A_502 : i32 to index
      %parallel_loop3A_581 = arith.constant 80 : index
      %parallel_loop3A_582 = tpu.vector_load %arg7[%parallel_loop3A_579, %parallel_loop3A_580, %parallel_loop3A_581] {strides = array<i32>} : memref<2x79x128xi32, #tpu.memory_space<vmem>>, vector<16xi32>,
      %parallel_loop3A_583 = arith.constant 0 : i32
      %parallel_loop3A_584 = arith.index_cast %parallel_loop3A_583 : i32 to index
      %parallel_loop3A_585 = arith.index_cast %parallel_loop3A_502 : i32 to index
      %parallel_loop3A_586 = arith.constant 80 : index
      %parallel_loop3A_587 = tpu.vector_load %arg5[%parallel_loop3A_584, %parallel_loop3A_585, %parallel_loop3A_586] {strides = array<i32>} : memref<2x79x128xf32, #tpu.memory_space<vmem>>, vector<16xf32>,
      %parallel_loop3A_588 = arith.constant 0 : i32
      %parallel_loop3A_589 = arith.index_cast %parallel_loop3A_588 : i32 to index
      %parallel_loop3A_590 = arith.index_cast %parallel_loop3A_502 : i32 to index
      %parallel_loop3A_591 = arith.constant 80 : index
      %parallel_loop3A_592 = tpu.vector_load %arg6[%parallel_loop3A_589, %parallel_loop3A_590, %parallel_loop3A_591] {strides = array<i32>} : memref<2x79x128xf32, #tpu.memory_space<vmem>>, vector<16xf32>,
      tpu.vector_store_idx %arg8[%parallel_loop3A_582], %parallel_loop3A_587 {add = true} : memref<10240xf32, #tpu.memory_space<vmem>>[vector<16xi32>], vector<16xf32>,
      tpu.vector_store_idx %arg9[%parallel_loop3A_582], %parallel_loop3A_592 {add = true} : memref<10240xf32, #tpu.memory_space<vmem>>[vector<16xi32>], vector<16xf32>,
      %parallel_loop3A_593 = arith.constant 0 : i32
      %parallel_loop3A_594 = arith.index_cast %parallel_loop3A_593 : i32 to index
      %parallel_loop3A_595 = arith.index_cast %parallel_loop3A_502 : i32 to index
      %parallel_loop3A_596 = arith.constant 96 : index
      %parallel_loop3A_597 = tpu.vector_load %arg7[%parallel_loop3A_594, %parallel_loop3A_595, %parallel_loop3A_596] {strides = array<i32>} : memref<2x79x128xi32, #tpu.memory_space<vmem>>, vector<16xi32>,
      %parallel_loop3A_598 = arith.constant 0 : i32
      %parallel_loop3A_599 = arith.index_cast %parallel_loop3A_598 : i32 to index
      %parallel_loop3A_600 = arith.index_cast %parallel_loop3A_502 : i32 to index
      %parallel_loop3A_601 = arith.constant 96 : index
      %parallel_loop3A_602 = tpu.vector_load %arg5[%parallel_loop3A_599, %parallel_loop3A_600, %parallel_loop3A_601] {strides = array<i32>} : memref<2x79x128xf32, #tpu.memory_space<vmem>>, vector<16xf32>,
      %parallel_loop3A_603 = arith.constant 0 : i32
      %parallel_loop3A_604 = arith.index_cast %parallel_loop3A_603 : i32 to index
      %parallel_loop3A_605 = arith.index_cast %parallel_loop3A_502 : i32 to index
      %parallel_loop3A_606 = arith.constant 96 : index
      %parallel_loop3A_607 = tpu.vector_load %arg6[%parallel_loop3A_604, %parallel_loop3A_605, %parallel_loop3A_606] {strides = array<i32>} : memref<2x79x128xf32, #tpu.memory_space<vmem>>, vector<16xf32>,
      tpu.vector_store_idx %arg8[%parallel_loop3A_597], %parallel_loop3A_602 {add = true} : memref<10240xf32, #tpu.memory_space<vmem>>[vector<16xi32>], vector<16xf32>,
      tpu.vector_store_idx %arg9[%parallel_loop3A_597], %parallel_loop3A_607 {add = true} : memref<10240xf32, #tpu.memory_space<vmem>>[vector<16xi32>], vector<16xf32>,
      %parallel_loop3A_608 = arith.constant 0 : i32
      %parallel_loop3A_609 = arith.index_cast %parallel_loop3A_608 : i32 to index
      %parallel_loop3A_610 = arith.index_cast %parallel_loop3A_502 : i32 to index
      %parallel_loop3A_611 = arith.constant 112 : index
      %parallel_loop3A_612 = tpu.vector_load %arg7[%parallel_loop3A_609, %parallel_loop3A_610, %parallel_loop3A_611] {strides = array<i32>} : memref<2x79x128xi32, #tpu.memory_space<vmem>>, vector<16xi32>,
      %parallel_loop3A_613 = arith.constant 0 : i32
      %parallel_loop3A_614 = arith.index_cast %parallel_loop3A_613 : i32 to index
      %parallel_loop3A_615 = arith.index_cast %parallel_loop3A_502 : i32 to index
      %parallel_loop3A_616 = arith.constant 112 : index
      %parallel_loop3A_617 = tpu.vector_load %arg5[%parallel_loop3A_614, %parallel_loop3A_615, %parallel_loop3A_616] {strides = array<i32>} : memref<2x79x128xf32, #tpu.memory_space<vmem>>, vector<16xf32>,
      %parallel_loop3A_618 = arith.constant 0 : i32
      %parallel_loop3A_619 = arith.index_cast %parallel_loop3A_618 : i32 to index
      %parallel_loop3A_620 = arith.index_cast %parallel_loop3A_502 : i32 to index
      %parallel_loop3A_621 = arith.constant 112 : index
      %parallel_loop3A_622 = tpu.vector_load %arg6[%parallel_loop3A_619, %parallel_loop3A_620, %parallel_loop3A_621] {strides = array<i32>} : memref<2x79x128xf32, #tpu.memory_space<vmem>>, vector<16xf32>,
      tpu.vector_store_idx %arg8[%parallel_loop3A_612], %parallel_loop3A_617 {add = true} : memref<10240xf32, #tpu.memory_space<vmem>>[vector<16xi32>], vector<16xf32>,
      tpu.vector_store_idx %arg9[%parallel_loop3A_612], %parallel_loop3A_622 {add = true} : memref<10240xf32, #tpu.memory_space<vmem>>[vector<16xi32>], vector<16xf32>,
    } {sc.loop_unroll_factor = 4 : i64, sc.parallel_access}
    %dma_wait3A_447 = arith.constant 1 : i32
    %dma_wait3A_448 = arith.constant 0 : i32
    %dma_wait3A_449 = arith.constant 0 : i32
    %dma_wait3A_450 = tpu.memref_slice %arg5[%dma_wait3A_447, %dma_wait3A_448, %dma_wait3A_449] : memref<2x79x128xf32, #tpu.memory_space<vmem>> -> memref<1x79x128xf32, #tpu.memory_space<vmem>>
    %dma_wait3A_451 = tpu.memref_squeeze %dma_wait3A_450 : memref<1x79x128xf32, #tpu.memory_space<vmem>> -> memref<79x128xf32, #tpu.memory_space<vmem>>
    %dma_wait3A_452 = arith.constant 0 : i32
    %dma_wait3A_453 = tpu.memref_slice %arg2[%select_n3A_52, %add3A_345, %mul3A_69, %dma_wait3A_452] : memref<2x1250x8x128xf32, #tpu.memory_space<hbm>> -> memref<1x79x1x128xf32, #tpu.memory_space<hbm>>
    %dma_wait3A_454 = tpu.memref_squeeze %dma_wait3A_453 : memref<1x79x1x128xf32, #tpu.memory_space<hbm>> -> memref<79x128xf32, #tpu.memory_space<hbm>>
    %dma_wait3A_455 = arith.constant 0 : i32
    %dma_wait3A_456 = arith.constant 0 : i32
    %dma_wait3A_457 = tpu.memref_slice %arg5[%dma_wait3A_447, %dma_wait3A_455, %dma_wait3A_456] : memref<2x79x128xf32, #tpu.memory_space<vmem>> -> memref<1x79x128xf32, #tpu.memory_space<vmem>>
    %dma_wait3A_458 = tpu.memref_squeeze %dma_wait3A_457 : memref<1x79x128xf32, #tpu.memory_space<vmem>> -> memref<79x128xf32, #tpu.memory_space<vmem>>
    %dma_wait3A_459 = arith.constant 0 : i32
    %dma_wait3A_460 = tpu.memref_slice %arg2[%select_n3A_52, %add3A_345, %mul3A_69, %dma_wait3A_459] : memref<2x1250x8x128xf32, #tpu.memory_space<hbm>> -> memref<1x79x1x128xf32, #tpu.memory_space<hbm>>
    %dma_wait3A_461 = tpu.memref_squeeze %dma_wait3A_460 : memref<1x79x1x128xf32, #tpu.memory_space<hbm>> -> memref<79x128xf32, #tpu.memory_space<hbm>>
    tpu.wait_dma2 semaphore(%arg11 : memref<!tpu.dma_semaphore, #tpu.memory_space<semaphore_mem>>) src(%dma_wait3A_461 : memref<79x128xf32, #tpu.memory_space<hbm>>) dst(%dma_wait3A_458 : memref<79x128xf32, #tpu.memory_space<vmem>>)
    %dma_wait3A_462 = arith.constant 1 : i32
    %dma_wait3A_463 = arith.constant 0 : i32
    %dma_wait3A_464 = arith.constant 0 : i32
    %dma_wait3A_465 = tpu.memref_slice %arg6[%dma_wait3A_462, %dma_wait3A_463, %dma_wait3A_464] : memref<2x79x128xf32, #tpu.memory_space<vmem>> -> memref<1x79x128xf32, #tpu.memory_space<vmem>>
    %dma_wait3A_466 = tpu.memref_squeeze %dma_wait3A_465 : memref<1x79x128xf32, #tpu.memory_space<vmem>> -> memref<79x128xf32, #tpu.memory_space<vmem>>
    %dma_wait3A_467 = arith.constant 0 : i32
    %dma_wait3A_468 = tpu.memref_slice %arg2[%select_n3A_52, %add3A_345, %add3A_362, %dma_wait3A_467] : memref<2x1250x8x128xf32, #tpu.memory_space<hbm>> -> memref<1x79x1x128xf32, #tpu.memory_space<hbm>>
    %dma_wait3A_469 = tpu.memref_squeeze %dma_wait3A_468 : memref<1x79x1x128xf32, #tpu.memory_space<hbm>> -> memref<79x128xf32, #tpu.memory_space<hbm>>
    %dma_wait3A_470 = arith.constant 0 : i32
    %dma_wait3A_471 = arith.constant 0 : i32
    %dma_wait3A_472 = tpu.memref_slice %arg6[%dma_wait3A_462, %dma_wait3A_470, %dma_wait3A_471] : memref<2x79x128xf32, #tpu.memory_space<vmem>> -> memref<1x79x128xf32, #tpu.memory_space<vmem>>
    %dma_wait3A_473 = tpu.memref_squeeze %dma_wait3A_472 : memref<1x79x128xf32, #tpu.memory_space<vmem>> -> memref<79x128xf32, #tpu.memory_space<vmem>>
    %dma_wait3A_474 = arith.constant 0 : i32
    %dma_wait3A_475 = tpu.memref_slice %arg2[%select_n3A_52, %add3A_345, %add3A_362, %dma_wait3A_474] : memref<2x1250x8x128xf32, #tpu.memory_space<hbm>> -> memref<1x79x1x128xf32, #tpu.memory_space<hbm>>
    %dma_wait3A_476 = tpu.memref_squeeze %dma_wait3A_475 : memref<1x79x1x128xf32, #tpu.memory_space<hbm>> -> memref<79x128xf32, #tpu.memory_space<hbm>>
    tpu.wait_dma2 semaphore(%arg11 : memref<!tpu.dma_semaphore, #tpu.memory_space<semaphore_mem>>) src(%dma_wait3A_476 : memref<79x128xf32, #tpu.memory_space<hbm>>) dst(%dma_wait3A_473 : memref<79x128xf32, #tpu.memory_space<vmem>>)
    %dma_wait3A_477 = arith.constant 0 : i32
    %dma_wait3A_478 = arith.constant 1 : i32
    %dma_wait3A_479 = arith.constant 0 : i32
    %dma_wait3A_480 = arith.constant 0 : i32
    %dma_wait3A_481 = tpu.memref_slice %arg7[%dma_wait3A_478, %dma_wait3A_479, %dma_wait3A_480] : memref<2x79x128xi32, #tpu.memory_space<vmem>> -> memref<1x79x128xi32, #tpu.memory_space<vmem>>
    %dma_wait3A_482 = tpu.memref_squeeze %dma_wait3A_481 : memref<1x79x128xi32, #tpu.memory_space<vmem>> -> memref<79x128xi32, #tpu.memory_space<vmem>>
    %dma_wait3A_483 = arith.constant 0 : i32
    %dma_wait3A_484 = tpu.memref_slice %arg3[%add3A_345, %dma_wait3A_477, %dma_wait3A_483] : memref<1250x2x128xi32, #tpu.memory_space<hbm>> -> memref<79x1x128xi32, #tpu.memory_space<hbm>>
    %dma_wait3A_485 = tpu.memref_squeeze %dma_wait3A_484 : memref<79x1x128xi32, #tpu.memory_space<hbm>> -> memref<79x128xi32, #tpu.memory_space<hbm>>
    %dma_wait3A_486 = arith.constant 0 : i32
    %dma_wait3A_487 = arith.constant 0 : i32
    %dma_wait3A_488 = tpu.memref_slice %arg7[%dma_wait3A_478, %dma_wait3A_486, %dma_wait3A_487] : memref<2x79x128xi32, #tpu.memory_space<vmem>> -> memref<1x79x128xi32, #tpu.memory_space<vmem>>
    %dma_wait3A_489 = tpu.memref_squeeze %dma_wait3A_488 : memref<1x79x128xi32, #tpu.memory_space<vmem>> -> memref<79x128xi32, #tpu.memory_space<vmem>>
    %dma_wait3A_490 = arith.constant 0 : i32
    %dma_wait3A_491 = tpu.memref_slice %arg3[%add3A_345, %dma_wait3A_477, %dma_wait3A_490] : memref<1250x2x128xi32, #tpu.memory_space<hbm>> -> memref<79x1x128xi32, #tpu.memory_space<hbm>>
    %dma_wait3A_492 = tpu.memref_squeeze %dma_wait3A_491 : memref<79x1x128xi32, #tpu.memory_space<hbm>> -> memref<79x128xi32, #tpu.memory_space<hbm>>
    tpu.wait_dma2 semaphore(%arg11 : memref<!tpu.dma_semaphore, #tpu.memory_space<semaphore_mem>>) src(%dma_wait3A_492 : memref<79x128xi32, #tpu.memory_space<hbm>>) dst(%dma_wait3A_489 : memref<79x128xi32, #tpu.memory_space<vmem>>)
    %sub3A_493 = arith.constant 79 : i32
    %sub3A_494 = arith.subi %sub3A_71, %sub3A_493 : i32
    %sub3A_495 = arith.constant 237 : i32
    %sub3A_496 = arith.subi %sub3A_495, %sub3A_494 : i32
    %parallel_loop3A_497 = arith.constant 0 : i32
    %parallel_loop3A_498 = arith.constant 79 : i32
    %parallel_loop3A_499 = arith.constant 1 : i32
    scf.for %parallel_loop3A_502 = %parallel_loop3A_497 to %parallel_loop3A_498 step %parallel_loop3A_499  : i32 {
      %parallel_loop3A_503 = arith.cmpi sge, %parallel_loop3A_502, %sub3A_496 : i32
      %parallel_loop3A_504 = vector.broadcast %parallel_loop3A_503 : i1 to vector<16xi1>
      %parallel_loop3A_505 = arith.constant 1 : i32
      %parallel_loop3A_506 = arith.index_cast %parallel_loop3A_505 : i32 to index
      %parallel_loop3A_507 = arith.index_cast %parallel_loop3A_502 : i32 to index
      %parallel_loop3A_508 = arith.constant 0 : index
      %parallel_loop3A_509 = tpu.vector_load %arg7[%parallel_loop3A_506, %parallel_loop3A_507, %parallel_loop3A_508] {strides = array<i32>} : memref<2x79x128xi32, #tpu.memory_space<vmem>>, vector<16xi32>,
      %parallel_loop3A_510 = arith.constant 1 : i32
      %parallel_loop3A_511 = arith.index_cast %parallel_loop3A_510 : i32 to index
      %parallel_loop3A_512 = arith.index_cast %parallel_loop3A_502 : i32 to index
      %parallel_loop3A_513 = arith.constant 0 : index
      %parallel_loop3A_514 = tpu.vector_load %arg5[%parallel_loop3A_511, %parallel_loop3A_512, %parallel_loop3A_513] {strides = array<i32>} : memref<2x79x128xf32, #tpu.memory_space<vmem>>, vector<16xf32>,
      %parallel_loop3A_515 = arith.constant 1 : i32
      %parallel_loop3A_516 = arith.index_cast %parallel_loop3A_515 : i32 to index
      %parallel_loop3A_517 = arith.index_cast %parallel_loop3A_502 : i32 to index
      %parallel_loop3A_518 = arith.constant 0 : index
      %parallel_loop3A_519 = tpu.vector_load %arg6[%parallel_loop3A_516, %parallel_loop3A_517, %parallel_loop3A_518] {strides = array<i32>} : memref<2x79x128xf32, #tpu.memory_space<vmem>>, vector<16xf32>,
      tpu.vector_store_idx %arg8[%parallel_loop3A_509], %parallel_loop3A_514 masked %parallel_loop3A_504 {add = true} : memref<10240xf32, #tpu.memory_space<vmem>>[vector<16xi32>], vector<16xf32>, vector<16xi1>
      tpu.vector_store_idx %arg9[%parallel_loop3A_509], %parallel_loop3A_519 masked %parallel_loop3A_504 {add = true} : memref<10240xf32, #tpu.memory_space<vmem>>[vector<16xi32>], vector<16xf32>, vector<16xi1>
      %parallel_loop3A_520 = arith.constant 1 : i32
      %parallel_loop3A_521 = arith.index_cast %parallel_loop3A_520 : i32 to index
      %parallel_loop3A_522 = arith.index_cast %parallel_loop3A_502 : i32 to index
      %parallel_loop3A_523 = arith.constant 16 : index
      %parallel_loop3A_524 = tpu.vector_load %arg7[%parallel_loop3A_521, %parallel_loop3A_522, %parallel_loop3A_523] {strides = array<i32>} : memref<2x79x128xi32, #tpu.memory_space<vmem>>, vector<16xi32>,
      %parallel_loop3A_525 = arith.constant 1 : i32
      %parallel_loop3A_526 = arith.index_cast %parallel_loop3A_525 : i32 to index
      %parallel_loop3A_527 = arith.index_cast %parallel_loop3A_502 : i32 to index
      %parallel_loop3A_528 = arith.constant 16 : index
      %parallel_loop3A_529 = tpu.vector_load %arg5[%parallel_loop3A_526, %parallel_loop3A_527, %parallel_loop3A_528] {strides = array<i32>} : memref<2x79x128xf32, #tpu.memory_space<vmem>>, vector<16xf32>,
      %parallel_loop3A_530 = arith.constant 1 : i32
      %parallel_loop3A_531 = arith.index_cast %parallel_loop3A_530 : i32 to index
      %parallel_loop3A_532 = arith.index_cast %parallel_loop3A_502 : i32 to index
      %parallel_loop3A_533 = arith.constant 16 : index
      %parallel_loop3A_534 = tpu.vector_load %arg6[%parallel_loop3A_531, %parallel_loop3A_532, %parallel_loop3A_533] {strides = array<i32>} : memref<2x79x128xf32, #tpu.memory_space<vmem>>, vector<16xf32>,
      tpu.vector_store_idx %arg8[%parallel_loop3A_524], %parallel_loop3A_529 masked %parallel_loop3A_504 {add = true} : memref<10240xf32, #tpu.memory_space<vmem>>[vector<16xi32>], vector<16xf32>, vector<16xi1>
      tpu.vector_store_idx %arg9[%parallel_loop3A_524], %parallel_loop3A_534 masked %parallel_loop3A_504 {add = true} : memref<10240xf32, #tpu.memory_space<vmem>>[vector<16xi32>], vector<16xf32>, vector<16xi1>
      %parallel_loop3A_535 = arith.constant 1 : i32
      %parallel_loop3A_536 = arith.index_cast %parallel_loop3A_535 : i32 to index
      %parallel_loop3A_537 = arith.index_cast %parallel_loop3A_502 : i32 to index
      %parallel_loop3A_538 = arith.constant 32 : index
      %parallel_loop3A_539 = tpu.vector_load %arg7[%parallel_loop3A_536, %parallel_loop3A_537, %parallel_loop3A_538] {strides = array<i32>} : memref<2x79x128xi32, #tpu.memory_space<vmem>>, vector<16xi32>,
      %parallel_loop3A_540 = arith.constant 1 : i32
      %parallel_loop3A_541 = arith.index_cast %parallel_loop3A_540 : i32 to index
      %parallel_loop3A_542 = arith.index_cast %parallel_loop3A_502 : i32 to index
      %parallel_loop3A_543 = arith.constant 32 : index
      %parallel_loop3A_544 = tpu.vector_load %arg5[%parallel_loop3A_541, %parallel_loop3A_542, %parallel_loop3A_543] {strides = array<i32>} : memref<2x79x128xf32, #tpu.memory_space<vmem>>, vector<16xf32>,
      %parallel_loop3A_545 = arith.constant 1 : i32
      %parallel_loop3A_546 = arith.index_cast %parallel_loop3A_545 : i32 to index
      %parallel_loop3A_547 = arith.index_cast %parallel_loop3A_502 : i32 to index
      %parallel_loop3A_548 = arith.constant 32 : index
      %parallel_loop3A_549 = tpu.vector_load %arg6[%parallel_loop3A_546, %parallel_loop3A_547, %parallel_loop3A_548] {strides = array<i32>} : memref<2x79x128xf32, #tpu.memory_space<vmem>>, vector<16xf32>,
      tpu.vector_store_idx %arg8[%parallel_loop3A_539], %parallel_loop3A_544 masked %parallel_loop3A_504 {add = true} : memref<10240xf32, #tpu.memory_space<vmem>>[vector<16xi32>], vector<16xf32>, vector<16xi1>
      tpu.vector_store_idx %arg9[%parallel_loop3A_539], %parallel_loop3A_549 masked %parallel_loop3A_504 {add = true} : memref<10240xf32, #tpu.memory_space<vmem>>[vector<16xi32>], vector<16xf32>, vector<16xi1>
      %parallel_loop3A_550 = arith.constant 1 : i32
      %parallel_loop3A_551 = arith.index_cast %parallel_loop3A_550 : i32 to index
      %parallel_loop3A_552 = arith.index_cast %parallel_loop3A_502 : i32 to index
      %parallel_loop3A_553 = arith.constant 48 : index
      %parallel_loop3A_554 = tpu.vector_load %arg7[%parallel_loop3A_551, %parallel_loop3A_552, %parallel_loop3A_553] {strides = array<i32>} : memref<2x79x128xi32, #tpu.memory_space<vmem>>, vector<16xi32>,
      %parallel_loop3A_555 = arith.constant 1 : i32
      %parallel_loop3A_556 = arith.index_cast %parallel_loop3A_555 : i32 to index
      %parallel_loop3A_557 = arith.index_cast %parallel_loop3A_502 : i32 to index
      %parallel_loop3A_558 = arith.constant 48 : index
      %parallel_loop3A_559 = tpu.vector_load %arg5[%parallel_loop3A_556, %parallel_loop3A_557, %parallel_loop3A_558] {strides = array<i32>} : memref<2x79x128xf32, #tpu.memory_space<vmem>>, vector<16xf32>,
      %parallel_loop3A_560 = arith.constant 1 : i32
      %parallel_loop3A_561 = arith.index_cast %parallel_loop3A_560 : i32 to index
      %parallel_loop3A_562 = arith.index_cast %parallel_loop3A_502 : i32 to index
      %parallel_loop3A_563 = arith.constant 48 : index
      %parallel_loop3A_564 = tpu.vector_load %arg6[%parallel_loop3A_561, %parallel_loop3A_562, %parallel_loop3A_563] {strides = array<i32>} : memref<2x79x128xf32, #tpu.memory_space<vmem>>, vector<16xf32>,
      tpu.vector_store_idx %arg8[%parallel_loop3A_554], %parallel_loop3A_559 masked %parallel_loop3A_504 {add = true} : memref<10240xf32, #tpu.memory_space<vmem>>[vector<16xi32>], vector<16xf32>, vector<16xi1>
      tpu.vector_store_idx %arg9[%parallel_loop3A_554], %parallel_loop3A_564 masked %parallel_loop3A_504 {add = true} : memref<10240xf32, #tpu.memory_space<vmem>>[vector<16xi32>], vector<16xf32>, vector<16xi1>
      %parallel_loop3A_565 = arith.constant 1 : i32
      %parallel_loop3A_566 = arith.index_cast %parallel_loop3A_565 : i32 to index
      %parallel_loop3A_567 = arith.index_cast %parallel_loop3A_502 : i32 to index
      %parallel_loop3A_568 = arith.constant 64 : index
      %parallel_loop3A_569 = tpu.vector_load %arg7[%parallel_loop3A_566, %parallel_loop3A_567, %parallel_loop3A_568] {strides = array<i32>} : memref<2x79x128xi32, #tpu.memory_space<vmem>>, vector<16xi32>,
      %parallel_loop3A_570 = arith.constant 1 : i32
      %parallel_loop3A_571 = arith.index_cast %parallel_loop3A_570 : i32 to index
      %parallel_loop3A_572 = arith.index_cast %parallel_loop3A_502 : i32 to index
      %parallel_loop3A_573 = arith.constant 64 : index
      %parallel_loop3A_574 = tpu.vector_load %arg5[%parallel_loop3A_571, %parallel_loop3A_572, %parallel_loop3A_573] {strides = array<i32>} : memref<2x79x128xf32, #tpu.memory_space<vmem>>, vector<16xf32>,
      %parallel_loop3A_575 = arith.constant 1 : i32
      %parallel_loop3A_576 = arith.index_cast %parallel_loop3A_575 : i32 to index
      %parallel_loop3A_577 = arith.index_cast %parallel_loop3A_502 : i32 to index
      %parallel_loop3A_578 = arith.constant 64 : index
      %parallel_loop3A_579 = tpu.vector_load %arg6[%parallel_loop3A_576, %parallel_loop3A_577, %parallel_loop3A_578] {strides = array<i32>} : memref<2x79x128xf32, #tpu.memory_space<vmem>>, vector<16xf32>,
      tpu.vector_store_idx %arg8[%parallel_loop3A_569], %parallel_loop3A_574 masked %parallel_loop3A_504 {add = true} : memref<10240xf32, #tpu.memory_space<vmem>>[vector<16xi32>], vector<16xf32>, vector<16xi1>
      tpu.vector_store_idx %arg9[%parallel_loop3A_569], %parallel_loop3A_579 masked %parallel_loop3A_504 {add = true} : memref<10240xf32, #tpu.memory_space<vmem>>[vector<16xi32>], vector<16xf32>, vector<16xi1>
      %parallel_loop3A_580 = arith.constant 1 : i32
      %parallel_loop3A_581 = arith.index_cast %parallel_loop3A_580 : i32 to index
      %parallel_loop3A_582 = arith.index_cast %parallel_loop3A_502 : i32 to index
      %parallel_loop3A_583 = arith.constant 80 : index
      %parallel_loop3A_584 = tpu.vector_load %arg7[%parallel_loop3A_581, %parallel_loop3A_582, %parallel_loop3A_583] {strides = array<i32>} : memref<2x79x128xi32, #tpu.memory_space<vmem>>, vector<16xi32>,
      %parallel_loop3A_585 = arith.constant 1 : i32
      %parallel_loop3A_586 = arith.index_cast %parallel_loop3A_585 : i32 to index
      %parallel_loop3A_587 = arith.index_cast %parallel_loop3A_502 : i32 to index
      %parallel_loop3A_588 = arith.constant 80 : index
      %parallel_loop3A_589 = tpu.vector_load %arg5[%parallel_loop3A_586, %parallel_loop3A_587, %parallel_loop3A_588] {strides = array<i32>} : memref<2x79x128xf32, #tpu.memory_space<vmem>>, vector<16xf32>,
      %parallel_loop3A_590 = arith.constant 1 : i32
      %parallel_loop3A_591 = arith.index_cast %parallel_loop3A_590 : i32 to index
      %parallel_loop3A_592 = arith.index_cast %parallel_loop3A_502 : i32 to index
      %parallel_loop3A_593 = arith.constant 80 : index
      %parallel_loop3A_594 = tpu.vector_load %arg6[%parallel_loop3A_591, %parallel_loop3A_592, %parallel_loop3A_593] {strides = array<i32>} : memref<2x79x128xf32, #tpu.memory_space<vmem>>, vector<16xf32>,
      tpu.vector_store_idx %arg8[%parallel_loop3A_584], %parallel_loop3A_589 masked %parallel_loop3A_504 {add = true} : memref<10240xf32, #tpu.memory_space<vmem>>[vector<16xi32>], vector<16xf32>, vector<16xi1>
      tpu.vector_store_idx %arg9[%parallel_loop3A_584], %parallel_loop3A_594 masked %parallel_loop3A_504 {add = true} : memref<10240xf32, #tpu.memory_space<vmem>>[vector<16xi32>], vector<16xf32>, vector<16xi1>
      %parallel_loop3A_595 = arith.constant 1 : i32
      %parallel_loop3A_596 = arith.index_cast %parallel_loop3A_595 : i32 to index
      %parallel_loop3A_597 = arith.index_cast %parallel_loop3A_502 : i32 to index
      %parallel_loop3A_598 = arith.constant 96 : index
      %parallel_loop3A_599 = tpu.vector_load %arg7[%parallel_loop3A_596, %parallel_loop3A_597, %parallel_loop3A_598] {strides = array<i32>} : memref<2x79x128xi32, #tpu.memory_space<vmem>>, vector<16xi32>,
      %parallel_loop3A_600 = arith.constant 1 : i32
      %parallel_loop3A_601 = arith.index_cast %parallel_loop3A_600 : i32 to index
      %parallel_loop3A_602 = arith.index_cast %parallel_loop3A_502 : i32 to index
      %parallel_loop3A_603 = arith.constant 96 : index
      %parallel_loop3A_604 = tpu.vector_load %arg5[%parallel_loop3A_601, %parallel_loop3A_602, %parallel_loop3A_603] {strides = array<i32>} : memref<2x79x128xf32, #tpu.memory_space<vmem>>, vector<16xf32>,
      %parallel_loop3A_605 = arith.constant 1 : i32
      %parallel_loop3A_606 = arith.index_cast %parallel_loop3A_605 : i32 to index
      %parallel_loop3A_607 = arith.index_cast %parallel_loop3A_502 : i32 to index
      %parallel_loop3A_608 = arith.constant 96 : index
      %parallel_loop3A_609 = tpu.vector_load %arg6[%parallel_loop3A_606, %parallel_loop3A_607, %parallel_loop3A_608] {strides = array<i32>} : memref<2x79x128xf32, #tpu.memory_space<vmem>>, vector<16xf32>,
      tpu.vector_store_idx %arg8[%parallel_loop3A_599], %parallel_loop3A_604 masked %parallel_loop3A_504 {add = true} : memref<10240xf32, #tpu.memory_space<vmem>>[vector<16xi32>], vector<16xf32>, vector<16xi1>
      tpu.vector_store_idx %arg9[%parallel_loop3A_599], %parallel_loop3A_609 masked %parallel_loop3A_504 {add = true} : memref<10240xf32, #tpu.memory_space<vmem>>[vector<16xi32>], vector<16xf32>, vector<16xi1>
      %parallel_loop3A_610 = arith.constant 1 : i32
      %parallel_loop3A_611 = arith.index_cast %parallel_loop3A_610 : i32 to index
      %parallel_loop3A_612 = arith.index_cast %parallel_loop3A_502 : i32 to index
      %parallel_loop3A_613 = arith.constant 112 : index
      %parallel_loop3A_614 = tpu.vector_load %arg7[%parallel_loop3A_611, %parallel_loop3A_612, %parallel_loop3A_613] {strides = array<i32>} : memref<2x79x128xi32, #tpu.memory_space<vmem>>, vector<16xi32>,
      %parallel_loop3A_615 = arith.constant 1 : i32
      %parallel_loop3A_616 = arith.index_cast %parallel_loop3A_615 : i32 to index
      %parallel_loop3A_617 = arith.index_cast %parallel_loop3A_502 : i32 to index
      %parallel_loop3A_618 = arith.constant 112 : index
      %parallel_loop3A_619 = tpu.vector_load %arg5[%parallel_loop3A_616, %parallel_loop3A_617, %parallel_loop3A_618] {strides = array<i32>} : memref<2x79x128xf32, #tpu.memory_space<vmem>>, vector<16xf32>,
      %parallel_loop3A_620 = arith.constant 1 : i32
      %parallel_loop3A_621 = arith.index_cast %parallel_loop3A_620 : i32 to index
      %parallel_loop3A_622 = arith.index_cast %parallel_loop3A_502 : i32 to index
      %parallel_loop3A_623 = arith.constant 112 : index
      %parallel_loop3A_624 = tpu.vector_load %arg6[%parallel_loop3A_621, %parallel_loop3A_622, %parallel_loop3A_623] {strides = array<i32>} : memref<2x79x128xf32, #tpu.memory_space<vmem>>, vector<16xf32>,
      tpu.vector_store_idx %arg8[%parallel_loop3A_614], %parallel_loop3A_619 masked %parallel_loop3A_504 {add = true} : memref<10240xf32, #tpu.memory_space<vmem>>[vector<16xi32>], vector<16xf32>, vector<16xi1>
      tpu.vector_store_idx %arg9[%parallel_loop3A_614], %parallel_loop3A_624 masked %parallel_loop3A_504 {add = true} : memref<10240xf32, #tpu.memory_space<vmem>>[vector<16xi32>], vector<16xf32>, vector<16xi1>
    } {sc.loop_unroll_factor = 4 : i64, sc.parallel_access}
    "tpu.region"() ({
      %run_scoped3A = tpu.sem_alloc : memref<!tpu.dma_semaphore, #tpu.memory_space<semaphore_mem>>
      %dma_start3A_502 = arith.constant 0 : i32
      %dma_start3A_503 = tpu.memref_slice %arg4[%arg0, %select_n3A_28, %select_n3A_52, %mul3A_69, %dma_start3A_502] : memref<2x2x2x8x10240xf32, #tpu.memory_space<hbm>> -> memref<1x1x1x1x10240xf32, #tpu.memory_space<hbm>>
      %dma_start3A_504 = tpu.memref_squeeze %dma_start3A_503 : memref<1x1x1x1x10240xf32, #tpu.memory_space<hbm>> -> memref<10240xf32, #tpu.memory_space<hbm>>
      %dma_start3A_505 = arith.constant 0 : i32
      %dma_start3A_506 = tpu.memref_slice %arg4[%arg0, %select_n3A_28, %select_n3A_52, %mul3A_69, %dma_start3A_505] : memref<2x2x2x8x10240xf32, #tpu.memory_space<hbm>> -> memref<1x1x1x1x10240xf32, #tpu.memory_space<hbm>>
      %dma_start3A_507 = tpu.memref_squeeze %dma_start3A_506 : memref<1x1x1x1x10240xf32, #tpu.memory_space<hbm>> -> memref<10240xf32, #tpu.memory_space<hbm>>
      tpu.enqueue_dma source(%arg8 : memref<10240xf32, #tpu.memory_space<vmem>>) target(%dma_start3A_507 : memref<10240xf32, #tpu.memory_space<hbm>>) target_semaphore(%run_scoped3A : memref<!tpu.dma_semaphore, #tpu.memory_space<semaphore_mem>>)
      %dma_wait3A_508 = arith.constant 0 : i32
      %dma_wait3A_509 = tpu.memref_slice %arg4[%arg0, %select_n3A_28, %select_n3A_52, %mul3A_69, %dma_wait3A_508] : memref<2x2x2x8x10240xf32, #tpu.memory_space<hbm>> -> memref<1x1x1x1x10240xf32, #tpu.memory_space<hbm>>
      %dma_wait3A_510 = tpu.memref_squeeze %dma_wait3A_509 : memref<1x1x1x1x10240xf32, #tpu.memory_space<hbm>> -> memref<10240xf32, #tpu.memory_space<hbm>>
      %dma_wait3A_511 = arith.constant 0 : i32
      %dma_wait3A_512 = tpu.memref_slice %arg4[%arg0, %select_n3A_28, %select_n3A_52, %mul3A_69, %dma_wait3A_511] : memref<2x2x2x8x10240xf32, #tpu.memory_space<hbm>> -> memref<1x1x1x1x10240xf32, #tpu.memory_space<hbm>>
      %dma_wait3A_513 = tpu.memref_squeeze %dma_wait3A_512 : memref<1x1x1x1x10240xf32, #tpu.memory_space<hbm>> -> memref<10240xf32, #tpu.memory_space<hbm>>
      tpu.wait_dma2 semaphore(%run_scoped3A : memref<!tpu.dma_semaphore, #tpu.memory_space<semaphore_mem>>) src(%arg8 : memref<10240xf32, #tpu.memory_space<vmem>>) dst(%dma_wait3A_513 : memref<10240xf32, #tpu.memory_space<hbm>>)
      tpu.yield
    }) : () -> ()
    %add3A_500 = arith.constant 1 : i32
    %add3A_501 = arith.addi %mul3A_69, %add3A_500 : i32
    "tpu.region"() ({
      %run_scoped3A = tpu.sem_alloc : memref<!tpu.dma_semaphore, #tpu.memory_space<semaphore_mem>>
      %dma_start3A_502 = arith.constant 0 : i32
      %dma_start3A_503 = tpu.memref_slice %arg4[%arg0, %select_n3A_28, %select_n3A_52, %add3A_501, %dma_start3A_502] : memref<2x2x2x8x10240xf32, #tpu.memory_space<hbm>> -> memref<1x1x1x1x10240xf32, #tpu.memory_space<hbm>>
      %dma_start3A_504 = tpu.memref_squeeze %dma_start3A_503 : memref<1x1x1x1x10240xf32, #tpu.memory_space<hbm>> -> memref<10240xf32, #tpu.memory_space<hbm>>
      %dma_start3A_505 = arith.constant 0 : i32
      %dma_start3A_506 = tpu.memref_slice %arg4[%arg0, %select_n3A_28, %select_n3A_52, %add3A_501, %dma_start3A_505] : memref<2x2x2x8x10240xf32, #tpu.memory_space<hbm>> -> memref<1x1x1x1x10240xf32, #tpu.memory_space<hbm>>
      %dma_start3A_507 = tpu.memref_squeeze %dma_start3A_506 : memref<1x1x1x1x10240xf32, #tpu.memory_space<hbm>> -> memref<10240xf32, #tpu.memory_space<hbm>>
      tpu.enqueue_dma source(%arg9 : memref<10240xf32, #tpu.memory_space<vmem>>) target(%dma_start3A_507 : memref<10240xf32, #tpu.memory_space<hbm>>) target_semaphore(%run_scoped3A : memref<!tpu.dma_semaphore, #tpu.memory_space<semaphore_mem>>)
      %dma_wait3A_508 = arith.constant 0 : i32
      %dma_wait3A_509 = tpu.memref_slice %arg4[%arg0, %select_n3A_28, %select_n3A_52, %add3A_501, %dma_wait3A_508] : memref<2x2x2x8x10240xf32, #tpu.memory_space<hbm>> -> memref<1x1x1x1x10240xf32, #tpu.memory_space<hbm>>
      %dma_wait3A_510 = tpu.memref_squeeze %dma_wait3A_509 : memref<1x1x1x1x10240xf32, #tpu.memory_space<hbm>> -> memref<10240xf32, #tpu.memory_space<hbm>>
      %dma_wait3A_511 = arith.constant 0 : i32
      %dma_wait3A_512 = tpu.memref_slice %arg4[%arg0, %select_n3A_28, %select_n3A_52, %add3A_501, %dma_wait3A_511] : memref<2x2x2x8x10240xf32, #tpu.memory_space<hbm>> -> memref<1x1x1x1x10240xf32, #tpu.memory_space<hbm>>
      %dma_wait3A_513 = tpu.memref_squeeze %dma_wait3A_512 : memref<1x1x1x1x10240xf32, #tpu.memory_space<hbm>> -> memref<10240xf32, #tpu.memory_space<hbm>>
      tpu.wait_dma2 semaphore(%run_scoped3A : memref<!tpu.dma_semaphore, #tpu.memory_space<semaphore_mem>>) src(%arg9 : memref<10240xf32, #tpu.memory_space<vmem>>) dst(%dma_wait3A_513 : memref<10240xf32, #tpu.memory_space<hbm>>)
      tpu.yield
    }) : () -> ()
    return
  }
}

module attributes {stable_mosaic.version = 14 : i64} {
  func.func @body(%arg0: i32, %arg1: memref<2048x256xf32, #tpu.memory_space<vmem>>, %arg2: memref<2x2x2x8x16x128xf32, #tpu.memory_space<vmem>>, %arg3: memref<256x256xf32, #tpu.memory_space<vmem>>, %arg4: memref<16x256xf32, #tpu.memory_space<vmem>>, %arg5: memref<1x256xf32, #tpu.memory_space<vmem>>, %arg6: memref<256x256xf32, #tpu.memory_space<vmem>>, %arg7: memref<1x256xf32, #tpu.memory_space<vmem>>, %arg8: memref<2048x256xf32, #tpu.memory_space<vmem>>) attributes {dimension_semantics = [#tpu.dimension_semantics<arbitrary>], iteration_bounds = array<i64: 5>, scalar_prefetch = 0 : i64, scratch_operands = 0 : i64, tpu.core_type = #tpu.core_type<tc>, window_params = [{transform_indices = @transform_0, window_bounds = array<i64: 2048, 256>}, {transform_indices = @transform_1, window_bounds = array<i64: 2, 2, 2, 8, 16, 128>}, {pipeline_mode = #tpu.pipeline_mode<synchronous>, transform_indices = @transform_2, window_bounds = array<i64: 256, 256>}, {pipeline_mode = #tpu.pipeline_mode<synchronous>, transform_indices = @transform_3, window_bounds = array<i64: 16, 256>}, {pipeline_mode = #tpu.pipeline_mode<synchronous>, transform_indices = @transform_4, window_bounds = array<i64: 1, 256>}, {pipeline_mode = #tpu.pipeline_mode<synchronous>, transform_indices = @transform_5, window_bounds = array<i64: 256, 256>}, {pipeline_mode = #tpu.pipeline_mode<synchronous>, transform_indices = @transform_6, window_bounds = array<i64: 1, 256>}, {transform_indices = @transform_7, window_bounds = array<i64: 2048, 256>}]} {
    %get3A = arith.constant 0 : index
    %get3A_0 = arith.constant 0 : index
    %get3A_1 = arith.constant 0 : index
    %get3A_2 = arith.constant 0 : index
    %get3A_3 = arith.constant 0 : index
    %get3A_4 = arith.constant 0 : index
    %get3A_5 = vector.load %arg2[%get3A, %get3A_0, %get3A_1, %get3A_2, %get3A_3, %get3A_4] : memref<2x2x2x8x16x128xf32, #tpu.memory_space<vmem>>, vector<2x2x2x8x16x128xf32>
    %slice3A = vector.extract_strided_slice %get3A_5 {offsets = [0, 0, 0, 0, 0, 0], sizes = [1, 1, 2, 8, 16, 128], strides = [1, 1, 1, 1, 1, 1]} : vector<2x2x2x8x16x128xf32> to vector<1x1x2x8x16x128xf32>
    %squeeze3A = vector.shape_cast %slice3A : vector<1x1x2x8x16x128xf32> to vector<2x8x16x128xf32>
    %slice3A_6 = vector.extract_strided_slice %get3A_5 {offsets = [0, 1, 0, 0, 0, 0], sizes = [1, 1, 2, 8, 16, 128], strides = [1, 1, 1, 1, 1, 1]} : vector<2x2x2x8x16x128xf32> to vector<1x1x2x8x16x128xf32>
    %squeeze3A_7 = vector.shape_cast %slice3A_6 : vector<1x1x2x8x16x128xf32> to vector<2x8x16x128xf32>
    %add3A = arith.addf %squeeze3A, %squeeze3A_7 : vector<2x8x16x128xf32>
    %slice3A_8 = vector.extract_strided_slice %get3A_5 {offsets = [1, 0, 0, 0, 0, 0], sizes = [1, 1, 2, 8, 16, 128], strides = [1, 1, 1, 1, 1, 1]} : vector<2x2x2x8x16x128xf32> to vector<1x1x2x8x16x128xf32>
    %squeeze3A_9 = vector.shape_cast %slice3A_8 : vector<1x1x2x8x16x128xf32> to vector<2x8x16x128xf32>
    %add3A_10 = arith.addf %add3A, %squeeze3A_9 : vector<2x8x16x128xf32>
    %slice3A_11 = vector.extract_strided_slice %get3A_5 {offsets = [1, 1, 0, 0, 0, 0], sizes = [1, 1, 2, 8, 16, 128], strides = [1, 1, 1, 1, 1, 1]} : vector<2x2x2x8x16x128xf32> to vector<1x1x2x8x16x128xf32>
    %squeeze3A_12 = vector.shape_cast %slice3A_11 : vector<1x1x2x8x16x128xf32> to vector<2x8x16x128xf32>
    %add3A_13 = arith.addf %add3A_10, %squeeze3A_12 : vector<2x8x16x128xf32>
    %get3A_14 = arith.constant 0 : index
    %get3A_15 = arith.constant 0 : index
    %get3A_16 = vector.load %arg1[%get3A_14, %get3A_15] : memref<2048x256xf32, #tpu.memory_space<vmem>>, vector<2048x256xf32>
    %convert_element_type3A = arith.truncf %get3A_16 : vector<2048x256xf32> to vector<2048x256xbf16>
    %get3A_17 = arith.constant 0 : index
    %get3A_18 = arith.constant 0 : index
    %get3A_19 = vector.load %arg3[%get3A_17, %get3A_18] : memref<256x256xf32, #tpu.memory_space<vmem>>, vector<256x256xf32>
    %convert_element_type3A_20 = arith.truncf %get3A_19 : vector<256x256xf32> to vector<256x256xbf16>
    %dot_general3A = arith.constant dense<0.000000e+00> : vector<2048x256xf32>
    %dot_general3A_21 = tpu.matmul %convert_element_type3A, %convert_element_type3A_20, %dot_general3A {dimension_numbers = #tpu.dot_dimension_numbers<[1], [0], [0], [1], [0, 0, 1, 1], [], []>, transpose_lhs_hint = false} : vector<2048x256xbf16>, vector<256x256xbf16>, vector<2048x256xf32> -> vector<2048x256xf32>
    %slice3A_22 = vector.extract_strided_slice %add3A_13 {offsets = [0, 0, 0, 0], sizes = [1, 8, 1, 128], strides = [1, 1, 1, 1]} : vector<2x8x16x128xf32> to vector<1x8x1x128xf32>
    %squeeze3A_23 = vector.shape_cast %slice3A_22 : vector<1x8x1x128xf32> to vector<8x128xf32>
    %slice3A_24 = vector.extract_strided_slice %add3A_13 {offsets = [1, 0, 0, 0], sizes = [1, 8, 1, 128], strides = [1, 1, 1, 1]} : vector<2x8x16x128xf32> to vector<1x8x1x128xf32>
    %squeeze3A_25 = vector.shape_cast %slice3A_24 : vector<1x8x1x128xf32> to vector<8x128xf32>
    %concatenate3A = tpu.concatenate %squeeze3A_23, %squeeze3A_25 in 0 : vector<8x128xf32>, vector<8x128xf32> -> vector<16x128xf32>
    %get3A_26 = arith.constant 0 : index
    %get3A_27 = arith.constant 0 : index
    %get3A_28 = vector.load %arg4[%get3A_26, %get3A_27] : memref<16x256xf32, #tpu.memory_space<vmem>>, vector<16x256xf32>
    %dot_general3A_29 = arith.constant dense<0.000000e+00> : vector<128x256xf32>
    %dot_general3A_30 = tpu.matmul %concatenate3A, %get3A_28, %dot_general3A_29 {dimension_numbers = #tpu.dot_dimension_numbers<[0], [0], [1], [1], [0, 1, 1, 1], [], []>, transpose_lhs_hint = false} : vector<16x128xf32>, vector<16x256xf32>, vector<128x256xf32> -> vector<128x256xf32>
    %slice3A_31 = vector.extract_strided_slice %add3A_13 {offsets = [0, 0, 1, 0], sizes = [1, 8, 1, 128], strides = [1, 1, 1, 1]} : vector<2x8x16x128xf32> to vector<1x8x1x128xf32>
    %squeeze3A_32 = vector.shape_cast %slice3A_31 : vector<1x8x1x128xf32> to vector<8x128xf32>
    %slice3A_33 = vector.extract_strided_slice %add3A_13 {offsets = [1, 0, 1, 0], sizes = [1, 8, 1, 128], strides = [1, 1, 1, 1]} : vector<2x8x16x128xf32> to vector<1x8x1x128xf32>
    %squeeze3A_34 = vector.shape_cast %slice3A_33 : vector<1x8x1x128xf32> to vector<8x128xf32>
    %concatenate3A_35 = tpu.concatenate %squeeze3A_32, %squeeze3A_34 in 0 : vector<8x128xf32>, vector<8x128xf32> -> vector<16x128xf32>
    %get3A_36 = arith.constant 0 : index
    %get3A_37 = arith.constant 0 : index
    %get3A_38 = vector.load %arg4[%get3A_36, %get3A_37] : memref<16x256xf32, #tpu.memory_space<vmem>>, vector<16x256xf32>
    %dot_general3A_39 = arith.constant dense<0.000000e+00> : vector<128x256xf32>
    %dot_general3A_40 = tpu.matmul %concatenate3A_35, %get3A_38, %dot_general3A_39 {dimension_numbers = #tpu.dot_dimension_numbers<[0], [0], [1], [1], [0, 1, 1, 1], [], []>, transpose_lhs_hint = false} : vector<16x128xf32>, vector<16x256xf32>, vector<128x256xf32> -> vector<128x256xf32>
    %slice3A_41 = vector.extract_strided_slice %add3A_13 {offsets = [0, 0, 2, 0], sizes = [1, 8, 1, 128], strides = [1, 1, 1, 1]} : vector<2x8x16x128xf32> to vector<1x8x1x128xf32>
    %squeeze3A_42 = vector.shape_cast %slice3A_41 : vector<1x8x1x128xf32> to vector<8x128xf32>
    %slice3A_43 = vector.extract_strided_slice %add3A_13 {offsets = [1, 0, 2, 0], sizes = [1, 8, 1, 128], strides = [1, 1, 1, 1]} : vector<2x8x16x128xf32> to vector<1x8x1x128xf32>
    %squeeze3A_44 = vector.shape_cast %slice3A_43 : vector<1x8x1x128xf32> to vector<8x128xf32>
    %concatenate3A_45 = tpu.concatenate %squeeze3A_42, %squeeze3A_44 in 0 : vector<8x128xf32>, vector<8x128xf32> -> vector<16x128xf32>
    %get3A_46 = arith.constant 0 : index
    %get3A_47 = arith.constant 0 : index
    %get3A_48 = vector.load %arg4[%get3A_46, %get3A_47] : memref<16x256xf32, #tpu.memory_space<vmem>>, vector<16x256xf32>
    %dot_general3A_49 = arith.constant dense<0.000000e+00> : vector<128x256xf32>
    %dot_general3A_50 = tpu.matmul %concatenate3A_45, %get3A_48, %dot_general3A_49 {dimension_numbers = #tpu.dot_dimension_numbers<[0], [0], [1], [1], [0, 1, 1, 1], [], []>, transpose_lhs_hint = false} : vector<16x128xf32>, vector<16x256xf32>, vector<128x256xf32> -> vector<128x256xf32>
    %slice3A_51 = vector.extract_strided_slice %add3A_13 {offsets = [0, 0, 3, 0], sizes = [1, 8, 1, 128], strides = [1, 1, 1, 1]} : vector<2x8x16x128xf32> to vector<1x8x1x128xf32>
    %squeeze3A_52 = vector.shape_cast %slice3A_51 : vector<1x8x1x128xf32> to vector<8x128xf32>
    %slice3A_53 = vector.extract_strided_slice %add3A_13 {offsets = [1, 0, 3, 0], sizes = [1, 8, 1, 128], strides = [1, 1, 1, 1]} : vector<2x8x16x128xf32> to vector<1x8x1x128xf32>
    %squeeze3A_54 = vector.shape_cast %slice3A_53 : vector<1x8x1x128xf32> to vector<8x128xf32>
    %concatenate3A_55 = tpu.concatenate %squeeze3A_52, %squeeze3A_54 in 0 : vector<8x128xf32>, vector<8x128xf32> -> vector<16x128xf32>
    %get3A_56 = arith.constant 0 : index
    %get3A_57 = arith.constant 0 : index
    %get3A_58 = vector.load %arg4[%get3A_56, %get3A_57] : memref<16x256xf32, #tpu.memory_space<vmem>>, vector<16x256xf32>
    %dot_general3A_59 = arith.constant dense<0.000000e+00> : vector<128x256xf32>
    %dot_general3A_60 = tpu.matmul %concatenate3A_55, %get3A_58, %dot_general3A_59 {dimension_numbers = #tpu.dot_dimension_numbers<[0], [0], [1], [1], [0, 1, 1, 1], [], []>, transpose_lhs_hint = false} : vector<16x128xf32>, vector<16x256xf32>, vector<128x256xf32> -> vector<128x256xf32>
    %slice3A_61 = vector.extract_strided_slice %add3A_13 {offsets = [0, 0, 4, 0], sizes = [1, 8, 1, 128], strides = [1, 1, 1, 1]} : vector<2x8x16x128xf32> to vector<1x8x1x128xf32>
    %squeeze3A_62 = vector.shape_cast %slice3A_61 : vector<1x8x1x128xf32> to vector<8x128xf32>
    %slice3A_63 = vector.extract_strided_slice %add3A_13 {offsets = [1, 0, 4, 0], sizes = [1, 8, 1, 128], strides = [1, 1, 1, 1]} : vector<2x8x16x128xf32> to vector<1x8x1x128xf32>
    %squeeze3A_64 = vector.shape_cast %slice3A_63 : vector<1x8x1x128xf32> to vector<8x128xf32>
    %concatenate3A_65 = tpu.concatenate %squeeze3A_62, %squeeze3A_64 in 0 : vector<8x128xf32>, vector<8x128xf32> -> vector<16x128xf32>
    %get3A_66 = arith.constant 0 : index
    %get3A_67 = arith.constant 0 : index
    %get3A_68 = vector.load %arg4[%get3A_66, %get3A_67] : memref<16x256xf32, #tpu.memory_space<vmem>>, vector<16x256xf32>
    %dot_general3A_69 = arith.constant dense<0.000000e+00> : vector<128x256xf32>
    %dot_general3A_70 = tpu.matmul %concatenate3A_65, %get3A_68, %dot_general3A_69 {dimension_numbers = #tpu.dot_dimension_numbers<[0], [0], [1], [1], [0, 1, 1, 1], [], []>, transpose_lhs_hint = false} : vector<16x128xf32>, vector<16x256xf32>, vector<128x256xf32> -> vector<128x256xf32>
    %slice3A_71 = vector.extract_strided_slice %add3A_13 {offsets = [0, 0, 5, 0], sizes = [1, 8, 1, 128], strides = [1, 1, 1, 1]} : vector<2x8x16x128xf32> to vector<1x8x1x128xf32>
    %squeeze3A_72 = vector.shape_cast %slice3A_71 : vector<1x8x1x128xf32> to vector<8x128xf32>
    %slice3A_73 = vector.extract_strided_slice %add3A_13 {offsets = [1, 0, 5, 0], sizes = [1, 8, 1, 128], strides = [1, 1, 1, 1]} : vector<2x8x16x128xf32> to vector<1x8x1x128xf32>
    %squeeze3A_74 = vector.shape_cast %slice3A_73 : vector<1x8x1x128xf32> to vector<8x128xf32>
    %concatenate3A_75 = tpu.concatenate %squeeze3A_72, %squeeze3A_74 in 0 : vector<8x128xf32>, vector<8x128xf32> -> vector<16x128xf32>
    %get3A_76 = arith.constant 0 : index
    %get3A_77 = arith.constant 0 : index
    %get3A_78 = vector.load %arg4[%get3A_76, %get3A_77] : memref<16x256xf32, #tpu.memory_space<vmem>>, vector<16x256xf32>
    %dot_general3A_79 = arith.constant dense<0.000000e+00> : vector<128x256xf32>
    %dot_general3A_80 = tpu.matmul %concatenate3A_75, %get3A_78, %dot_general3A_79 {dimension_numbers = #tpu.dot_dimension_numbers<[0], [0], [1], [1], [0, 1, 1, 1], [], []>, transpose_lhs_hint = false} : vector<16x128xf32>, vector<16x256xf32>, vector<128x256xf32> -> vector<128x256xf32>
    %slice3A_81 = vector.extract_strided_slice %add3A_13 {offsets = [0, 0, 6, 0], sizes = [1, 8, 1, 128], strides = [1, 1, 1, 1]} : vector<2x8x16x128xf32> to vector<1x8x1x128xf32>
    %squeeze3A_82 = vector.shape_cast %slice3A_81 : vector<1x8x1x128xf32> to vector<8x128xf32>
    %slice3A_83 = vector.extract_strided_slice %add3A_13 {offsets = [1, 0, 6, 0], sizes = [1, 8, 1, 128], strides = [1, 1, 1, 1]} : vector<2x8x16x128xf32> to vector<1x8x1x128xf32>
    %squeeze3A_84 = vector.shape_cast %slice3A_83 : vector<1x8x1x128xf32> to vector<8x128xf32>
    %concatenate3A_85 = tpu.concatenate %squeeze3A_82, %squeeze3A_84 in 0 : vector<8x128xf32>, vector<8x128xf32> -> vector<16x128xf32>
    %get3A_86 = arith.constant 0 : index
    %get3A_87 = arith.constant 0 : index
    %get3A_88 = vector.load %arg4[%get3A_86, %get3A_87] : memref<16x256xf32, #tpu.memory_space<vmem>>, vector<16x256xf32>
    %dot_general3A_89 = arith.constant dense<0.000000e+00> : vector<128x256xf32>
    %dot_general3A_90 = tpu.matmul %concatenate3A_85, %get3A_88, %dot_general3A_89 {dimension_numbers = #tpu.dot_dimension_numbers<[0], [0], [1], [1], [0, 1, 1, 1], [], []>, transpose_lhs_hint = false} : vector<16x128xf32>, vector<16x256xf32>, vector<128x256xf32> -> vector<128x256xf32>
    %slice3A_91 = vector.extract_strided_slice %add3A_13 {offsets = [0, 0, 7, 0], sizes = [1, 8, 1, 128], strides = [1, 1, 1, 1]} : vector<2x8x16x128xf32> to vector<1x8x1x128xf32>
    %squeeze3A_92 = vector.shape_cast %slice3A_91 : vector<1x8x1x128xf32> to vector<8x128xf32>
    %slice3A_93 = vector.extract_strided_slice %add3A_13 {offsets = [1, 0, 7, 0], sizes = [1, 8, 1, 128], strides = [1, 1, 1, 1]} : vector<2x8x16x128xf32> to vector<1x8x1x128xf32>
    %squeeze3A_94 = vector.shape_cast %slice3A_93 : vector<1x8x1x128xf32> to vector<8x128xf32>
    %concatenate3A_95 = tpu.concatenate %squeeze3A_92, %squeeze3A_94 in 0 : vector<8x128xf32>, vector<8x128xf32> -> vector<16x128xf32>
    %get3A_96 = arith.constant 0 : index
    %get3A_97 = arith.constant 0 : index
    %get3A_98 = vector.load %arg4[%get3A_96, %get3A_97] : memref<16x256xf32, #tpu.memory_space<vmem>>, vector<16x256xf32>
    %dot_general3A_99 = arith.constant dense<0.000000e+00> : vector<128x256xf32>
    %dot_general3A_100 = tpu.matmul %concatenate3A_95, %get3A_98, %dot_general3A_99 {dimension_numbers = #tpu.dot_dimension_numbers<[0], [0], [1], [1], [0, 1, 1, 1], [], []>, transpose_lhs_hint = false} : vector<16x128xf32>, vector<16x256xf32>, vector<128x256xf32> -> vector<128x256xf32>
    %slice3A_101 = vector.extract_strided_slice %add3A_13 {offsets = [0, 0, 8, 0], sizes = [1, 8, 1, 128], strides = [1, 1, 1, 1]} : vector<2x8x16x128xf32> to vector<1x8x1x128xf32>
    %squeeze3A_102 = vector.shape_cast %slice3A_101 : vector<1x8x1x128xf32> to vector<8x128xf32>
    %slice3A_103 = vector.extract_strided_slice %add3A_13 {offsets = [1, 0, 8, 0], sizes = [1, 8, 1, 128], strides = [1, 1, 1, 1]} : vector<2x8x16x128xf32> to vector<1x8x1x128xf32>
    %squeeze3A_104 = vector.shape_cast %slice3A_103 : vector<1x8x1x128xf32> to vector<8x128xf32>
    %concatenate3A_105 = tpu.concatenate %squeeze3A_102, %squeeze3A_104 in 0 : vector<8x128xf32>, vector<8x128xf32> -> vector<16x128xf32>
    %get3A_106 = arith.constant 0 : index
    %get3A_107 = arith.constant 0 : index
    %get3A_108 = vector.load %arg4[%get3A_106, %get3A_107] : memref<16x256xf32, #tpu.memory_space<vmem>>, vector<16x256xf32>
    %dot_general3A_109 = arith.constant dense<0.000000e+00> : vector<128x256xf32>
    %dot_general3A_110 = tpu.matmul %concatenate3A_105, %get3A_108, %dot_general3A_109 {dimension_numbers = #tpu.dot_dimension_numbers<[0], [0], [1], [1], [0, 1, 1, 1], [], []>, transpose_lhs_hint = false} : vector<16x128xf32>, vector<16x256xf32>, vector<128x256xf32> -> vector<128x256xf32>
    %slice3A_111 = vector.extract_strided_slice %add3A_13 {offsets = [0, 0, 9, 0], sizes = [1, 8, 1, 128], strides = [1, 1, 1, 1]} : vector<2x8x16x128xf32> to vector<1x8x1x128xf32>
    %squeeze3A_112 = vector.shape_cast %slice3A_111 : vector<1x8x1x128xf32> to vector<8x128xf32>
    %slice3A_113 = vector.extract_strided_slice %add3A_13 {offsets = [1, 0, 9, 0], sizes = [1, 8, 1, 128], strides = [1, 1, 1, 1]} : vector<2x8x16x128xf32> to vector<1x8x1x128xf32>
    %squeeze3A_114 = vector.shape_cast %slice3A_113 : vector<1x8x1x128xf32> to vector<8x128xf32>
    %concatenate3A_115 = tpu.concatenate %squeeze3A_112, %squeeze3A_114 in 0 : vector<8x128xf32>, vector<8x128xf32> -> vector<16x128xf32>
    %get3A_116 = arith.constant 0 : index
    %get3A_117 = arith.constant 0 : index
    %get3A_118 = vector.load %arg4[%get3A_116, %get3A_117] : memref<16x256xf32, #tpu.memory_space<vmem>>, vector<16x256xf32>
    %dot_general3A_119 = arith.constant dense<0.000000e+00> : vector<128x256xf32>
    %dot_general3A_120 = tpu.matmul %concatenate3A_115, %get3A_118, %dot_general3A_119 {dimension_numbers = #tpu.dot_dimension_numbers<[0], [0], [1], [1], [0, 1, 1, 1], [], []>, transpose_lhs_hint = false} : vector<16x128xf32>, vector<16x256xf32>, vector<128x256xf32> -> vector<128x256xf32>
    %slice3A_121 = vector.extract_strided_slice %add3A_13 {offsets = [0, 0, 10, 0], sizes = [1, 8, 1, 128], strides = [1, 1, 1, 1]} : vector<2x8x16x128xf32> to vector<1x8x1x128xf32>
    %squeeze3A_122 = vector.shape_cast %slice3A_121 : vector<1x8x1x128xf32> to vector<8x128xf32>
    %slice3A_123 = vector.extract_strided_slice %add3A_13 {offsets = [1, 0, 10, 0], sizes = [1, 8, 1, 128], strides = [1, 1, 1, 1]} : vector<2x8x16x128xf32> to vector<1x8x1x128xf32>
    %squeeze3A_124 = vector.shape_cast %slice3A_123 : vector<1x8x1x128xf32> to vector<8x128xf32>
    %concatenate3A_125 = tpu.concatenate %squeeze3A_122, %squeeze3A_124 in 0 : vector<8x128xf32>, vector<8x128xf32> -> vector<16x128xf32>
    %get3A_126 = arith.constant 0 : index
    %get3A_127 = arith.constant 0 : index
    %get3A_128 = vector.load %arg4[%get3A_126, %get3A_127] : memref<16x256xf32, #tpu.memory_space<vmem>>, vector<16x256xf32>
    %dot_general3A_129 = arith.constant dense<0.000000e+00> : vector<128x256xf32>
    %dot_general3A_130 = tpu.matmul %concatenate3A_125, %get3A_128, %dot_general3A_129 {dimension_numbers = #tpu.dot_dimension_numbers<[0], [0], [1], [1], [0, 1, 1, 1], [], []>, transpose_lhs_hint = false} : vector<16x128xf32>, vector<16x256xf32>, vector<128x256xf32> -> vector<128x256xf32>
    %slice3A_131 = vector.extract_strided_slice %add3A_13 {offsets = [0, 0, 11, 0], sizes = [1, 8, 1, 128], strides = [1, 1, 1, 1]} : vector<2x8x16x128xf32> to vector<1x8x1x128xf32>
    %squeeze3A_132 = vector.shape_cast %slice3A_131 : vector<1x8x1x128xf32> to vector<8x128xf32>
    %slice3A_133 = vector.extract_strided_slice %add3A_13 {offsets = [1, 0, 11, 0], sizes = [1, 8, 1, 128], strides = [1, 1, 1, 1]} : vector<2x8x16x128xf32> to vector<1x8x1x128xf32>
    %squeeze3A_134 = vector.shape_cast %slice3A_133 : vector<1x8x1x128xf32> to vector<8x128xf32>
    %concatenate3A_135 = tpu.concatenate %squeeze3A_132, %squeeze3A_134 in 0 : vector<8x128xf32>, vector<8x128xf32> -> vector<16x128xf32>
    %get3A_136 = arith.constant 0 : index
    %get3A_137 = arith.constant 0 : index
    %get3A_138 = vector.load %arg4[%get3A_136, %get3A_137] : memref<16x256xf32, #tpu.memory_space<vmem>>, vector<16x256xf32>
    %dot_general3A_139 = arith.constant dense<0.000000e+00> : vector<128x256xf32>
    %dot_general3A_140 = tpu.matmul %concatenate3A_135, %get3A_138, %dot_general3A_139 {dimension_numbers = #tpu.dot_dimension_numbers<[0], [0], [1], [1], [0, 1, 1, 1], [], []>, transpose_lhs_hint = false} : vector<16x128xf32>, vector<16x256xf32>, vector<128x256xf32> -> vector<128x256xf32>
    %slice3A_141 = vector.extract_strided_slice %add3A_13 {offsets = [0, 0, 12, 0], sizes = [1, 8, 1, 128], strides = [1, 1, 1, 1]} : vector<2x8x16x128xf32> to vector<1x8x1x128xf32>
    %squeeze3A_142 = vector.shape_cast %slice3A_141 : vector<1x8x1x128xf32> to vector<8x128xf32>
    %slice3A_143 = vector.extract_strided_slice %add3A_13 {offsets = [1, 0, 12, 0], sizes = [1, 8, 1, 128], strides = [1, 1, 1, 1]} : vector<2x8x16x128xf32> to vector<1x8x1x128xf32>
    %squeeze3A_144 = vector.shape_cast %slice3A_143 : vector<1x8x1x128xf32> to vector<8x128xf32>
    %concatenate3A_145 = tpu.concatenate %squeeze3A_142, %squeeze3A_144 in 0 : vector<8x128xf32>, vector<8x128xf32> -> vector<16x128xf32>
    %get3A_146 = arith.constant 0 : index
    %get3A_147 = arith.constant 0 : index
    %get3A_148 = vector.load %arg4[%get3A_146, %get3A_147] : memref<16x256xf32, #tpu.memory_space<vmem>>, vector<16x256xf32>
    %dot_general3A_149 = arith.constant dense<0.000000e+00> : vector<128x256xf32>
    %dot_general3A_150 = tpu.matmul %concatenate3A_145, %get3A_148, %dot_general3A_149 {dimension_numbers = #tpu.dot_dimension_numbers<[0], [0], [1], [1], [0, 1, 1, 1], [], []>, transpose_lhs_hint = false} : vector<16x128xf32>, vector<16x256xf32>, vector<128x256xf32> -> vector<128x256xf32>
    %slice3A_151 = vector.extract_strided_slice %add3A_13 {offsets = [0, 0, 13, 0], sizes = [1, 8, 1, 128], strides = [1, 1, 1, 1]} : vector<2x8x16x128xf32> to vector<1x8x1x128xf32>
    %squeeze3A_152 = vector.shape_cast %slice3A_151 : vector<1x8x1x128xf32> to vector<8x128xf32>
    %slice3A_153 = vector.extract_strided_slice %add3A_13 {offsets = [1, 0, 13, 0], sizes = [1, 8, 1, 128], strides = [1, 1, 1, 1]} : vector<2x8x16x128xf32> to vector<1x8x1x128xf32>
    %squeeze3A_154 = vector.shape_cast %slice3A_153 : vector<1x8x1x128xf32> to vector<8x128xf32>
    %concatenate3A_155 = tpu.concatenate %squeeze3A_152, %squeeze3A_154 in 0 : vector<8x128xf32>, vector<8x128xf32> -> vector<16x128xf32>
    %get3A_156 = arith.constant 0 : index
    %get3A_157 = arith.constant 0 : index
    %get3A_158 = vector.load %arg4[%get3A_156, %get3A_157] : memref<16x256xf32, #tpu.memory_space<vmem>>, vector<16x256xf32>
    %dot_general3A_159 = arith.constant dense<0.000000e+00> : vector<128x256xf32>
    %dot_general3A_160 = tpu.matmul %concatenate3A_155, %get3A_158, %dot_general3A_159 {dimension_numbers = #tpu.dot_dimension_numbers<[0], [0], [1], [1], [0, 1, 1, 1], [], []>, transpose_lhs_hint = false} : vector<16x128xf32>, vector<16x256xf32>, vector<128x256xf32> -> vector<128x256xf32>
    %slice3A_161 = vector.extract_strided_slice %add3A_13 {offsets = [0, 0, 14, 0], sizes = [1, 8, 1, 128], strides = [1, 1, 1, 1]} : vector<2x8x16x128xf32> to vector<1x8x1x128xf32>
    %squeeze3A_162 = vector.shape_cast %slice3A_161 : vector<1x8x1x128xf32> to vector<8x128xf32>
    %slice3A_163 = vector.extract_strided_slice %add3A_13 {offsets = [1, 0, 14, 0], sizes = [1, 8, 1, 128], strides = [1, 1, 1, 1]} : vector<2x8x16x128xf32> to vector<1x8x1x128xf32>
    %squeeze3A_164 = vector.shape_cast %slice3A_163 : vector<1x8x1x128xf32> to vector<8x128xf32>
    %concatenate3A_165 = tpu.concatenate %squeeze3A_162, %squeeze3A_164 in 0 : vector<8x128xf32>, vector<8x128xf32> -> vector<16x128xf32>
    %get3A_166 = arith.constant 0 : index
    %get3A_167 = arith.constant 0 : index
    %get3A_168 = vector.load %arg4[%get3A_166, %get3A_167] : memref<16x256xf32, #tpu.memory_space<vmem>>, vector<16x256xf32>
    %dot_general3A_169 = arith.constant dense<0.000000e+00> : vector<128x256xf32>
    %dot_general3A_170 = tpu.matmul %concatenate3A_165, %get3A_168, %dot_general3A_169 {dimension_numbers = #tpu.dot_dimension_numbers<[0], [0], [1], [1], [0, 1, 1, 1], [], []>, transpose_lhs_hint = false} : vector<16x128xf32>, vector<16x256xf32>, vector<128x256xf32> -> vector<128x256xf32>
    %slice3A_171 = vector.extract_strided_slice %add3A_13 {offsets = [0, 0, 15, 0], sizes = [1, 8, 1, 128], strides = [1, 1, 1, 1]} : vector<2x8x16x128xf32> to vector<1x8x1x128xf32>
    %squeeze3A_172 = vector.shape_cast %slice3A_171 : vector<1x8x1x128xf32> to vector<8x128xf32>
    %slice3A_173 = vector.extract_strided_slice %add3A_13 {offsets = [1, 0, 15, 0], sizes = [1, 8, 1, 128], strides = [1, 1, 1, 1]} : vector<2x8x16x128xf32> to vector<1x8x1x128xf32>
    %squeeze3A_174 = vector.shape_cast %slice3A_173 : vector<1x8x1x128xf32> to vector<8x128xf32>
    %concatenate3A_175 = tpu.concatenate %squeeze3A_172, %squeeze3A_174 in 0 : vector<8x128xf32>, vector<8x128xf32> -> vector<16x128xf32>
    %get3A_176 = arith.constant 0 : index
    %get3A_177 = arith.constant 0 : index
    %get3A_178 = vector.load %arg4[%get3A_176, %get3A_177] : memref<16x256xf32, #tpu.memory_space<vmem>>, vector<16x256xf32>
    %dot_general3A_179 = arith.constant dense<0.000000e+00> : vector<128x256xf32>
    %dot_general3A_180 = tpu.matmul %concatenate3A_175, %get3A_178, %dot_general3A_179 {dimension_numbers = #tpu.dot_dimension_numbers<[0], [0], [1], [1], [0, 1, 1, 1], [], []>, transpose_lhs_hint = false} : vector<16x128xf32>, vector<16x256xf32>, vector<128x256xf32> -> vector<128x256xf32>
    %concatenate3A_181 = tpu.concatenate %dot_general3A_30, %dot_general3A_40, %dot_general3A_50, %dot_general3A_60, %dot_general3A_70, %dot_general3A_80, %dot_general3A_90, %dot_general3A_100, %dot_general3A_110, %dot_general3A_120, %dot_general3A_130, %dot_general3A_140, %dot_general3A_150, %dot_general3A_160, %dot_general3A_170, %dot_general3A_180 in 0 : vector<128x256xf32>, vector<128x256xf32>, vector<128x256xf32>, vector<128x256xf32>, vector<128x256xf32>, vector<128x256xf32>, vector<128x256xf32>, vector<128x256xf32>, vector<128x256xf32>, vector<128x256xf32>, vector<128x256xf32>, vector<128x256xf32>, vector<128x256xf32>, vector<128x256xf32>, vector<128x256xf32>, vector<128x256xf32> -> vector<2048x256xf32>
    %add3A_182 = arith.addf %dot_general3A_21, %concatenate3A_181 : vector<2048x256xf32>
    %get3A_183 = arith.constant 0 : index
    %get3A_184 = arith.constant 0 : index
    %get3A_185 = vector.load %arg5[%get3A_183, %get3A_184] : memref<1x256xf32, #tpu.memory_space<vmem>>, vector<1x256xf32>
    %add3A_186 = vector.broadcast %get3A_185 : vector<1x256xf32> to vector<2048x256xf32>
    %add3A_187 = arith.addf %add3A_182, %add3A_186 : vector<2048x256xf32>
    %max3A = arith.constant 0.000000e+00 : f32
    %max3A_188 = vector.broadcast %max3A : f32 to vector<2048x256xf32>
    %max3A_189 = arith.maximumf %add3A_187, %max3A_188 : vector<2048x256xf32>
    %convert_element_type3A_190 = arith.truncf %max3A_189 : vector<2048x256xf32> to vector<2048x256xbf16>
    %get3A_191 = arith.constant 0 : index
    %get3A_192 = arith.constant 0 : index
    %get3A_193 = vector.load %arg6[%get3A_191, %get3A_192] : memref<256x256xf32, #tpu.memory_space<vmem>>, vector<256x256xf32>
    %convert_element_type3A_194 = arith.truncf %get3A_193 : vector<256x256xf32> to vector<256x256xbf16>
    %dot_general3A_195 = arith.constant dense<0.000000e+00> : vector<2048x256xf32>
    %dot_general3A_196 = tpu.matmul %convert_element_type3A_190, %convert_element_type3A_194, %dot_general3A_195 {dimension_numbers = #tpu.dot_dimension_numbers<[1], [0], [0], [1], [0, 0, 1, 1], [], []>, transpose_lhs_hint = false} : vector<2048x256xbf16>, vector<256x256xbf16>, vector<2048x256xf32> -> vector<2048x256xf32>
    %get3A_197 = arith.constant 0 : index
    %get3A_198 = arith.constant 0 : index
    %get3A_199 = vector.load %arg7[%get3A_197, %get3A_198] : memref<1x256xf32, #tpu.memory_space<vmem>>, vector<1x256xf32>
    %add3A_200 = vector.broadcast %get3A_199 : vector<1x256xf32> to vector<2048x256xf32>
    %add3A_201 = arith.addf %dot_general3A_196, %add3A_200 : vector<2048x256xf32>
    %swap3A = arith.constant 0 : index
    %swap3A_202 = arith.constant 0 : index
    %swap3A_203 = vector.load %arg8[%swap3A, %swap3A_202] : memref<2048x256xf32, #tpu.memory_space<vmem>>, vector<2048x256xf32>
    tpu.vector_store %arg8[%swap3A, %swap3A_202], %add3A_201 {strides = array<i32>} : memref<2048x256xf32, #tpu.memory_space<vmem>>, vector<2048x256xf32>,
    return
  }
  func.func @transform_0(%arg0: i32) -> (i32, i32) {
    %c0_i32 = arith.constant 0 : i32
    %c0_i32_0 = arith.constant 0 : i32
    return %arg0, %c0_i32 : i32, i32
  }
  func.func @transform_1(%arg0: i32) -> (i32, i32, i32, i32, i32, i32) {
    %c0_i32 = arith.constant 0 : i32
    %c0_i32_0 = arith.constant 0 : i32
    %c0_i32_1 = arith.constant 0 : i32
    %c0_i32_2 = arith.constant 0 : i32
    %c0_i32_3 = arith.constant 0 : i32
    %c0_i32_4 = arith.constant 0 : i32
    return %c0_i32, %c0_i32_0, %c0_i32_1, %c0_i32_2, %arg0, %c0_i32_3 : i32, i32, i32, i32, i32, i32
  }
  func.func @transform_2(%arg0: i32) -> (i32, i32) {
    %c0_i32 = arith.constant 0 : i32
    %c0_i32_0 = arith.constant 0 : i32
    %c0_i32_1 = arith.constant 0 : i32
    return %c0_i32, %c0_i32_0 : i32, i32
  }
  func.func @transform_3(%arg0: i32) -> (i32, i32) {
    %c0_i32 = arith.constant 0 : i32
    %c0_i32_0 = arith.constant 0 : i32
    %c0_i32_1 = arith.constant 0 : i32
    return %c0_i32, %c0_i32_0 : i32, i32
  }
  func.func @transform_4(%arg0: i32) -> (i32, i32) {
    %c0_i32 = arith.constant 0 : i32
    %c0_i32_0 = arith.constant 0 : i32
    %c0_i32_1 = arith.constant 0 : i32
    return %c0_i32, %c0_i32_0 : i32, i32
  }
  func.func @transform_5(%arg0: i32) -> (i32, i32) {
    %c0_i32 = arith.constant 0 : i32
    %c0_i32_0 = arith.constant 0 : i32
    %c0_i32_1 = arith.constant 0 : i32
    return %c0_i32, %c0_i32_0 : i32, i32
  }
  func.func @transform_6(%arg0: i32) -> (i32, i32) {
    %c0_i32 = arith.constant 0 : i32
    %c0_i32_0 = arith.constant 0 : i32
    %c0_i32_1 = arith.constant 0 : i32
    return %c0_i32, %c0_i32_0 : i32, i32
  }
  func.func @transform_7(%arg0: i32) -> (i32, i32) {
    %c0_i32 = arith.constant 0 : i32
    %c0_i32_0 = arith.constant 0 : i32
    return %arg0, %c0_i32 : i32, i32
  }
}

</mosaic_0001>

<sc_bundles>
// kernel: sc_segment_sum.3.cloned.1.call-start
scs
__scs_entry_jumppad:
0x0: {  	(pc) =	sbr.rel $0x88, $3  }
0x1: {  	(tag) =	ssettag $0x0;
	lr =	simm.s32 $0x1  }
0x2: {  	[smem:$0x3F9A] =	sst lr;
	_ =	strace $0xD0000000  }
0x3: {  	_ = 	snop  }
0x4: {  	_ = 	snop  }
0x5: {  	_ = 	snop  }
0x6: {  	_ = 	snop  }
0x7: {  	_ = 	snop  }
__scs_overlays_trampoline_lowered:
0x8: {  	[smem:$0x3FA9] =	sst s0  }
0x9: {  	[smem:$0x3FAA] =	sst s1  }
0xa: {  	[smem:$0x3FAB] =	sst s2  }
0xb: {  	[smem:$0x3FAC] =	sst s3  }
0xc: {  	[smem:$0x3FAD] =	sst s4  }
0xd: {  	[smem:$0x3FAE] =	sst s5  }
0xe: {  	[smem:$0x3FAF] =	sst s6  }
0xf: {  	[smem:$0x3FB0] =	sst s7  }
0x10: {  	[smem:$0x3FB1] =	sst s8  }
0x11: {  	[smem:$0x3FB2] =	sst s9;
	s0 =	simm.s32 @!p0 $0x0  }
0x12: {  	s1 =	sld [smem:$0x3F98];
	s0 =	simm.s32 @p0 $0x1  }
0x13: {  	[smem:$0x3FB3] =	sst s0;
	s0 =	simm.s32 @!p1 $0x0  }
0x14: {  	s2 =	sld [smem:$0x3F97];
	s0 =	simm.s32 @p1 $0x1  }
0x15: {  	[smem:$0x3FB4] =	sst s0;
	s0 =	simm.s32 @!p2 $0x0  }
0x16: {  	s3 =	sld [smem:$0x3FDB];
	s0 =	simm.s32 @p2 $0x1  }
0x17: {  	s4 =	simm.s32 $0x1BF5;
	[smem:$0x3FB6] =	sst s0  }
0x18: {  	s0 =	sld [smem:$0x3F99];
	_ =	swait.ge [sflag:s4], $0x0  }
0x19: {  	s7 =	sld [smem:$0x3F9A]  }
0x1a: {  	s8 =	sadd.s32 $0xFFFFE003, lr  }
0x1b: {  	s9 =	sadd.s32 $0xFFFFFEF7, lr;
	s5 =	simm.s32 $0xFFFFFFFF;
	p2 =	slt.u32 s8, $0xFFFFF086  }
0x1c: {  	p1 =	slt.u32 s9, $0xF7A;
	s5 =	simm.s32 @!p2 $0x0  }
0x1d: {  	s5 =	simm.s32 @p1 $0x1;
	p0 =	seq.s32 s7, s2  }
0x1e: {  	s7 =	smul.u32 @!p0 $0xF7A, s2;
	p2 =	seq.s32 @!p0 s5, $0x0  }
0x1f: {  	s9 =	smul.u32 $0xF7A, s1;
	s8 =	simm.s32 @!p0 $0x1BF5;
	p2 =	por !p2, p0  }
0x20: {  	[sflag:s8] =	ssyncset.s32 @!p0 $0xFFFFF086;
	s6 =	sadd.s32 @!p0 s3, s7;
	s7 =	simm.s32 @!p0 $0x108  }
0x21: {  	s3 =	sadd.s32 s3, s9;
	s6 =	sadd.s32 @!p0 $0x88, s6;
	s7 =	simm.s32 @p2 $0x1082  }
0x22: {  	[simem:s7], [sflag:s8] =	dma.local @!p0 [hbm:s6], $0xF7A  }
0x23: {  	s9 =	sor.u32 $0xD0000000, s2;
	s6 =	simm.s32 $0x108;
	_ =	swait.ge @!p0 [sflag:s8], $0x0  }
0x24: {  	s3 =	sadd.s32 $0x88, s3;
	s6 =	simm.s32 @!p1 $0x1082;
	[sflag:s4] =	ssyncset.s32 $0xFFFFF086  }
0x25: {  	[simem:s6], [sflag:s4] =	dma.local [hbm:s3], $0xF7A  }
0x26: {  	[smem:$0x3F9A] =	sst s1;
	(tag) =	ssettag s2;
	_ =	strace s9  }
0x27: {  	s1 =	sld [smem:$0x3FAA]  }
0x28: {  	s2 =	sld [smem:$0x3FAB]  }
0x29: {  	s4 =	sld [smem:$0x3FAD]  }
0x2a: {  	p0 =	seq.s32 s5, $0x0;
	s5 =	sld [smem:$0x3FAE]  }
0x2b: {  	s6 =	sld [smem:$0x3FAF]  }
0x2c: {  	s7 =	sld [smem:$0x3FB0]  }
0x2d: {  	s3 =	simm.s32 $0x108;
	s8 =	sld [smem:$0x3FB1]  }
0x2e: {  	s3 =	simm.s32 @!p0 $0x1082;
	s9 =	sld [smem:$0x3FB2]  }
0x2f: {  	lr =	sadd.s32 s0, s3;
	s0 =	sld [smem:$0x3FA9]  }
0x30: {  	s3 =	sld [smem:$0x3FAC]  }
0x31: {  	[smem:$0x3FB5] =	sst s10  }
0x32: {  	s10 =	sld [smem:$0x3FB3];
	_ =	sdelay $0x3  }
0x33: {  	p0 =	seq.s32 s10, $0x1;
	s10 =	sld [smem:$0x3FB5];
	_ =	sdelay $0x3  }
0x34: {  	[smem:$0x3FB5] =	sst s10  }
0x35: {  	s10 =	sld [smem:$0x3FB4];
	_ =	sdelay $0x3  }
0x36: {  	p1 =	seq.s32 s10, $0x1;
	s10 =	sld [smem:$0x3FB5];
	_ =	sdelay $0x3  }
0x37: {  	[smem:$0x3FB5] =	sst s10  }
0x38: {  	s10 =	sld [smem:$0x3FB6]  }
0x39: {  	_ = 	snop;
	(pc) =	sbr.ind lr, $3  }
0x3a: {  	_ = 	snop  }
0x3b: {  	_ = 	snop  }
0x3c: {  	p2 =	seq.s32 s10, $0x1;
	s10 =	sld [smem:$0x3FB5]  }
0x3d: {  	_ =	shalt  }
0x3e: {  	_ =	shalt  }
0x3f: {  	_ =	shalt  }
0x40: {  	_ =	shalt  }
0x41: {  	_ =	shalt  }
0x42: {  	_ =	shalt  }
0x43: {  	_ =	shalt  }
0x44: {  	_ =	shalt  }
0x45: {  	_ =	shalt  }
0x46: {  	_ =	shalt  }
0x47: {  	_ =	shalt  }
0x48: {  	_ =	shalt  }
0x49: {  	_ =	shalt  }
0x4a: {  	_ =	shalt  }
0x4b: {  	_ =	shalt  }
0x4c: {  	_ =	shalt  }
0x4d: {  	_ =	shalt  }
0x4e: {  	_ =	shalt  }
0x4f: {  	_ =	shalt  }
0x50: {  	_ =	shalt  }
0x51: {  	_ =	shalt  }
0x52: {  	_ =	shalt  }
0x53: {  	_ =	shalt  }
0x54: {  	_ =	shalt  }
0x55: {  	_ =	shalt  }
0x56: {  	_ =	shalt  }
0x57: {  	_ =	shalt  }
0x58: {  	_ =	shalt  }
0x59: {  	_ =	shalt  }
0x5a: {  	_ =	shalt  }
0x5b: {  	_ =	shalt  }
0x5c: {  	_ =	shalt  }
0x5d: {  	_ =	shalt  }
0x5e: {  	_ =	shalt  }
0x5f: {  	_ =	shalt  }
0x60: {  	_ =	shalt  }
0x61: {  	_ =	shalt  }
0x62: {  	_ =	shalt  }
0x63: {  	_ =	shalt  }
0x64: {  	_ =	shalt  }
0x65: {  	_ =	shalt  }
0x66: {  	_ =	shalt  }
0x67: {  	_ =	shalt  }
0x68: {  	_ =	shalt  }
0x69: {  	_ =	shalt  }
0x6a: {  	_ =	shalt  }
0x6b: {  	_ =	shalt  }
0x6c: {  	_ =	shalt  }
0x6d: {  	_ =	shalt  }
0x6e: {  	_ =	shalt  }
0x6f: {  	_ =	shalt  }
0x70: {  	_ =	shalt  }
0x71: {  	_ =	shalt  }
0x72: {  	_ =	shalt  }
0x73: {  	_ =	shalt  }
0x74: {  	_ =	shalt  }
0x75: {  	_ =	shalt  }
0x76: {  	_ =	shalt  }
0x77: {  	_ =	shalt  }
0x78: {  	_ =	shalt  }
0x79: {  	_ =	shalt  }
0x7a: {  	_ =	shalt  }
0x7b: {  	_ =	shalt  }
0x7c: {  	_ =	shalt  }
0x7d: {  	_ =	shalt  }
0x7e: {  	_ =	shalt  }
0x7f: {  	_ =	shalt  }
0x80: {  	_ =	shalt  }
0x81: {  	_ =	shalt  }
0x82: {  	_ =	shalt  }
0x83: {  	_ =	shalt  }
0x84: {  	_ =	shalt  }
0x85: {  	_ =	shalt  }
0x86: {  	_ =	shalt  }
0x87: {  	_ =	shalt  }
.Lfunc_end0:
.L_simem_size_0:
called_computation_lowered:
.L_overlay_start_0:
0x88: {  	s2 =	sld [smem:$0x3FD9]  }
0x89: {  	s3 =	sld [smem:$0x3FFE];
	_ =	sdelay $0x1  }
0x8a: {  	s1 =	srdreg.scid  }
0x8b: {  	s0 =	sand.u32 $0x1, s1  }
0x8c: {  	s17 =	sshll.u32 s0, $0xA;
	s2 =	sadd.s32 s3, s2  }
0x8d: {  	s2 =	sadd.s32 s2, s17  }
0x8e: {  	[smem:$0x3FC1] =	sst s2  }
0x8f: {  	_ = 	snop  }
0x90: {  	s2 =	sld [smem:$0x3FC7]  }
0x91: {  	s18 =	sld [smem:$0x3FD0];
	(tm) =	ssettm $0x1  }
0x92: {  	s4 =	sld [smem:$0x3FFB];
	_ =	sdelay $0x3  }
0x93: {  	_ =	strace s4  }
0x94: {  	s4 =	sld [smem:$0x3FFC];
	_ =	sdelay $0x3  }
0x95: {  	_ =	strace s4  }
0x96: {  	s4 =	sld [smem:$0x3FFD];
	_ =	sdelay $0x3  }
0x97: {  	_ =	strace s4  }
0x98: {  	_ =	strace $0x8FFFFFFF  }
0x99: {  	s19 =	sld [smem:$0x3FDB];
	_ =	sdelay $0x1  }
0x9a: {  	s5 =	simm.s32 $_scs_section_size  }
0x9b: {  	s6 =	simm.s32 $_size__tile_overlayer_lowered;
	s7 =	simm.s32 $_tile_overlayer_lowered  }
0x9c: {  	s22 =	simm.s32 $0x1BFF;
	s21 =	sshll.u32 s7, $0x1;
	s4 =	sadd.s32 s5, s19  }
0x9d: {  	s8 =	simm.s32 $0x0;
	s20 =	sshll.u32 s6, $0x1;
	s6 =	sadd.s32 s21, s4  }
0x9e: {  	[timem:s8], [sflag:s22] =	dma.local [hbm:s6], s20  }
0x9f: {  	_ =	swait.ge [sflag:s22], s20  }
0xa0: {  	s5 =	ssub.s32 $0x0, s20;
	[sflag:s22] =	ssyncset.done $0x0  }
0xa1: {  	[sflag:s22] =	ssyncadd.s32 s5;
	_ =	sdelay $0x1  }
0xa2: {  	s23 =	simm.s32 $0x1B8B  }
0xa3: {  	_ =	swait.ge [sflag:s23], $0x1  }
0xa4: {  	[sflag:s23] =	ssyncset.done $0x0  }
0xa5: {  	s25 =	simm.s32 $0x1B8E;
	s24 =	sld [smem:$0x3FFE];
	[sflag:s23] =	ssyncadd.s32 $0xFFFFFFFF  }
0xa6: {  	s26 =	simm.s32 $execute0_lowered;
	[smem:$0x3FD2] =	sst s25  }
0xa7: {  	s6 =	sshll.u32 s26, $0x1;
	_ =	strace $0x80000046;
	[dreg:$0x1] =	wrdreg $0xFFFFFFFF  }
0xa8: {  	s28 =	simm.s32 $_size_execute0_lowered;
	s4 =	sadd.s32 s4, s6;
	[dreg:$0x0] =	wrdreg $0x0  }
0xa9: {  	s6 =	sshll.u32 s28, $0x1;
	[dreg:$0x2] =	wrdreg s4  }
0xaa: {  	[dreg:$0x3] =	wrdreg s6  }
0xab: {  	[dreg:$0x4] =	wrdreg $0xC0  }
0xac: {  	_ =	task [dreg:s8], $0x5FFFF  }
0xad: {  	[dreg:$0x1] =	wrdreg $0xFFFFFFFF  }
0xae: {  	[dreg:$0x0] =	wrdreg $0x60  }
0xaf: {  	[dreg:$0x2] =	wrdreg s2  }
0xb0: {  	[dreg:$0x3] =	wrdreg s24  }
0xb1: {  	[dreg:$0x4] =	wrdreg s18  }
0xb2: {  	[dreg:$0x5] =	wrdreg $0x9  }
0xb3: {  	_ =	task.clear_ibuf [dreg:s8], $0x6FFFF;
	_ =	strace $0x90000046  }
0xb4: {  	s29 =	simm.s32 $0x9;
	_ =	strace $0x80000048  }
0xb5: {  	_ =	swait.ge [sflag:s29], $0x1  }
0xb6: {  	[sflag:s29] =	ssyncadd.s32 $0xFFFFFFFF  }
0xb7: {  	_ =	strace $0x90000048  }
0xb8: {  	_ =	sfence  }
0xb9: {  	s30 =	sld [smem:$0x0];
	_ =	sdelay $0x2  }
0xba: {  	s31 =	sshll.u32 s1, $0xD;
	s1 =	sshrl.u32 s1, $0x2  }
0xbb: {  	s3 =	sand.u32 $0x4000, s31;
	s1 =	sadd.s32 s1, s30  }
0xbc: {  	s0 =	sor.u32 s3, s0;
	s1 =	sshll.u32 s1, $0x11  }
0xbd: {  	s0 =	sor.u32 s1, s0  }
0xbe: {  	s0 =	sadd.s32 $0x8F2B, s0  }
0xbf: {  	[sflag:s0] =	ssyncadd.remote.s32 $0x1  }
0xc0: {  	_ =	sfence.sel $0xFFFF  }
0xc1: {  	[dreg:$0x0] =	wrdreg $0xFFFFFFFF;
	(pc) =	sbr.abs _section_cstart, $3  }
0xc2: {  	[dreg:$0x1] =	wrdreg $0xFFFFFFFF  }
0xc3: {  	_ =	task.clear_ibuf [dreg:s8], $0x2FFFF;
	_ =	strace $0x9FFFFFFF  }
0xc4: {  	(tm) =	ssettm $0x7FFFFFFF  }
0xc5: {  	_ =	shalt  }
tec
execute0_lowered:
.L_overlay_start_1:
0x0: {  	(tag) =	ssettag $0x1  }
0x1: {  	s1 =	rddreg [dreg:$0x0]  }
0x2: {  	s4 =	rddreg [dreg:$0x1]  }
0x3: {  	s0 =	rddreg [dreg:$0x2]  }
0x4: {  	s2 =	srdreg.scid;
	s9 =	stileid.u32;
	s28 =	simm.s32 $0xC580  }
0x5: {  	s29 =	simm.s32 $0x1;
	s30 =	simm.s32 $0xED00;
	s31 =	simm.s32 $0x11500  }
0x6: {  	s5 =	sand.u32 $0x1, s2;
	s2 =	simm.s32 $0x0;
	s3 =	sshrl.u32 s9, $0x3  }
0x7: {  	s7 =	sshrl.u32 s9, $0x2;
	s4 =	sadd.s32 $0x1A00, s4;
	s6 =	smul.u32 $0x271, s5  }
0x8: {  	s9 =	sshll.u32 s9, $0x1;
	[smem:$0x7FF] =	sst s2;
	s8 =	smul.u32 $0x139, s3  }
0x9: {  	s7 =	sand.u32 $0x1, s7;
	s10 =	ssub.s32 $0x2, s5;
	s9 =	sand.u32 $0x6, s9  }
0xa: {  	s5 =	smul.u32 $0x50000, s5;
	_ =	strace $0x80000047;
	s12 =	sshrl.u32 s10, $0x1  }
0xb: {  	s13 =	sshll.u32 s9, $0x7;
	s14 =	sor.u32 $0x1, s9;
	s9 =	smul.u32 $0x2800, s9  }
0xc: {  	s6 =	sadd.s32 s6, s8;
	s8 =	smul.u32 $0x138800, s7;
	s19 =	ssub.s32 s10, s12  }
0xd: {  	s15 =	sshll.u32 s14, $0x7;
	s7 =	smul.u32 $0x14000, s7;
	s11 =	sshll.u32 s6, $0xA  }
0xe: {  	s18 =	sadd.s32 $0x4F, s6;
	s16 =	sshll.u32 s6, $0x5;
	s24 =	sadd.s32 $0x9E, s6  }
0xf: {  	s6 =	ssub.s32 s6, s3;
	s19 =	smax.u32 s19, $0x1;
	s11 =	sadd.s32 s8, s11  }
0x10: {  	s21 =	sshll.u32 s18, $0xA;
	s22 =	sadd.s32 s4, s16;
	s26 =	sshll.u32 s24, $0xA  }
0x11: {  	s12 =	sshll.u32 s18, $0x5;
	s6 =	sadd.s32 $0xEA, s6;
	s16 =	sadd.s32 $0x3, s3  }
0x12: {  	s17 =	sor.u32 s13, s11;
	s20 =	sor.u32 s15, s11;
	s11 =	sadd.s32 s8, s21  }
0x13: {  	[dreg:$0x6] =	wrdreg s22;
	s18 =	sshll.u32 s6, $0xA;
	s21 =	smul.u32 $0x28000, s3  }
0x14: {  	s10 =	sshrl.u32 s17, $0x3;
	s23 =	sor.u32 s13, s11;
	s11 =	sor.u32 s15, s11  }
0x15: {  	s22 =	smul.u32 $0x2800, s14;
	s10 =	sadd.s32 s1, s10;
	s25 =	sshrl.u32 s11, $0x3  }
0x16: {  	s11 =	sadd.s32 s8, s26;
	s8 =	sadd.s32 s8, s18;
	s5 =	sadd.s32 s5, s21  }
0x17: {  	s21 =	simm.s32 $0x400;
	[dreg:$0x4] =	wrdreg s10;
	s10 =	sshrl.u32 s20, $0x3  }
0x18: {  	s17 =	sor.u32 s13, s11;
	s11 =	sor.u32 s15, s11;
	s20 =	sshll.u32 s24, $0x5  }
0x19: {  	s13 =	sor.u32 s13, s8;
	s8 =	sor.u32 s15, s8;
	s5 =	sadd.s32 s7, s5  }
0x1a: {  	s10 =	sadd.s32 s1, s10;
	s11 =	sshrl.u32 s11, $0x3;
	s13 =	sshrl.u32 s13, $0x3  }
0x1b: {  	s8 =	sshrl.u32 s8, $0x3;
	s24 =	sadd.s32 s9, s5;
	s5 =	sadd.s32 s22, s5  }
0x1c: {  	s22 =	simm.s32 $0x4F00;
	[dreg:$0x5] =	wrdreg s10;
	s10 =	sshrl.u32 s23, $0x3  }
0x1d: {  	s11 =	sadd.s32 s1, s11;
	s13 =	sadd.s32 s1, s13;
	s14 =	sadd.s32 s1, s8  }
0x1e: {  	s23 =	sshll.u32 s6, $0x5;
	s26 =	sshrl.u32 s5, $0x3;
	s10 =	sadd.s32 s1, s10  }
0x1f: {  	s18 =	sadd.s32 s0, s26;
	s26 =	simm.s32 $0x7680;
	[dreg:$0x7] =	wrdreg s10  }
0x20: {  	s10 =	sadd.s32 s1, s25;
	s25 =	sshrl.u32 s24, $0x3;
	s24 =	simm.s32 $0x9E00  }
0x21: {  	[dreg:$0x8] =	wrdreg s10;
	s10 =	sadd.s32 s4, s12;
	s12 =	sadd.s32 s4, s20  }
0x22: {  	s20 =	simm.s32 $0x80;
	[dreg:$0x9] =	wrdreg s10;
	s10 =	sshrl.u32 s17, $0x3  }
0x23: {  	s17 =	sadd.s32 s0, s25;
	s25 =	simm.s32 $0x2780;
	s0 =	simm.s32 $0x2  }
0x24: {  	s10 =	sadd.s32 s1, s10;
	s1 =	sand.u32 $0x1FFFFFE0, s23;
	s23 =	simm.s32 $0x100  }
0x25: {  	v0 =	vimm.f32 $0.0e+00;
	vm0 =	vmxor vm0, vm0;
	s15 =	sadd.s32 s4, s1;
	s1 =	simm.s32 $0x3;
	s4 =	simm.s32 $0x0  }
.LBB2_1:
0x26: {  	s5 =	rddreg [dreg:$0x4]  }
0x27: {  	[tilespmem:s2], [sflag:$0x1] =	stream.strided.gather [hbm4b:s5+s20], $0x2780, s21, s20, $0x38;
	[tilespmem:$0x13D00] =	vst v63  }
0x28: {  	s8 =	rddreg [dreg:$0x5]  }
0x29: {  	[tilespmem:s22], [sflag:$0x1] =	stream.strided.gather [hbm4b:s8+s20], $0x2780, s21, s20, $0x38;
	[tilespmem:$0x13D00] =	vst v63  }
0x2a: {  	s9 =	rddreg [dreg:$0x6]  }
0x2b: {  	[tilespmem:s24], [sflag:$0x1] =	stream.strided.gather [hbm4b:s9+s20], $0x2780, s23, s20, $0x38;
	[tilespmem:$0x13D00] =	vst v63  }
0x2c: {  	s6 =	simm.s32 $0x11500;
	s7 =	simm.s32 $0xED00;
	s5 =	simm.s32 $0x0;
	[tilespmem:s30+$0x0] =	vst v0  }
.LBB2_2:
0x2d: {  	s5 =	sadd.s32 $0x10, s5  }
0x2e: {  	[tilespmem:s6+$0x0] =	vst v0;
	s6 =	sadd.s32 $0x10, s6;
	s7 =	sadd.s32 $0x10, s7;
	p0 =	slt.u32 s5, $0x27F0  }
.Ltmp0:
0x2f: {  	(pc) =	sbr.rel @p0 .LBB2_2-.Ltmp0, $2  }
0x30: {  	_ =	sdelay $0x2  }
0x31: {  	[tilespmem:s7+$0x0] =	vst v0  }
0x32: {  	[tilespmem:s6+$0x0] =	vst v0  }
0x33: {  	s5 =	rddreg [dreg:$0x7]  }
0x34: {  	[tilespmem:s25], [sflag:$0x2] =	stream.strided.gather [hbm4b:s5+s20], $0x2780, s21, s20, $0x38;
	[tilespmem:$0x13D00] =	vst v63  }
0x35: {  	s9 =	rddreg [dreg:$0x8]  }
0x36: {  	[tilespmem:s26], [sflag:$0x2] =	stream.strided.gather [hbm4b:s9+s20], $0x2780, s21, s20, $0x38;
	[tilespmem:$0x13D00] =	vst v63  }
0x37: {  	s6 =	rddreg [dreg:$0x9];
	s5 =	simm.s32 $0x100  }
0x38: {  	[tilespmem:s28], [sflag:$0x2] =	stream.strided.gather [hbm4b:s6+s20], $0x2780, s5, s20, $0x38;
	[tilespmem:$0x13D00] =	vst v63  }
0x39: {  	_ =	swait.ge [sflag:s29], $0x2780  }
0x3a: {  	[sflag:s29] =	ssyncset.done $0x0  }
0x3b: {  	[sflag:s29] =	ssyncadd.s32 $0xFFFFD880  }
0x3c: {  	_ =	swait.ge [sflag:s29], $0x2780  }
0x3d: {  	[sflag:s29] =	ssyncset.done $0x0  }
0x3e: {  	[sflag:s29] =	ssyncadd.s32 $0xFFFFD880  }
0x3f: {  	_ =	swait.ge [sflag:s29], $0x2780  }
0x40: {  	[sflag:s29] =	ssyncset.done $0x0  }
0x41: {  	s7 =	simm.s32 $0x9F00;
	[sflag:s29] =	ssyncadd.s32 $0xFFFFD880  }
0x42: {  	v1 =	vld [tilespmem:s7+$0x80]  }
0x43: {  	v2 =	vld [tilespmem:s7+$0xFFFFFF80]  }
0x44: {  	v3 =	vld [tilespmem:s7+$0x0]  }
0x45: {  	s6 =	simm.s32 $0x5000;
	v4 =	vld [tilespmem:s5+$0x80]  }
0x46: {  	v5 =	vld [tilespmem:s6+$0x80]  }
0x47: {  	v6 =	vld [tilespmem:s7+$0xFFFFFF00]  }
0x48: {  	v7 =	vld [tilespmem:s5+$0xFFFFFF00]  }
0x49: {  	v8 =	vld [tilespmem:s6+$0xFFFFFF00]  }
0x4a: {  	v46 =	vld [tilespmem:s5+$0xFFFFFF80]  }
0x4b: {  	v47 =	vld [tilespmem:s6+$0xFFFFFF80]  }
0x4c: {  	v11 =	vld [tilespmem:s5+$0x0]  }
0x4d: {  	v12 =	vld [tilespmem:s6+$0x0]  }
0x4e: {  	[tilespmem:v1+s30+$0x0] =	vst.idx.add.f32.msk $0xffff, v4  }
0x4f: {  	[tilespmem:v6+s30+$0x0] =	vst.idx.add.f32.msk $0xffff, v7  }
0x50: {  	[tilespmem:v2+s30+$0x0] =	vst.idx.add.f32.msk $0xffff, v46  }
0x51: {  	[tilespmem:v3+s30+$0x0] =	vst.idx.add.f32.msk $0xffff, v11  }
0x52: {  	[tilespmem:v1+s31+$0x0] =	vst.idx.add.f32.msk $0xffff, v5  }
0x53: {  	[tilespmem:v6+s31+$0x0] =	vst.idx.add.f32.msk $0xffff, v8  }
0x54: {  	[tilespmem:v2+s31+$0x0] =	vst.idx.add.f32.msk $0xffff, v47  }
0x55: {  	[tilespmem:v3+s31+$0x0] =	vst.idx.add.f32.msk $0xffff, v12  }
0x56: {  	v1 =	vld [tilespmem:s7+$0x90]  }
0x57: {  	v9 =	vld [tilespmem:s5+$0x90]  }
0x58: {  	v10 =	vld [tilespmem:s6+$0x90]  }
0x59: {  	v2 =	vld [tilespmem:s7+$0xFFFFFF10]  }
0x5a: {  	v3 =	vld [tilespmem:s7+$0xFFFFFF90]  }
0x5b: {  	v51 =	vld [tilespmem:s7+$0x10]  }
0x5c: {  	v7 =	vld [tilespmem:s5+$0xFFFFFF10]  }
0x5d: {  	v8 =	vld [tilespmem:s6+$0xFFFFFF10]  }
0x5e: {  	v52 =	vld [tilespmem:s5+$0xFFFFFF90]  }
0x5f: {  	v53 =	vld [tilespmem:s6+$0xFFFFFF90]  }
0x60: {  	v11 =	vld [tilespmem:s5+$0x10]  }
0x61: {  	v12 =	vld [tilespmem:s6+$0x10]  }
0x62: {  	[tilespmem:v1+s30+$0x0] =	vst.idx.add.f32.msk $0xffff, v9  }
0x63: {  	[tilespmem:v2+s30+$0x0] =	vst.idx.add.f32.msk $0xffff, v7  }
0x64: {  	[tilespmem:v3+s30+$0x0] =	vst.idx.add.f32.msk $0xffff, v52  }
0x65: {  	[tilespmem:v51+s30+$0x0] =	vst.idx.add.f32.msk $0xffff, v11  }
0x66: {  	[tilespmem:v1+s31+$0x0] =	vst.idx.add.f32.msk $0xffff, v10  }
0x67: {  	v1 =	vld [tilespmem:s7+$0xA0]  }
0x68: {  	[tilespmem:v2+s31+$0x0] =	vst.idx.add.f32.msk $0xffff, v8  }
0x69: {  	[tilespmem:v3+s31+$0x0] =	vst.idx.add.f32.msk $0xffff, v53  }
0x6a: {  	v48 =	vld [tilespmem:s5+$0xA0]  }
0x6b: {  	v49 =	vld [tilespmem:s6+$0xA0]  }
0x6c: {  	[tilespmem:v51+s31+$0x0] =	vst.idx.add.f32.msk $0xffff, v12  }
0x6d: {  	v3 =	vld [tilespmem:s7+$0xFFFFFFA0]  }
0x6e: {  	v6 =	vld [tilespmem:s7+$0x20]  }
0x6f: {  	[tilespmem:v1+s30+$0x0] =	vst.idx.add.f32.msk $0xffff, v48  }
0x70: {  	[tilespmem:v1+s31+$0x0] =	vst.idx.add.f32.msk $0xffff, v49  }
0x71: {  	v1 =	vld [tilespmem:s7+$0xB0]  }
0x72: {  	v7 =	vld [tilespmem:s5+$0xFFFFFF20]  }
0x73: {  	v8 =	vld [tilespmem:s6+$0xFFFFFF20]  }
0x74: {  	v4 =	vld [tilespmem:s5+$0xB0]  }
0x75: {  	v50 =	vld [tilespmem:s6+$0xB0]  }
0x76: {  	v56 =	vld [tilespmem:s5+$0xFFFFFFA0]  }
0x77: {  	v57 =	vld [tilespmem:s6+$0xFFFFFFA0]  }
0x78: {  	v11 =	vld [tilespmem:s5+$0x20]  }
0x79: {  	[tilespmem:v1+s30+$0x0] =	vst.idx.add.f32.msk $0xffff, v4  }
0x7a: {  	[tilespmem:v1+s31+$0x0] =	vst.idx.add.f32.msk $0xffff, v50  }
0x7b: {  	v1 =	vld [tilespmem:s7+$0xC0]  }
0x7c: {  	v12 =	vld [tilespmem:s6+$0x20]  }
0x7d: {  	[tilespmem:v3+s30+$0x0] =	vst.idx.add.f32.msk $0xffff, v56  }
0x7e: {  	v9 =	vld [tilespmem:s5+$0xC0]  }
0x7f: {  	v10 =	vld [tilespmem:s6+$0xC0]  }
0x80: {  	[tilespmem:v6+s30+$0x0] =	vst.idx.add.f32.msk $0xffff, v11  }
0x81: {  	[tilespmem:v3+s31+$0x0] =	vst.idx.add.f32.msk $0xffff, v57  }
0x82: {  	[tilespmem:v6+s31+$0x0] =	vst.idx.add.f32.msk $0xffff, v12  }
0x83: {  	[tilespmem:v1+s30+$0x0] =	vst.idx.add.f32.msk $0xffff, v9  }
0x84: {  	[tilespmem:v1+s31+$0x0] =	vst.idx.add.f32.msk $0xffff, v10  }
0x85: {  	v1 =	vld [tilespmem:s7+$0xD0]  }
0x86: {  	v3 =	vld [tilespmem:s7+$0x30]  }
0x87: {  	v60 =	vld [tilespmem:s5+$0xFFFFFFB0]  }
0x88: {  	v2 =	vld [tilespmem:s5+$0xD0]  }
0x89: {  	v61 =	vld [tilespmem:s6+$0xFFFFFFB0]  }
0x8a: {  	v62 =	vld [tilespmem:s5+$0x30]  }
0x8b: {  	v63 =	vld [tilespmem:s6+$0x30]  }
0x8c: {  	v54 =	vld [tilespmem:s6+$0xD0]  }
0x8d: {  	[tilespmem:v1+s30+$0x0] =	vst.idx.add.f32.msk $0xffff, v2  }
0x8e: {  	v2 =	vld [tilespmem:s7+$0xFFFFFF20]  }
0x8f: {  	[tilespmem:v3+s30+$0x0] =	vst.idx.add.f32.msk $0xffff, v62  }
0x90: {  	[tilespmem:v3+s31+$0x0] =	vst.idx.add.f32.msk $0xffff, v63  }
0x91: {  	[tilespmem:v1+s31+$0x0] =	vst.idx.add.f32.msk $0xffff, v54  }
0x92: {  	v1 =	vld [tilespmem:s7+$0xE0]  }
0x93: {  	v3 =	vld [tilespmem:s7+$0x40]  }
0x94: {  	v4 =	vld [tilespmem:s5+$0xE0]  }
0x95: {  	v55 =	vld [tilespmem:s6+$0xE0]  }
0x96: {  	[tilespmem:v2+s30+$0x0] =	vst.idx.add.f32.msk $0xffff, v7  }
0x97: {  	[tilespmem:v2+s31+$0x0] =	vst.idx.add.f32.msk $0xffff, v8  }
0x98: {  	v2 =	vld [tilespmem:s7+$0xFFFFFFB0]  }
0x99: {  	v8 =	vld [tilespmem:s5+$0x40]  }
0x9a: {  	[tilespmem:v1+s30+$0x0] =	vst.idx.add.f32.msk $0xffff, v4  }
0x9b: {  	v58 =	vld [tilespmem:s5+$0xFFFFFF30]  }
0x9c: {  	[tilespmem:v1+s31+$0x0] =	vst.idx.add.f32.msk $0xffff, v55  }
0x9d: {  	v1 =	vld [tilespmem:s7+$0xF0]  }
0x9e: {  	v59 =	vld [tilespmem:s6+$0xFFFFFF30]  }
0x9f: {  	v9 =	vld [tilespmem:s5+$0xF0]  }
0xa0: {  	v10 =	vld [tilespmem:s6+$0xF0]  }
0xa1: {  	[tilespmem:v2+s30+$0x0] =	vst.idx.add.f32.msk $0xffff, v60  }
0xa2: {  	[tilespmem:v2+s31+$0x0] =	vst.idx.add.f32.msk $0xffff, v61  }
0xa3: {  	v2 =	vld [tilespmem:s7+$0xFFFFFFC0]  }
0xa4: {  	v6 =	vld [tilespmem:s5+$0xFFFFFFC0]  }
0xa5: {  	[tilespmem:v1+s30+$0x0] =	vst.idx.add.f32.msk $0xffff, v9  }
0xa6: {  	v9 =	vld [tilespmem:s6+$0x40]  }
0xa7: {  	v7 =	vld [tilespmem:s6+$0xFFFFFFC0]  }
0xa8: {  	[tilespmem:v1+s31+$0x0] =	vst.idx.add.f32.msk $0xffff, v10  }
0xa9: {  	v1 =	vld [tilespmem:s7+$0xFFFFFF30]  }
0xaa: {  	[tilespmem:v3+s30+$0x0] =	vst.idx.add.f32.msk $0xffff, v8  }
0xab: {  	[tilespmem:v3+s31+$0x0] =	vst.idx.add.f32.msk $0xffff, v9  }
0xac: {  	v3 =	vld [tilespmem:s7+$0x50]  }
0xad: {  	v8 =	vld [tilespmem:s5+$0x50]  }
0xae: {  	v9 =	vld [tilespmem:s6+$0x50]  }
0xaf: {  	[tilespmem:v2+s30+$0x0] =	vst.idx.add.f32.msk $0xffff, v6  }
0xb0: {  	[tilespmem:v2+s31+$0x0] =	vst.idx.add.f32.msk $0xffff, v7  }
0xb1: {  	[tilespmem:v1+s30+$0x0] =	vst.idx.add.f32.msk $0xffff, v58  }
0xb2: {  	v2 =	vld [tilespmem:s7+$0xFFFFFFD0]  }
0xb3: {  	v6 =	vld [tilespmem:s5+$0xFFFFFFD0]  }
0xb4: {  	v7 =	vld [tilespmem:s6+$0xFFFFFFD0]  }
0xb5: {  	[tilespmem:v1+s31+$0x0] =	vst.idx.add.f32.msk $0xffff, v59  }
0xb6: {  	v1 =	vld [tilespmem:s7+$0xFFFFFF40]  }
0xb7: {  	v4 =	vld [tilespmem:s5+$0xFFFFFF40]  }
0xb8: {  	v5 =	vld [tilespmem:s6+$0xFFFFFF40]  }
0xb9: {  	[tilespmem:v3+s30+$0x0] =	vst.idx.add.f32.msk $0xffff, v8  }
0xba: {  	[tilespmem:v3+s31+$0x0] =	vst.idx.add.f32.msk $0xffff, v9  }
0xbb: {  	v3 =	vld [tilespmem:s7+$0x60]  }
0xbc: {  	v8 =	vld [tilespmem:s5+$0x60]  }
0xbd: {  	v9 =	vld [tilespmem:s6+$0x60]  }
0xbe: {  	[tilespmem:v2+s30+$0x0] =	vst.idx.add.f32.msk $0xffff, v6  }
0xbf: {  	[tilespmem:v2+s31+$0x0] =	vst.idx.add.f32.msk $0xffff, v7  }
0xc0: {  	[tilespmem:v1+s30+$0x0] =	vst.idx.add.f32.msk $0xffff, v4  }
0xc1: {  	v2 =	vld [tilespmem:s7+$0xFFFFFFE0]  }
0xc2: {  	v6 =	vld [tilespmem:s5+$0xFFFFFFE0]  }
0xc3: {  	[tilespmem:v1+s31+$0x0] =	vst.idx.add.f32.msk $0xffff, v5  }
0xc4: {  	v1 =	vld [tilespmem:s7+$0xFFFFFF50]  }
0xc5: {  	v7 =	vld [tilespmem:s6+$0xFFFFFFE0]  }
0xc6: {  	v4 =	vld [tilespmem:s5+$0xFFFFFF50]  }
0xc7: {  	v5 =	vld [tilespmem:s6+$0xFFFFFF50]  }
0xc8: {  	[tilespmem:v3+s30+$0x0] =	vst.idx.add.f32.msk $0xffff, v8  }
0xc9: {  	[tilespmem:v3+s31+$0x0] =	vst.idx.add.f32.msk $0xffff, v9  }
0xca: {  	v3 =	vld [tilespmem:s7+$0x70]  }
0xcb: {  	v8 =	vld [tilespmem:s5+$0x70]  }
0xcc: {  	[tilespmem:v1+s30+$0x0] =	vst.idx.add.f32.msk $0xffff, v4  }
0xcd: {  	[tilespmem:v1+s31+$0x0] =	vst.idx.add.f32.msk $0xffff, v5  }
0xce: {  	v1 =	vld [tilespmem:s7+$0xFFFFFF60]  }
0xcf: {  	v9 =	vld [tilespmem:s6+$0x70]  }
0xd0: {  	[tilespmem:v2+s30+$0x0] =	vst.idx.add.f32.msk $0xffff, v6  }
0xd1: {  	v4 =	vld [tilespmem:s5+$0xFFFFFF60]  }
0xd2: {  	v5 =	vld [tilespmem:s6+$0xFFFFFF60]  }
0xd3: {  	[tilespmem:v2+s31+$0x0] =	vst.idx.add.f32.msk $0xffff, v7  }
0xd4: {  	v2 =	vld [tilespmem:s7+$0xFFFFFFF0]  }
0xd5: {  	v6 =	vld [tilespmem:s5+$0xFFFFFFF0]  }
0xd6: {  	[tilespmem:v1+s30+$0x0] =	vst.idx.add.f32.msk $0xffff, v4  }
0xd7: {  	[tilespmem:v1+s31+$0x0] =	vst.idx.add.f32.msk $0xffff, v5  }
0xd8: {  	v1 =	vld [tilespmem:s7+$0xFFFFFF70]  }
0xd9: {  	v7 =	vld [tilespmem:s6+$0xFFFFFFF0]  }
0xda: {  	[tilespmem:v3+s30+$0x0] =	vst.idx.add.f32.msk $0xffff, v8  }
0xdb: {  	v4 =	vld [tilespmem:s5+$0xFFFFFF70]  }
0xdc: {  	v5 =	vld [tilespmem:s6+$0xFFFFFF70]  }
0xdd: {  	[tilespmem:v3+s31+$0x0] =	vst.idx.add.f32.msk $0xffff, v9  }
0xde: {  	[tilespmem:v2+s30+$0x0] =	vst.idx.add.f32.msk $0xffff, v6  }
0xdf: {  	[tilespmem:v2+s31+$0x0] =	vst.idx.add.f32.msk $0xffff, v7  }
0xe0: {  	[tilespmem:v1+s30+$0x0] =	vst.idx.add.f32.msk $0xffff, v4  }
0xe1: {  	s8 =	simm.s32 $0xA100;
	s7 =	simm.s32 $0x0;
	[tilespmem:v1+s31+$0x0] =	vst.idx.add.f32.msk $0xffff, v5  }
.LBB2_4:
0xe2: {  	v1 =	vld [tilespmem:s8+$0x80]  }
0xe3: {  	v2 =	vld [tilespmem:s8+$0xFFFFFF80]  }
0xe4: {  	s5 =	sadd.s32 $0x200, s5;
	v3 =	vld [tilespmem:s8+$0x0]  }
0xe5: {  	s6 =	sadd.s32 $0x200, s6;
	v4 =	vld [tilespmem:s5+$0x80]  }
0xe6: {  	v5 =	vld [tilespmem:s6+$0x80]  }
0xe7: {  	v6 =	vld [tilespmem:s8+$0xFFFFFF00]  }
0xe8: {  	v7 =	vld [tilespmem:s5+$0xFFFFFF00]  }
0xe9: {  	v8 =	vld [tilespmem:s6+$0xFFFFFF00]  }
0xea: {  	s7 =	sadd.s32 $0x4, s7;
	[tilespmem:v1+s30+$0x0] =	vst.idx.add.f32.msk $0xffff, v4  }
0xeb: {  	p0 =	slt.u32 s7, $0x48;
	[tilespmem:v1+s31+$0x0] =	vst.idx.add.f32.msk $0xffff, v5  }
0xec: {  	v1 =	vld [tilespmem:s8+$0x90]  }
0xed: {  	v4 =	vld [tilespmem:s5+$0xFFFFFF80]  }
0xee: {  	v5 =	vld [tilespmem:s6+$0xFFFFFF80]  }
0xef: {  	v9 =	vld [tilespmem:s5+$0x90]  }
0xf0: {  	v10 =	vld [tilespmem:s6+$0x90]  }
0xf1: {  	v11 =	vld [tilespmem:s5+$0x0]  }
0xf2: {  	v12 =	vld [tilespmem:s6+$0x0]  }
0xf3: {  	[tilespmem:v6+s30+$0x0] =	vst.idx.add.f32.msk $0xffff, v7  }
0xf4: {  	[tilespmem:v1+s30+$0x0] =	vst.idx.add.f32.msk $0xffff, v9  }
0xf5: {  	[tilespmem:v1+s31+$0x0] =	vst.idx.add.f32.msk $0xffff, v10  }
0xf6: {  	v1 =	vld [tilespmem:s8+$0xA0]  }
0xf7: {  	[tilespmem:v6+s31+$0x0] =	vst.idx.add.f32.msk $0xffff, v8  }
0xf8: {  	[tilespmem:v2+s30+$0x0] =	vst.idx.add.f32.msk $0xffff, v4  }
0xf9: {  	v4 =	vld [tilespmem:s5+$0xA0]  }
0xfa: {  	v6 =	vld [tilespmem:s6+$0xA0]  }
0xfb: {  	[tilespmem:v2+s31+$0x0] =	vst.idx.add.f32.msk $0xffff, v5  }
0xfc: {  	[tilespmem:v3+s30+$0x0] =	vst.idx.add.f32.msk $0xffff, v11  }
0xfd: {  	[tilespmem:v3+s31+$0x0] =	vst.idx.add.f32.msk $0xffff, v12  }
0xfe: {  	[tilespmem:v1+s30+$0x0] =	vst.idx.add.f32.msk $0xffff, v4  }
0xff: {  	[tilespmem:v1+s31+$0x0] =	vst.idx.add.f32.msk $0xffff, v6  }
0x100: {  	v1 =	vld [tilespmem:s8+$0xB0]  }
0x101: {  	v2 =	vld [tilespmem:s8+$0xFFFFFF10]  }
0x102: {  	v3 =	vld [tilespmem:s8+$0xFFFFFF90]  }
0x103: {  	v4 =	vld [tilespmem:s5+$0xB0]  }
0x104: {  	v5 =	vld [tilespmem:s6+$0xB0]  }
0x105: {  	v6 =	vld [tilespmem:s8+$0x10]  }
0x106: {  	v7 =	vld [tilespmem:s5+$0xFFFFFF10]  }
0x107: {  	v8 =	vld [tilespmem:s6+$0xFFFFFF10]  }
0x108: {  	[tilespmem:v1+s30+$0x0] =	vst.idx.add.f32.msk $0xffff, v4  }
0x109: {  	[tilespmem:v1+s31+$0x0] =	vst.idx.add.f32.msk $0xffff, v5  }
0x10a: {  	v1 =	vld [tilespmem:s8+$0xC0]  }
0x10b: {  	v4 =	vld [tilespmem:s5+$0xFFFFFF90]  }
0x10c: {  	v5 =	vld [tilespmem:s6+$0xFFFFFF90]  }
0x10d: {  	v9 =	vld [tilespmem:s5+$0xC0]  }
0x10e: {  	v10 =	vld [tilespmem:s6+$0xC0]  }
0x10f: {  	v11 =	vld [tilespmem:s5+$0x10]  }
0x110: {  	v12 =	vld [tilespmem:s6+$0x10]  }
0x111: {  	[tilespmem:v2+s30+$0x0] =	vst.idx.add.f32.msk $0xffff, v7  }
0x112: {  	[tilespmem:v1+s30+$0x0] =	vst.idx.add.f32.msk $0xffff, v9  }
0x113: {  	[tilespmem:v1+s31+$0x0] =	vst.idx.add.f32.msk $0xffff, v10  }
0x114: {  	v1 =	vld [tilespmem:s8+$0xD0]  }
0x115: {  	[tilespmem:v2+s31+$0x0] =	vst.idx.add.f32.msk $0xffff, v8  }
0x116: {  	[tilespmem:v3+s30+$0x0] =	vst.idx.add.f32.msk $0xffff, v4  }
0x117: {  	v2 =	vld [tilespmem:s5+$0xD0]  }
0x118: {  	v4 =	vld [tilespmem:s6+$0xD0]  }
0x119: {  	[tilespmem:v3+s31+$0x0] =	vst.idx.add.f32.msk $0xffff, v5  }
0x11a: {  	[tilespmem:v6+s30+$0x0] =	vst.idx.add.f32.msk $0xffff, v11  }
0x11b: {  	[tilespmem:v6+s31+$0x0] =	vst.idx.add.f32.msk $0xffff, v12  }
0x11c: {  	[tilespmem:v1+s30+$0x0] =	vst.idx.add.f32.msk $0xffff, v2  }
0x11d: {  	[tilespmem:v1+s31+$0x0] =	vst.idx.add.f32.msk $0xffff, v4  }
0x11e: {  	v1 =	vld [tilespmem:s8+$0xE0]  }
0x11f: {  	v2 =	vld [tilespmem:s8+$0xFFFFFF20]  }
0x120: {  	v3 =	vld [tilespmem:s8+$0xFFFFFFA0]  }
0x121: {  	v4 =	vld [tilespmem:s5+$0xE0]  }
0x122: {  	v5 =	vld [tilespmem:s6+$0xE0]  }
0x123: {  	v6 =	vld [tilespmem:s8+$0x20]  }
0x124: {  	v7 =	vld [tilespmem:s5+$0xFFFFFF20]  }
0x125: {  	v8 =	vld [tilespmem:s6+$0xFFFFFF20]  }
0x126: {  	[tilespmem:v1+s30+$0x0] =	vst.idx.add.f32.msk $0xffff, v4  }
0x127: {  	[tilespmem:v1+s31+$0x0] =	vst.idx.add.f32.msk $0xffff, v5  }
0x128: {  	v1 =	vld [tilespmem:s8+$0xF0]  }
0x129: {  	v4 =	vld [tilespmem:s5+$0xFFFFFFA0]  }
0x12a: {  	v5 =	vld [tilespmem:s6+$0xFFFFFFA0]  }
0x12b: {  	v9 =	vld [tilespmem:s5+$0xF0]  }
0x12c: {  	v10 =	vld [tilespmem:s6+$0xF0]  }
0x12d: {  	v11 =	vld [tilespmem:s5+$0x20]  }
0x12e: {  	v12 =	vld [tilespmem:s6+$0x20]  }
0x12f: {  	[tilespmem:v2+s30+$0x0] =	vst.idx.add.f32.msk $0xffff, v7  }
0x130: {  	[tilespmem:v1+s30+$0x0] =	vst.idx.add.f32.msk $0xffff, v9  }
0x131: {  	s9 =	simm.s32 $0x0;
	[tilespmem:v1+s31+$0x0] =	vst.idx.add.f32.msk $0xffff, v10  }
0x132: {  	[tilespmem:v2+s31+$0x0] =	vst.idx.add.f32.msk $0xffff, v8  }
0x133: {  	[tilespmem:v3+s30+$0x0] =	vst.idx.add.f32.msk $0xffff, v4  }
0x134: {  	[tilespmem:v3+s31+$0x0] =	vst.idx.add.f32.msk $0xffff, v5  }
0x135: {  	[tilespmem:v6+s30+$0x0] =	vst.idx.add.f32.msk $0xffff, v11  }
0x136: {  	[tilespmem:v6+s31+$0x0] =	vst.idx.add.f32.msk $0xffff, v12  }
0x137: {  	v1 =	vld [tilespmem:s8+$0xFFFFFF30]  }
0x138: {  	v2 =	vld [tilespmem:s8+$0xFFFFFFB0]  }
0x139: {  	v3 =	vld [tilespmem:s8+$0x30]  }
0x13a: {  	v4 =	vld [tilespmem:s5+$0xFFFFFF30]  }
0x13b: {  	v5 =	vld [tilespmem:s6+$0xFFFFFF30]  }
0x13c: {  	v6 =	vld [tilespmem:s5+$0xFFFFFFB0]  }
0x13d: {  	v7 =	vld [tilespmem:s6+$0xFFFFFFB0]  }
0x13e: {  	v8 =	vld [tilespmem:s5+$0x30]  }
0x13f: {  	v9 =	vld [tilespmem:s6+$0x30]  }
0x140: {  	[tilespmem:v1+s30+$0x0] =	vst.idx.add.f32.msk $0xffff, v4  }
0x141: {  	[tilespmem:v1+s31+$0x0] =	vst.idx.add.f32.msk $0xffff, v5  }
0x142: {  	[tilespmem:v2+s30+$0x0] =	vst.idx.add.f32.msk $0xffff, v6  }
0x143: {  	[tilespmem:v2+s31+$0x0] =	vst.idx.add.f32.msk $0xffff, v7  }
0x144: {  	[tilespmem:v3+s30+$0x0] =	vst.idx.add.f32.msk $0xffff, v8  }
0x145: {  	[tilespmem:v3+s31+$0x0] =	vst.idx.add.f32.msk $0xffff, v9  }
0x146: {  	v1 =	vld [tilespmem:s8+$0xFFFFFF40]  }
0x147: {  	v2 =	vld [tilespmem:s8+$0xFFFFFFC0]  }
0x148: {  	v3 =	vld [tilespmem:s8+$0x40]  }
0x149: {  	v4 =	vld [tilespmem:s5+$0xFFFFFF40]  }
0x14a: {  	v5 =	vld [tilespmem:s6+$0xFFFFFF40]  }
0x14b: {  	v6 =	vld [tilespmem:s5+$0xFFFFFFC0]  }
0x14c: {  	v7 =	vld [tilespmem:s6+$0xFFFFFFC0]  }
0x14d: {  	v8 =	vld [tilespmem:s5+$0x40]  }
0x14e: {  	v9 =	vld [tilespmem:s6+$0x40]  }
0x14f: {  	[tilespmem:v1+s30+$0x0] =	vst.idx.add.f32.msk $0xffff, v4  }
0x150: {  	[tilespmem:v1+s31+$0x0] =	vst.idx.add.f32.msk $0xffff, v5  }
0x151: {  	[tilespmem:v2+s30+$0x0] =	vst.idx.add.f32.msk $0xffff, v6  }
0x152: {  	[tilespmem:v2+s31+$0x0] =	vst.idx.add.f32.msk $0xffff, v7  }
0x153: {  	[tilespmem:v3+s30+$0x0] =	vst.idx.add.f32.msk $0xffff, v8  }
0x154: {  	[tilespmem:v3+s31+$0x0] =	vst.idx.add.f32.msk $0xffff, v9  }
0x155: {  	v1 =	vld [tilespmem:s8+$0xFFFFFF50]  }
0x156: {  	v2 =	vld [tilespmem:s8+$0xFFFFFFD0]  }
0x157: {  	v3 =	vld [tilespmem:s8+$0x50]  }
0x158: {  	v4 =	vld [tilespmem:s5+$0xFFFFFF50]  }
0x159: {  	v5 =	vld [tilespmem:s6+$0xFFFFFF50]  }
0x15a: {  	v6 =	vld [tilespmem:s5+$0xFFFFFFD0]  }
0x15b: {  	v7 =	vld [tilespmem:s6+$0xFFFFFFD0]  }
0x15c: {  	v8 =	vld [tilespmem:s5+$0x50]  }
0x15d: {  	v9 =	vld [tilespmem:s6+$0x50]  }
0x15e: {  	[tilespmem:v1+s30+$0x0] =	vst.idx.add.f32.msk $0xffff, v4  }
0x15f: {  	[tilespmem:v1+s31+$0x0] =	vst.idx.add.f32.msk $0xffff, v5  }
0x160: {  	[tilespmem:v2+s30+$0x0] =	vst.idx.add.f32.msk $0xffff, v6  }
0x161: {  	[tilespmem:v2+s31+$0x0] =	vst.idx.add.f32.msk $0xffff, v7  }
0x162: {  	[tilespmem:v3+s30+$0x0] =	vst.idx.add.f32.msk $0xffff, v8  }
0x163: {  	[tilespmem:v3+s31+$0x0] =	vst.idx.add.f32.msk $0xffff, v9  }
0x164: {  	v1 =	vld [tilespmem:s8+$0xFFFFFF60]  }
0x165: {  	v2 =	vld [tilespmem:s8+$0xFFFFFFE0]  }
0x166: {  	v3 =	vld [tilespmem:s8+$0x60]  }
0x167: {  	v4 =	vld [tilespmem:s5+$0xFFFFFF60]  }
0x168: {  	v5 =	vld [tilespmem:s6+$0xFFFFFF60]  }
0x169: {  	v6 =	vld [tilespmem:s5+$0xFFFFFFE0]  }
0x16a: {  	v7 =	vld [tilespmem:s6+$0xFFFFFFE0]  }
0x16b: {  	v8 =	vld [tilespmem:s5+$0x60]  }
0x16c: {  	v9 =	vld [tilespmem:s6+$0x60]  }
0x16d: {  	[tilespmem:v1+s30+$0x0] =	vst.idx.add.f32.msk $0xffff, v4  }
0x16e: {  	[tilespmem:v1+s31+$0x0] =	vst.idx.add.f32.msk $0xffff, v5  }
0x16f: {  	[tilespmem:v2+s30+$0x0] =	vst.idx.add.f32.msk $0xffff, v6  }
0x170: {  	[tilespmem:v2+s31+$0x0] =	vst.idx.add.f32.msk $0xffff, v7  }
0x171: {  	[tilespmem:v3+s30+$0x0] =	vst.idx.add.f32.msk $0xffff, v8  }
0x172: {  	[tilespmem:v3+s31+$0x0] =	vst.idx.add.f32.msk $0xffff, v9  }
0x173: {  	v1 =	vld [tilespmem:s8+$0xFFFFFF70]  }
0x174: {  	v2 =	vld [tilespmem:s8+$0xFFFFFFF0]  }
0x175: {  	v3 =	vld [tilespmem:s8+$0x70]  }
0x176: {  	v4 =	vld [tilespmem:s5+$0xFFFFFF70]  }
0x177: {  	v5 =	vld [tilespmem:s6+$0xFFFFFF70]  }
0x178: {  	v6 =	vld [tilespmem:s5+$0xFFFFFFF0]  }
0x179: {  	v7 =	vld [tilespmem:s6+$0xFFFFFFF0]  }
0x17a: {  	v8 =	vld [tilespmem:s5+$0x70]  }
0x17b: {  	v9 =	vld [tilespmem:s6+$0x70]  }
0x17c: {  	[tilespmem:v1+s30+$0x0] =	vst.idx.add.f32.msk $0xffff, v4  }
.Ltmp1:
0x17d: {  	[tilespmem:v1+s31+$0x0] =	vst.idx.add.f32.msk $0xffff, v5;
	(pc) =	sbr.rel @p0 .LBB2_4-.Ltmp1, $4  }
0x17e: {  	[tilespmem:v2+s30+$0x0] =	vst.idx.add.f32.msk $0xffff, v6  }
0x17f: {  	[tilespmem:v2+s31+$0x0] =	vst.idx.add.f32.msk $0xffff, v7  }
0x180: {  	[tilespmem:v3+s30+$0x0] =	vst.idx.add.f32.msk $0xffff, v8  }
0x181: {  	s8 =	sadd.s32 $0x200, s8;
	[tilespmem:v3+s31+$0x0] =	vst.idx.add.f32.msk $0xffff, v9  }
.LBB2_5:
0x182: {  	s5 =	sshra.s32 s9, $0x2  }
0x183: {  	v1 =	vld [tilespmem:s5+$0xC400];
	_ =	sdelay $0x2  }
0x184: {  	v2 =	vld [tilespmem:s5+$0x2600]  }
0x185: {  	v3 =	vld [tilespmem:s5+$0x7500];
	_ =	sdelay $0x3  }
0x186: {  	[tilespmem:v1+s30+$0x0] =	vst.idx.add.f32.msk $0xffff, v2  }
0x187: {  	[tilespmem:v1+s31+$0x0] =	vst.idx.add.f32.msk $0xffff, v3  }
0x188: {  	v1 =	vld [tilespmem:s5+$0xC410];
	_ =	sdelay $0x2  }
0x189: {  	v2 =	vld [tilespmem:s5+$0x2610]  }
0x18a: {  	v3 =	vld [tilespmem:s5+$0x7510];
	_ =	sdelay $0x3  }
0x18b: {  	[tilespmem:v1+s30+$0x0] =	vst.idx.add.f32.msk $0xffff, v2  }
0x18c: {  	[tilespmem:v1+s31+$0x0] =	vst.idx.add.f32.msk $0xffff, v3  }
0x18d: {  	v1 =	vld [tilespmem:s5+$0xC420];
	_ =	sdelay $0x2  }
0x18e: {  	v2 =	vld [tilespmem:s5+$0x2620]  }
0x18f: {  	v3 =	vld [tilespmem:s5+$0x7520];
	_ =	sdelay $0x3  }
0x190: {  	[tilespmem:v1+s30+$0x0] =	vst.idx.add.f32.msk $0xffff, v2  }
0x191: {  	[tilespmem:v1+s31+$0x0] =	vst.idx.add.f32.msk $0xffff, v3  }
0x192: {  	v1 =	vld [tilespmem:s5+$0xC430];
	_ =	sdelay $0x2  }
0x193: {  	v2 =	vld [tilespmem:s5+$0x2630]  }
0x194: {  	v3 =	vld [tilespmem:s5+$0x7530];
	_ =	sdelay $0x3  }
0x195: {  	[tilespmem:v1+s30+$0x0] =	vst.idx.add.f32.msk $0xffff, v2  }
0x196: {  	[tilespmem:v1+s31+$0x0] =	vst.idx.add.f32.msk $0xffff, v3  }
0x197: {  	v1 =	vld [tilespmem:s5+$0xC440];
	_ =	sdelay $0x2  }
0x198: {  	v2 =	vld [tilespmem:s5+$0x2640]  }
0x199: {  	v3 =	vld [tilespmem:s5+$0x7540];
	_ =	sdelay $0x3  }
0x19a: {  	[tilespmem:v1+s30+$0x0] =	vst.idx.add.f32.msk $0xffff, v2  }
0x19b: {  	[tilespmem:v1+s31+$0x0] =	vst.idx.add.f32.msk $0xffff, v3  }
0x19c: {  	v1 =	vld [tilespmem:s5+$0xC450];
	_ =	sdelay $0x2  }
0x19d: {  	v2 =	vld [tilespmem:s5+$0x2650]  }
0x19e: {  	v3 =	vld [tilespmem:s5+$0x7550];
	_ =	sdelay $0x3  }
0x19f: {  	[tilespmem:v1+s30+$0x0] =	vst.idx.add.f32.msk $0xffff, v2  }
0x1a0: {  	[tilespmem:v1+s31+$0x0] =	vst.idx.add.f32.msk $0xffff, v3  }
0x1a1: {  	v1 =	vld [tilespmem:s5+$0xC460];
	_ =	sdelay $0x2  }
0x1a2: {  	v2 =	vld [tilespmem:s5+$0x2660]  }
0x1a3: {  	v3 =	vld [tilespmem:s5+$0x7560];
	_ =	sdelay $0x3  }
0x1a4: {  	[tilespmem:v1+s30+$0x0] =	vst.idx.add.f32.msk $0xffff, v2  }
0x1a5: {  	[tilespmem:v1+s31+$0x0] =	vst.idx.add.f32.msk $0xffff, v3  }
0x1a6: {  	v1 =	vld [tilespmem:s5+$0xC470];
	_ =	sdelay $0x2  }
0x1a7: {  	v2 =	vld [tilespmem:s5+$0x2670]  }
0x1a8: {  	p0 =	sne.s32 s9, $0x400;
	v3 =	vld [tilespmem:s5+$0x7570]  }
.Ltmp2:
0x1a9: {  	_ = 	snop;
	(pc) =	sbr.rel @p0 .LBB2_5-.Ltmp2, $3  }
0x1aa: {  	_ =	sdelay $0x1  }
0x1ab: {  	[tilespmem:v1+s30+$0x0] =	vst.idx.add.f32.msk $0xffff, v2  }
0x1ac: {  	s9 =	sadd.s32 $0x200, s9;
	[tilespmem:v1+s31+$0x0] =	vst.idx.add.f32.msk $0xffff, v3  }
0x1ad: {  	[tilespmem:s2], [sflag:$0x1] =	stream.strided.gather [hbm4b:s10+s20], $0x2780, s21, s20, $0x38;
	[tilespmem:$0x13D00] =	vst v63  }
0x1ae: {  	_ = 	snop  }
0x1af: {  	[tilespmem:s22], [sflag:$0x1] =	stream.strided.gather [hbm4b:s11+s20], $0x2780, s21, s20, $0x38;
	[tilespmem:$0x13D00] =	vst v63  }
0x1b0: {  	_ = 	snop  }
0x1b1: {  	[tilespmem:s24], [sflag:$0x1] =	stream.strided.gather [hbm4b:s12+s20], $0x2780, s23, s20, $0x38;
	[tilespmem:$0x13D00] =	vst v63  }
0x1b2: {  	_ =	swait.ge [sflag:s0], $0x2780  }
0x1b3: {  	[sflag:s0] =	ssyncset.done $0x0  }
0x1b4: {  	[sflag:s0] =	ssyncadd.s32 $0xFFFFD880  }
0x1b5: {  	_ =	swait.ge [sflag:s0], $0x2780  }
0x1b6: {  	[sflag:s0] =	ssyncset.done $0x0  }
0x1b7: {  	[sflag:s0] =	ssyncadd.s32 $0xFFFFD880  }
0x1b8: {  	_ =	swait.ge [sflag:s0], $0x2780  }
0x1b9: {  	[sflag:s0] =	ssyncset.done $0x0  }
0x1ba: {  	s7 =	simm.s32 $0xC770;
	[sflag:s0] =	ssyncadd.s32 $0xFFFFD880  }
0x1bb: {  	v1 =	vld [tilespmem:s7+$0xFFFFFF90]  }
0x1bc: {  	v2 =	vld [tilespmem:s7+$0xFFFFFE90]  }
0x1bd: {  	s5 =	simm.s32 $0x2970;
	v3 =	vld [tilespmem:s7+$0xFFFFFF10]  }
0x1be: {  	s6 =	simm.s32 $0x7870;
	v4 =	vld [tilespmem:s5+$0xFFFFFF90]  }
0x1bf: {  	v5 =	vld [tilespmem:s6+$0xFFFFFF90]  }
0x1c0: {  	v6 =	vld [tilespmem:s7+$0xFFFFFE10]  }
0x1c1: {  	v7 =	vld [tilespmem:s5+$0xFFFFFE10]  }
0x1c2: {  	v8 =	vld [tilespmem:s6+$0xFFFFFE10]  }
0x1c3: {  	v46 =	vld [tilespmem:s5+$0xFFFFFE90]  }
0x1c4: {  	v47 =	vld [tilespmem:s6+$0xFFFFFE90]  }
0x1c5: {  	v11 =	vld [tilespmem:s5+$0xFFFFFF10]  }
0x1c6: {  	v12 =	vld [tilespmem:s6+$0xFFFFFF10]  }
0x1c7: {  	[tilespmem:v1+s30+$0x0] =	vst.idx.add.f32.msk $0xffff, v4  }
0x1c8: {  	[tilespmem:v6+s30+$0x0] =	vst.idx.add.f32.msk $0xffff, v7  }
0x1c9: {  	[tilespmem:v2+s30+$0x0] =	vst.idx.add.f32.msk $0xffff, v46  }
0x1ca: {  	[tilespmem:v3+s30+$0x0] =	vst.idx.add.f32.msk $0xffff, v11  }
0x1cb: {  	[tilespmem:v1+s31+$0x0] =	vst.idx.add.f32.msk $0xffff, v5  }
0x1cc: {  	[tilespmem:v6+s31+$0x0] =	vst.idx.add.f32.msk $0xffff, v8  }
0x1cd: {  	[tilespmem:v2+s31+$0x0] =	vst.idx.add.f32.msk $0xffff, v47  }
0x1ce: {  	[tilespmem:v3+s31+$0x0] =	vst.idx.add.f32.msk $0xffff, v12  }
0x1cf: {  	v1 =	vld [tilespmem:s7+$0xFFFFFFA0]  }
0x1d0: {  	v9 =	vld [tilespmem:s5+$0xFFFFFFA0]  }
0x1d1: {  	v10 =	vld [tilespmem:s6+$0xFFFFFFA0]  }
0x1d2: {  	v2 =	vld [tilespmem:s7+$0xFFFFFE20]  }
0x1d3: {  	v3 =	vld [tilespmem:s7+$0xFFFFFEA0]  }
0x1d4: {  	v51 =	vld [tilespmem:s7+$0xFFFFFF20]  }
0x1d5: {  	v7 =	vld [tilespmem:s5+$0xFFFFFE20]  }
0x1d6: {  	v8 =	vld [tilespmem:s6+$0xFFFFFE20]  }
0x1d7: {  	v52 =	vld [tilespmem:s5+$0xFFFFFEA0]  }
0x1d8: {  	v53 =	vld [tilespmem:s6+$0xFFFFFEA0]  }
0x1d9: {  	v11 =	vld [tilespmem:s5+$0xFFFFFF20]  }
0x1da: {  	v12 =	vld [tilespmem:s6+$0xFFFFFF20]  }
0x1db: {  	[tilespmem:v1+s30+$0x0] =	vst.idx.add.f32.msk $0xffff, v9  }
0x1dc: {  	[tilespmem:v2+s30+$0x0] =	vst.idx.add.f32.msk $0xffff, v7  }
0x1dd: {  	[tilespmem:v3+s30+$0x0] =	vst.idx.add.f32.msk $0xffff, v52  }
0x1de: {  	[tilespmem:v51+s30+$0x0] =	vst.idx.add.f32.msk $0xffff, v11  }
0x1df: {  	[tilespmem:v1+s31+$0x0] =	vst.idx.add.f32.msk $0xffff, v10  }
0x1e0: {  	v1 =	vld [tilespmem:s7+$0xFFFFFFB0]  }
0x1e1: {  	[tilespmem:v2+s31+$0x0] =	vst.idx.add.f32.msk $0xffff, v8  }
0x1e2: {  	[tilespmem:v3+s31+$0x0] =	vst.idx.add.f32.msk $0xffff, v53  }
0x1e3: {  	v48 =	vld [tilespmem:s5+$0xFFFFFFB0]  }
0x1e4: {  	v49 =	vld [tilespmem:s6+$0xFFFFFFB0]  }
0x1e5: {  	[tilespmem:v51+s31+$0x0] =	vst.idx.add.f32.msk $0xffff, v12  }
0x1e6: {  	v3 =	vld [tilespmem:s7+$0xFFFFFEB0]  }
0x1e7: {  	v6 =	vld [tilespmem:s7+$0xFFFFFF30]  }
0x1e8: {  	[tilespmem:v1+s30+$0x0] =	vst.idx.add.f32.msk $0xffff, v48  }
0x1e9: {  	[tilespmem:v1+s31+$0x0] =	vst.idx.add.f32.msk $0xffff, v49  }
0x1ea: {  	v1 =	vld [tilespmem:s7+$0xFFFFFFC0]  }
0x1eb: {  	v7 =	vld [tilespmem:s5+$0xFFFFFE30]  }
0x1ec: {  	v8 =	vld [tilespmem:s6+$0xFFFFFE30]  }
0x1ed: {  	v4 =	vld [tilespmem:s5+$0xFFFFFFC0]  }
0x1ee: {  	v50 =	vld [tilespmem:s6+$0xFFFFFFC0]  }
0x1ef: {  	v56 =	vld [tilespmem:s5+$0xFFFFFEB0]  }
0x1f0: {  	v57 =	vld [tilespmem:s6+$0xFFFFFEB0]  }
0x1f1: {  	v11 =	vld [tilespmem:s5+$0xFFFFFF30]  }
0x1f2: {  	[tilespmem:v1+s30+$0x0] =	vst.idx.add.f32.msk $0xffff, v4  }
0x1f3: {  	[tilespmem:v1+s31+$0x0] =	vst.idx.add.f32.msk $0xffff, v50  }
0x1f4: {  	v1 =	vld [tilespmem:s7+$0xFFFFFFD0]  }
0x1f5: {  	v12 =	vld [tilespmem:s6+$0xFFFFFF30]  }
0x1f6: {  	[tilespmem:v3+s30+$0x0] =	vst.idx.add.f32.msk $0xffff, v56  }
0x1f7: {  	v9 =	vld [tilespmem:s5+$0xFFFFFFD0]  }
0x1f8: {  	v10 =	vld [tilespmem:s6+$0xFFFFFFD0]  }
0x1f9: {  	[tilespmem:v6+s30+$0x0] =	vst.idx.add.f32.msk $0xffff, v11  }
0x1fa: {  	[tilespmem:v3+s31+$0x0] =	vst.idx.add.f32.msk $0xffff, v57  }
0x1fb: {  	[tilespmem:v6+s31+$0x0] =	vst.idx.add.f32.msk $0xffff, v12  }
0x1fc: {  	[tilespmem:v1+s30+$0x0] =	vst.idx.add.f32.msk $0xffff, v9  }
0x1fd: {  	[tilespmem:v1+s31+$0x0] =	vst.idx.add.f32.msk $0xffff, v10  }
0x1fe: {  	v1 =	vld [tilespmem:s7+$0xFFFFFFE0]  }
0x1ff: {  	v3 =	vld [tilespmem:s7+$0xFFFFFF40]  }
0x200: {  	v60 =	vld [tilespmem:s5+$0xFFFFFEC0]  }
0x201: {  	v2 =	vld [tilespmem:s5+$0xFFFFFFE0]  }
0x202: {  	v61 =	vld [tilespmem:s6+$0xFFFFFEC0]  }
0x203: {  	v62 =	vld [tilespmem:s5+$0xFFFFFF40]  }
0x204: {  	v63 =	vld [tilespmem:s6+$0xFFFFFF40]  }
0x205: {  	v54 =	vld [tilespmem:s6+$0xFFFFFFE0]  }
0x206: {  	[tilespmem:v1+s30+$0x0] =	vst.idx.add.f32.msk $0xffff, v2  }
0x207: {  	v2 =	vld [tilespmem:s7+$0xFFFFFE30]  }
0x208: {  	[tilespmem:v3+s30+$0x0] =	vst.idx.add.f32.msk $0xffff, v62  }
0x209: {  	[tilespmem:v3+s31+$0x0] =	vst.idx.add.f32.msk $0xffff, v63  }
0x20a: {  	[tilespmem:v1+s31+$0x0] =	vst.idx.add.f32.msk $0xffff, v54  }
0x20b: {  	v1 =	vld [tilespmem:s7+$0xFFFFFFF0]  }
0x20c: {  	v3 =	vld [tilespmem:s7+$0xFFFFFF50]  }
0x20d: {  	v4 =	vld [tilespmem:s5+$0xFFFFFFF0]  }
0x20e: {  	v55 =	vld [tilespmem:s6+$0xFFFFFFF0]  }
0x20f: {  	[tilespmem:v2+s30+$0x0] =	vst.idx.add.f32.msk $0xffff, v7  }
0x210: {  	[tilespmem:v2+s31+$0x0] =	vst.idx.add.f32.msk $0xffff, v8  }
0x211: {  	v2 =	vld [tilespmem:s7+$0xFFFFFEC0]  }
0x212: {  	v8 =	vld [tilespmem:s5+$0xFFFFFF50]  }
0x213: {  	[tilespmem:v1+s30+$0x0] =	vst.idx.add.f32.msk $0xffff, v4  }
0x214: {  	v58 =	vld [tilespmem:s5+$0xFFFFFE40]  }
0x215: {  	[tilespmem:v1+s31+$0x0] =	vst.idx.add.f32.msk $0xffff, v55  }
0x216: {  	v1 =	vld [tilespmem:s7+$0x0]  }
0x217: {  	v59 =	vld [tilespmem:s6+$0xFFFFFE40]  }
0x218: {  	v9 =	vld [tilespmem:s5+$0x0]  }
0x219: {  	v10 =	vld [tilespmem:s6+$0x0]  }
0x21a: {  	[tilespmem:v2+s30+$0x0] =	vst.idx.add.f32.msk $0xffff, v60  }
0x21b: {  	[tilespmem:v2+s31+$0x0] =	vst.idx.add.f32.msk $0xffff, v61  }
0x21c: {  	v2 =	vld [tilespmem:s7+$0xFFFFFED0]  }
0x21d: {  	v6 =	vld [tilespmem:s5+$0xFFFFFED0]  }
0x21e: {  	[tilespmem:v1+s30+$0x0] =	vst.idx.add.f32.msk $0xffff, v9  }
0x21f: {  	v9 =	vld [tilespmem:s6+$0xFFFFFF50]  }
0x220: {  	v7 =	vld [tilespmem:s6+$0xFFFFFED0]  }
0x221: {  	[tilespmem:v1+s31+$0x0] =	vst.idx.add.f32.msk $0xffff, v10  }
0x222: {  	v1 =	vld [tilespmem:s7+$0xFFFFFE40]  }
0x223: {  	[tilespmem:v3+s30+$0x0] =	vst.idx.add.f32.msk $0xffff, v8  }
0x224: {  	[tilespmem:v3+s31+$0x0] =	vst.idx.add.f32.msk $0xffff, v9  }
0x225: {  	v3 =	vld [tilespmem:s7+$0xFFFFFF60]  }
0x226: {  	v8 =	vld [tilespmem:s5+$0xFFFFFF60]  }
0x227: {  	v9 =	vld [tilespmem:s6+$0xFFFFFF60]  }
0x228: {  	[tilespmem:v2+s30+$0x0] =	vst.idx.add.f32.msk $0xffff, v6  }
0x229: {  	[tilespmem:v2+s31+$0x0] =	vst.idx.add.f32.msk $0xffff, v7  }
0x22a: {  	[tilespmem:v1+s30+$0x0] =	vst.idx.add.f32.msk $0xffff, v58  }
0x22b: {  	v2 =	vld [tilespmem:s7+$0xFFFFFEE0]  }
0x22c: {  	v6 =	vld [tilespmem:s5+$0xFFFFFEE0]  }
0x22d: {  	v7 =	vld [tilespmem:s6+$0xFFFFFEE0]  }
0x22e: {  	[tilespmem:v1+s31+$0x0] =	vst.idx.add.f32.msk $0xffff, v59  }
0x22f: {  	v1 =	vld [tilespmem:s7+$0xFFFFFE50]  }
0x230: {  	v4 =	vld [tilespmem:s5+$0xFFFFFE50]  }
0x231: {  	v5 =	vld [tilespmem:s6+$0xFFFFFE50]  }
0x232: {  	[tilespmem:v3+s30+$0x0] =	vst.idx.add.f32.msk $0xffff, v8  }
0x233: {  	[tilespmem:v3+s31+$0x0] =	vst.idx.add.f32.msk $0xffff, v9  }
0x234: {  	v3 =	vld [tilespmem:s7+$0xFFFFFF70]  }
0x235: {  	v8 =	vld [tilespmem:s5+$0xFFFFFF70]  }
0x236: {  	v9 =	vld [tilespmem:s6+$0xFFFFFF70]  }
0x237: {  	[tilespmem:v2+s30+$0x0] =	vst.idx.add.f32.msk $0xffff, v6  }
0x238: {  	[tilespmem:v2+s31+$0x0] =	vst.idx.add.f32.msk $0xffff, v7  }
0x239: {  	[tilespmem:v1+s30+$0x0] =	vst.idx.add.f32.msk $0xffff, v4  }
0x23a: {  	v2 =	vld [tilespmem:s7+$0xFFFFFEF0]  }
0x23b: {  	v6 =	vld [tilespmem:s5+$0xFFFFFEF0]  }
0x23c: {  	[tilespmem:v1+s31+$0x0] =	vst.idx.add.f32.msk $0xffff, v5  }
0x23d: {  	v1 =	vld [tilespmem:s7+$0xFFFFFE60]  }
0x23e: {  	v7 =	vld [tilespmem:s6+$0xFFFFFEF0]  }
0x23f: {  	v4 =	vld [tilespmem:s5+$0xFFFFFE60]  }
0x240: {  	v5 =	vld [tilespmem:s6+$0xFFFFFE60]  }
0x241: {  	[tilespmem:v3+s30+$0x0] =	vst.idx.add.f32.msk $0xffff, v8  }
0x242: {  	[tilespmem:v3+s31+$0x0] =	vst.idx.add.f32.msk $0xffff, v9  }
0x243: {  	v3 =	vld [tilespmem:s7+$0xFFFFFF80]  }
0x244: {  	v8 =	vld [tilespmem:s5+$0xFFFFFF80]  }
0x245: {  	[tilespmem:v1+s30+$0x0] =	vst.idx.add.f32.msk $0xffff, v4  }
0x246: {  	[tilespmem:v1+s31+$0x0] =	vst.idx.add.f32.msk $0xffff, v5  }
0x247: {  	v1 =	vld [tilespmem:s7+$0xFFFFFE70]  }
0x248: {  	v9 =	vld [tilespmem:s6+$0xFFFFFF80]  }
0x249: {  	[tilespmem:v2+s30+$0x0] =	vst.idx.add.f32.msk $0xffff, v6  }
0x24a: {  	v4 =	vld [tilespmem:s5+$0xFFFFFE70]  }
0x24b: {  	v5 =	vld [tilespmem:s6+$0xFFFFFE70]  }
0x24c: {  	[tilespmem:v2+s31+$0x0] =	vst.idx.add.f32.msk $0xffff, v7  }
0x24d: {  	v2 =	vld [tilespmem:s7+$0xFFFFFF00]  }
0x24e: {  	v6 =	vld [tilespmem:s5+$0xFFFFFF00]  }
0x24f: {  	[tilespmem:v1+s30+$0x0] =	vst.idx.add.f32.msk $0xffff, v4  }
0x250: {  	[tilespmem:v1+s31+$0x0] =	vst.idx.add.f32.msk $0xffff, v5  }
0x251: {  	v1 =	vld [tilespmem:s7+$0xFFFFFE80]  }
0x252: {  	v7 =	vld [tilespmem:s6+$0xFFFFFF00]  }
0x253: {  	[tilespmem:v3+s30+$0x0] =	vst.idx.add.f32.msk $0xffff, v8  }
0x254: {  	v4 =	vld [tilespmem:s5+$0xFFFFFE80]  }
0x255: {  	v5 =	vld [tilespmem:s6+$0xFFFFFE80]  }
0x256: {  	[tilespmem:v3+s31+$0x0] =	vst.idx.add.f32.msk $0xffff, v9  }
0x257: {  	[tilespmem:v2+s30+$0x0] =	vst.idx.add.f32.msk $0xffff, v6  }
0x258: {  	[tilespmem:v2+s31+$0x0] =	vst.idx.add.f32.msk $0xffff, v7  }
0x259: {  	[tilespmem:v1+s30+$0x0] =	vst.idx.add.f32.msk $0xffff, v4  }
0x25a: {  	s8 =	simm.s32 $0xC970;
	s7 =	simm.s32 $0x0;
	[tilespmem:v1+s31+$0x0] =	vst.idx.add.f32.msk $0xffff, v5  }
.LBB2_7:
0x25b: {  	v1 =	vld [tilespmem:s8+$0xFFFFFF90]  }
0x25c: {  	v2 =	vld [tilespmem:s8+$0xFFFFFE90]  }
0x25d: {  	s5 =	sadd.s32 $0x200, s5;
	v3 =	vld [tilespmem:s8+$0xFFFFFF10]  }
0x25e: {  	s6 =	sadd.s32 $0x200, s6;
	v4 =	vld [tilespmem:s5+$0xFFFFFF90]  }
0x25f: {  	v5 =	vld [tilespmem:s6+$0xFFFFFF90]  }
0x260: {  	v6 =	vld [tilespmem:s8+$0xFFFFFE10]  }
0x261: {  	v7 =	vld [tilespmem:s5+$0xFFFFFE10]  }
0x262: {  	v8 =	vld [tilespmem:s6+$0xFFFFFE10]  }
0x263: {  	s7 =	sadd.s32 $0x4, s7;
	[tilespmem:v1+s30+$0x0] =	vst.idx.add.f32.msk $0xffff, v4  }
0x264: {  	p0 =	slt.u32 s7, $0x48;
	[tilespmem:v1+s31+$0x0] =	vst.idx.add.f32.msk $0xffff, v5  }
0x265: {  	v1 =	vld [tilespmem:s8+$0xFFFFFFA0]  }
0x266: {  	v4 =	vld [tilespmem:s5+$0xFFFFFE90]  }
0x267: {  	v5 =	vld [tilespmem:s6+$0xFFFFFE90]  }
0x268: {  	v9 =	vld [tilespmem:s5+$0xFFFFFFA0]  }
0x269: {  	v10 =	vld [tilespmem:s6+$0xFFFFFFA0]  }
0x26a: {  	v11 =	vld [tilespmem:s5+$0xFFFFFF10]  }
0x26b: {  	v12 =	vld [tilespmem:s6+$0xFFFFFF10]  }
0x26c: {  	[tilespmem:v6+s30+$0x0] =	vst.idx.add.f32.msk $0xffff, v7  }
0x26d: {  	[tilespmem:v1+s30+$0x0] =	vst.idx.add.f32.msk $0xffff, v9  }
0x26e: {  	[tilespmem:v1+s31+$0x0] =	vst.idx.add.f32.msk $0xffff, v10  }
0x26f: {  	v1 =	vld [tilespmem:s8+$0xFFFFFFB0]  }
0x270: {  	[tilespmem:v6+s31+$0x0] =	vst.idx.add.f32.msk $0xffff, v8  }
0x271: {  	[tilespmem:v2+s30+$0x0] =	vst.idx.add.f32.msk $0xffff, v4  }
0x272: {  	v4 =	vld [tilespmem:s5+$0xFFFFFFB0]  }
0x273: {  	v6 =	vld [tilespmem:s6+$0xFFFFFFB0]  }
0x274: {  	[tilespmem:v2+s31+$0x0] =	vst.idx.add.f32.msk $0xffff, v5  }
0x275: {  	[tilespmem:v3+s30+$0x0] =	vst.idx.add.f32.msk $0xffff, v11  }
0x276: {  	[tilespmem:v3+s31+$0x0] =	vst.idx.add.f32.msk $0xffff, v12  }
0x277: {  	[tilespmem:v1+s30+$0x0] =	vst.idx.add.f32.msk $0xffff, v4  }
0x278: {  	[tilespmem:v1+s31+$0x0] =	vst.idx.add.f32.msk $0xffff, v6  }
0x279: {  	v1 =	vld [tilespmem:s8+$0xFFFFFFC0]  }
0x27a: {  	v2 =	vld [tilespmem:s8+$0xFFFFFE20]  }
0x27b: {  	v3 =	vld [tilespmem:s8+$0xFFFFFEA0]  }
0x27c: {  	v4 =	vld [tilespmem:s5+$0xFFFFFFC0]  }
0x27d: {  	v5 =	vld [tilespmem:s6+$0xFFFFFFC0]  }
0x27e: {  	v6 =	vld [tilespmem:s8+$0xFFFFFF20]  }
0x27f: {  	v7 =	vld [tilespmem:s5+$0xFFFFFE20]  }
0x280: {  	v8 =	vld [tilespmem:s6+$0xFFFFFE20]  }
0x281: {  	[tilespmem:v1+s30+$0x0] =	vst.idx.add.f32.msk $0xffff, v4  }
0x282: {  	[tilespmem:v1+s31+$0x0] =	vst.idx.add.f32.msk $0xffff, v5  }
0x283: {  	v1 =	vld [tilespmem:s8+$0xFFFFFFD0]  }
0x284: {  	v4 =	vld [tilespmem:s5+$0xFFFFFEA0]  }
0x285: {  	v5 =	vld [tilespmem:s6+$0xFFFFFEA0]  }
0x286: {  	v9 =	vld [tilespmem:s5+$0xFFFFFFD0]  }
0x287: {  	v10 =	vld [tilespmem:s6+$0xFFFFFFD0]  }
0x288: {  	v11 =	vld [tilespmem:s5+$0xFFFFFF20]  }
0x289: {  	v12 =	vld [tilespmem:s6+$0xFFFFFF20]  }
0x28a: {  	[tilespmem:v2+s30+$0x0] =	vst.idx.add.f32.msk $0xffff, v7  }
0x28b: {  	[tilespmem:v1+s30+$0x0] =	vst.idx.add.f32.msk $0xffff, v9  }
0x28c: {  	[tilespmem:v1+s31+$0x0] =	vst.idx.add.f32.msk $0xffff, v10  }
0x28d: {  	v1 =	vld [tilespmem:s8+$0xFFFFFFE0]  }
0x28e: {  	[tilespmem:v2+s31+$0x0] =	vst.idx.add.f32.msk $0xffff, v8  }
0x28f: {  	[tilespmem:v3+s30+$0x0] =	vst.idx.add.f32.msk $0xffff, v4  }
0x290: {  	v2 =	vld [tilespmem:s5+$0xFFFFFFE0]  }
0x291: {  	v4 =	vld [tilespmem:s6+$0xFFFFFFE0]  }
0x292: {  	[tilespmem:v3+s31+$0x0] =	vst.idx.add.f32.msk $0xffff, v5  }
0x293: {  	[tilespmem:v6+s30+$0x0] =	vst.idx.add.f32.msk $0xffff, v11  }
0x294: {  	[tilespmem:v6+s31+$0x0] =	vst.idx.add.f32.msk $0xffff, v12  }
0x295: {  	[tilespmem:v1+s30+$0x0] =	vst.idx.add.f32.msk $0xffff, v2  }
0x296: {  	[tilespmem:v1+s31+$0x0] =	vst.idx.add.f32.msk $0xffff, v4  }
0x297: {  	v1 =	vld [tilespmem:s8+$0xFFFFFFF0]  }
0x298: {  	v2 =	vld [tilespmem:s8+$0xFFFFFE30]  }
0x299: {  	v3 =	vld [tilespmem:s8+$0xFFFFFEB0]  }
0x29a: {  	v4 =	vld [tilespmem:s5+$0xFFFFFFF0]  }
0x29b: {  	v5 =	vld [tilespmem:s6+$0xFFFFFFF0]  }
0x29c: {  	v6 =	vld [tilespmem:s8+$0xFFFFFF30]  }
0x29d: {  	v7 =	vld [tilespmem:s5+$0xFFFFFE30]  }
0x29e: {  	v8 =	vld [tilespmem:s6+$0xFFFFFE30]  }
0x29f: {  	[tilespmem:v1+s30+$0x0] =	vst.idx.add.f32.msk $0xffff, v4  }
0x2a0: {  	[tilespmem:v1+s31+$0x0] =	vst.idx.add.f32.msk $0xffff, v5  }
0x2a1: {  	v1 =	vld [tilespmem:s8+$0x0]  }
0x2a2: {  	v4 =	vld [tilespmem:s5+$0xFFFFFEB0]  }
0x2a3: {  	v5 =	vld [tilespmem:s6+$0xFFFFFEB0]  }
0x2a4: {  	v9 =	vld [tilespmem:s5+$0x0]  }
0x2a5: {  	v10 =	vld [tilespmem:s6+$0x0]  }
0x2a6: {  	v11 =	vld [tilespmem:s5+$0xFFFFFF30]  }
0x2a7: {  	v12 =	vld [tilespmem:s6+$0xFFFFFF30]  }
0x2a8: {  	[tilespmem:v2+s30+$0x0] =	vst.idx.add.f32.msk $0xffff, v7  }
0x2a9: {  	[tilespmem:v1+s30+$0x0] =	vst.idx.add.f32.msk $0xffff, v9  }
0x2aa: {  	s9 =	simm.s32 $0x0;
	[tilespmem:v1+s31+$0x0] =	vst.idx.add.f32.msk $0xffff, v10  }
0x2ab: {  	[tilespmem:v2+s31+$0x0] =	vst.idx.add.f32.msk $0xffff, v8  }
0x2ac: {  	[tilespmem:v3+s30+$0x0] =	vst.idx.add.f32.msk $0xffff, v4  }
0x2ad: {  	[tilespmem:v3+s31+$0x0] =	vst.idx.add.f32.msk $0xffff, v5  }
0x2ae: {  	[tilespmem:v6+s30+$0x0] =	vst.idx.add.f32.msk $0xffff, v11  }
0x2af: {  	[tilespmem:v6+s31+$0x0] =	vst.idx.add.f32.msk $0xffff, v12  }
0x2b0: {  	v1 =	vld [tilespmem:s8+$0xFFFFFE40]  }
0x2b1: {  	v2 =	vld [tilespmem:s8+$0xFFFFFEC0]  }
0x2b2: {  	v3 =	vld [tilespmem:s8+$0xFFFFFF40]  }
0x2b3: {  	v4 =	vld [tilespmem:s5+$0xFFFFFE40]  }
0x2b4: {  	v5 =	vld [tilespmem:s6+$0xFFFFFE40]  }
0x2b5: {  	v6 =	vld [tilespmem:s5+$0xFFFFFEC0]  }
0x2b6: {  	v7 =	vld [tilespmem:s6+$0xFFFFFEC0]  }
0x2b7: {  	v8 =	vld [tilespmem:s5+$0xFFFFFF40]  }
0x2b8: {  	v9 =	vld [tilespmem:s6+$0xFFFFFF40]  }
0x2b9: {  	[tilespmem:v1+s30+$0x0] =	vst.idx.add.f32.msk $0xffff, v4  }
0x2ba: {  	[tilespmem:v1+s31+$0x0] =	vst.idx.add.f32.msk $0xffff, v5  }
0x2bb: {  	[tilespmem:v2+s30+$0x0] =	vst.idx.add.f32.msk $0xffff, v6  }
0x2bc: {  	[tilespmem:v2+s31+$0x0] =	vst.idx.add.f32.msk $0xffff, v7  }
0x2bd: {  	[tilespmem:v3+s30+$0x0] =	vst.idx.add.f32.msk $0xffff, v8  }
0x2be: {  	[tilespmem:v3+s31+$0x0] =	vst.idx.add.f32.msk $0xffff, v9  }
0x2bf: {  	v1 =	vld [tilespmem:s8+$0xFFFFFE50]  }
0x2c0: {  	v2 =	vld [tilespmem:s8+$0xFFFFFED0]  }
0x2c1: {  	v3 =	vld [tilespmem:s8+$0xFFFFFF50]  }
0x2c2: {  	v4 =	vld [tilespmem:s5+$0xFFFFFE50]  }
0x2c3: {  	v5 =	vld [tilespmem:s6+$0xFFFFFE50]  }
0x2c4: {  	v6 =	vld [tilespmem:s5+$0xFFFFFED0]  }
0x2c5: {  	v7 =	vld [tilespmem:s6+$0xFFFFFED0]  }
0x2c6: {  	v8 =	vld [tilespmem:s5+$0xFFFFFF50]  }
0x2c7: {  	v9 =	vld [tilespmem:s6+$0xFFFFFF50]  }
0x2c8: {  	[tilespmem:v1+s30+$0x0] =	vst.idx.add.f32.msk $0xffff, v4  }
0x2c9: {  	[tilespmem:v1+s31+$0x0] =	vst.idx.add.f32.msk $0xffff, v5  }
0x2ca: {  	[tilespmem:v2+s30+$0x0] =	vst.idx.add.f32.msk $0xffff, v6  }
0x2cb: {  	[tilespmem:v2+s31+$0x0] =	vst.idx.add.f32.msk $0xffff, v7  }
0x2cc: {  	[tilespmem:v3+s30+$0x0] =	vst.idx.add.f32.msk $0xffff, v8  }
0x2cd: {  	[tilespmem:v3+s31+$0x0] =	vst.idx.add.f32.msk $0xffff, v9  }
0x2ce: {  	v1 =	vld [tilespmem:s8+$0xFFFFFE60]  }
0x2cf: {  	v2 =	vld [tilespmem:s8+$0xFFFFFEE0]  }
0x2d0: {  	v3 =	vld [tilespmem:s8+$0xFFFFFF60]  }
0x2d1: {  	v4 =	vld [tilespmem:s5+$0xFFFFFE60]  }
0x2d2: {  	v5 =	vld [tilespmem:s6+$0xFFFFFE60]  }
0x2d3: {  	v6 =	vld [tilespmem:s5+$0xFFFFFEE0]  }
0x2d4: {  	v7 =	vld [tilespmem:s6+$0xFFFFFEE0]  }
0x2d5: {  	v8 =	vld [tilespmem:s5+$0xFFFFFF60]  }
0x2d6: {  	v9 =	vld [tilespmem:s6+$0xFFFFFF60]  }
0x2d7: {  	[tilespmem:v1+s30+$0x0] =	vst.idx.add.f32.msk $0xffff, v4  }
0x2d8: {  	[tilespmem:v1+s31+$0x0] =	vst.idx.add.f32.msk $0xffff, v5  }
0x2d9: {  	[tilespmem:v2+s30+$0x0] =	vst.idx.add.f32.msk $0xffff, v6  }
0x2da: {  	[tilespmem:v2+s31+$0x0] =	vst.idx.add.f32.msk $0xffff, v7  }
0x2db: {  	[tilespmem:v3+s30+$0x0] =	vst.idx.add.f32.msk $0xffff, v8  }
0x2dc: {  	[tilespmem:v3+s31+$0x0] =	vst.idx.add.f32.msk $0xffff, v9  }
0x2dd: {  	v1 =	vld [tilespmem:s8+$0xFFFFFE70]  }
0x2de: {  	v2 =	vld [tilespmem:s8+$0xFFFFFEF0]  }
0x2df: {  	v3 =	vld [tilespmem:s8+$0xFFFFFF70]  }
0x2e0: {  	v4 =	vld [tilespmem:s5+$0xFFFFFE70]  }
0x2e1: {  	v5 =	vld [tilespmem:s6+$0xFFFFFE70]  }
0x2e2: {  	v6 =	vld [tilespmem:s5+$0xFFFFFEF0]  }
0x2e3: {  	v7 =	vld [tilespmem:s6+$0xFFFFFEF0]  }
0x2e4: {  	v8 =	vld [tilespmem:s5+$0xFFFFFF70]  }
0x2e5: {  	v9 =	vld [tilespmem:s6+$0xFFFFFF70]  }
0x2e6: {  	[tilespmem:v1+s30+$0x0] =	vst.idx.add.f32.msk $0xffff, v4  }
0x2e7: {  	[tilespmem:v1+s31+$0x0] =	vst.idx.add.f32.msk $0xffff, v5  }
0x2e8: {  	[tilespmem:v2+s30+$0x0] =	vst.idx.add.f32.msk $0xffff, v6  }
0x2e9: {  	[tilespmem:v2+s31+$0x0] =	vst.idx.add.f32.msk $0xffff, v7  }
0x2ea: {  	[tilespmem:v3+s30+$0x0] =	vst.idx.add.f32.msk $0xffff, v8  }
0x2eb: {  	[tilespmem:v3+s31+$0x0] =	vst.idx.add.f32.msk $0xffff, v9  }
0x2ec: {  	v1 =	vld [tilespmem:s8+$0xFFFFFE80]  }
0x2ed: {  	v2 =	vld [tilespmem:s8+$0xFFFFFF00]  }
0x2ee: {  	v3 =	vld [tilespmem:s8+$0xFFFFFF80]  }
0x2ef: {  	v4 =	vld [tilespmem:s5+$0xFFFFFE80]  }
0x2f0: {  	v5 =	vld [tilespmem:s6+$0xFFFFFE80]  }
0x2f1: {  	v6 =	vld [tilespmem:s5+$0xFFFFFF00]  }
0x2f2: {  	v7 =	vld [tilespmem:s6+$0xFFFFFF00]  }
0x2f3: {  	v8 =	vld [tilespmem:s5+$0xFFFFFF80]  }
0x2f4: {  	v9 =	vld [tilespmem:s6+$0xFFFFFF80]  }
0x2f5: {  	[tilespmem:v1+s30+$0x0] =	vst.idx.add.f32.msk $0xffff, v4  }
.Ltmp3:
0x2f6: {  	[tilespmem:v1+s31+$0x0] =	vst.idx.add.f32.msk $0xffff, v5;
	(pc) =	sbr.rel @p0 .LBB2_7-.Ltmp3, $4  }
0x2f7: {  	[tilespmem:v2+s30+$0x0] =	vst.idx.add.f32.msk $0xffff, v6  }
0x2f8: {  	[tilespmem:v2+s31+$0x0] =	vst.idx.add.f32.msk $0xffff, v7  }
0x2f9: {  	[tilespmem:v3+s30+$0x0] =	vst.idx.add.f32.msk $0xffff, v8  }
0x2fa: {  	s8 =	sadd.s32 $0x200, s8;
	[tilespmem:v3+s31+$0x0] =	vst.idx.add.f32.msk $0xffff, v9  }
.LBB2_8:
0x2fb: {  	s5 =	sshra.s32 s9, $0x2  }
0x2fc: {  	v1 =	vld [tilespmem:s5+$0xEB80];
	_ =	sdelay $0x2  }
0x2fd: {  	v2 =	vld [tilespmem:s5+$0x4D80]  }
0x2fe: {  	v3 =	vld [tilespmem:s5+$0x9C80];
	_ =	sdelay $0x3  }
0x2ff: {  	[tilespmem:v1+s30+$0x0] =	vst.idx.add.f32.msk $0xffff, v2  }
0x300: {  	[tilespmem:v1+s31+$0x0] =	vst.idx.add.f32.msk $0xffff, v3  }
0x301: {  	v1 =	vld [tilespmem:s5+$0xEB90];
	_ =	sdelay $0x2  }
0x302: {  	v2 =	vld [tilespmem:s5+$0x4D90]  }
0x303: {  	v3 =	vld [tilespmem:s5+$0x9C90];
	_ =	sdelay $0x3  }
0x304: {  	[tilespmem:v1+s30+$0x0] =	vst.idx.add.f32.msk $0xffff, v2  }
0x305: {  	[tilespmem:v1+s31+$0x0] =	vst.idx.add.f32.msk $0xffff, v3  }
0x306: {  	v1 =	vld [tilespmem:s5+$0xEBA0];
	_ =	sdelay $0x2  }
0x307: {  	v2 =	vld [tilespmem:s5+$0x4DA0]  }
0x308: {  	v3 =	vld [tilespmem:s5+$0x9CA0];
	_ =	sdelay $0x3  }
0x309: {  	[tilespmem:v1+s30+$0x0] =	vst.idx.add.f32.msk $0xffff, v2  }
0x30a: {  	[tilespmem:v1+s31+$0x0] =	vst.idx.add.f32.msk $0xffff, v3  }
0x30b: {  	v1 =	vld [tilespmem:s5+$0xEBB0];
	_ =	sdelay $0x2  }
0x30c: {  	v2 =	vld [tilespmem:s5+$0x4DB0]  }
0x30d: {  	v3 =	vld [tilespmem:s5+$0x9CB0];
	_ =	sdelay $0x3  }
0x30e: {  	[tilespmem:v1+s30+$0x0] =	vst.idx.add.f32.msk $0xffff, v2  }
0x30f: {  	[tilespmem:v1+s31+$0x0] =	vst.idx.add.f32.msk $0xffff, v3  }
0x310: {  	v1 =	vld [tilespmem:s5+$0xEBC0];
	_ =	sdelay $0x2  }
0x311: {  	v2 =	vld [tilespmem:s5+$0x4DC0]  }
0x312: {  	v3 =	vld [tilespmem:s5+$0x9CC0];
	_ =	sdelay $0x3  }
0x313: {  	[tilespmem:v1+s30+$0x0] =	vst.idx.add.f32.msk $0xffff, v2  }
0x314: {  	[tilespmem:v1+s31+$0x0] =	vst.idx.add.f32.msk $0xffff, v3  }
0x315: {  	v1 =	vld [tilespmem:s5+$0xEBD0];
	_ =	sdelay $0x2  }
0x316: {  	v2 =	vld [tilespmem:s5+$0x4DD0]  }
0x317: {  	v3 =	vld [tilespmem:s5+$0x9CD0];
	_ =	sdelay $0x3  }
0x318: {  	[tilespmem:v1+s30+$0x0] =	vst.idx.add.f32.msk $0xffff, v2  }
0x319: {  	[tilespmem:v1+s31+$0x0] =	vst.idx.add.f32.msk $0xffff, v3  }
0x31a: {  	v1 =	vld [tilespmem:s5+$0xEBE0];
	_ =	sdelay $0x2  }
0x31b: {  	v2 =	vld [tilespmem:s5+$0x4DE0]  }
0x31c: {  	v3 =	vld [tilespmem:s5+$0x9CE0];
	_ =	sdelay $0x3  }
0x31d: {  	[tilespmem:v1+s30+$0x0] =	vst.idx.add.f32.msk $0xffff, v2  }
0x31e: {  	[tilespmem:v1+s31+$0x0] =	vst.idx.add.f32.msk $0xffff, v3  }
0x31f: {  	v1 =	vld [tilespmem:s5+$0xEBF0];
	_ =	sdelay $0x2  }
0x320: {  	v2 =	vld [tilespmem:s5+$0x4DF0]  }
0x321: {  	p0 =	sne.s32 s9, $0x400;
	v3 =	vld [tilespmem:s5+$0x9CF0]  }
.Ltmp4:
0x322: {  	_ = 	snop;
	(pc) =	sbr.rel @p0 .LBB2_8-.Ltmp4, $3  }
0x323: {  	_ =	sdelay $0x1  }
0x324: {  	[tilespmem:v1+s30+$0x0] =	vst.idx.add.f32.msk $0xffff, v2  }
0x325: {  	s9 =	sadd.s32 $0x200, s9;
	[tilespmem:v1+s31+$0x0] =	vst.idx.add.f32.msk $0xffff, v3  }
0x326: {  	[tilespmem:s25], [sflag:$0x2] =	stream.strided.gather [hbm4b:s13+s20], $0x2780, s21, s20, $0x38;
	[tilespmem:$0x13D00] =	vst v63  }
0x327: {  	_ = 	snop  }
0x328: {  	[tilespmem:s26], [sflag:$0x2] =	stream.strided.gather [hbm4b:s14+s20], $0x2780, s21, s20, $0x38;
	[tilespmem:$0x13D00] =	vst v63  }
0x329: {  	s5 =	simm.s32 $0x100  }
0x32a: {  	[tilespmem:s28], [sflag:$0x2] =	stream.strided.gather [hbm4b:s15+s20], $0x2780, s5, s20, $0x38;
	[tilespmem:$0x13D00] =	vst v63  }
0x32b: {  	_ =	swait.ge [sflag:s29], $0x2780  }
0x32c: {  	[sflag:s29] =	ssyncset.done $0x0  }
0x32d: {  	[sflag:s29] =	ssyncadd.s32 $0xFFFFD880  }
0x32e: {  	_ =	swait.ge [sflag:s29], $0x2780  }
0x32f: {  	[sflag:s29] =	ssyncset.done $0x0  }
0x330: {  	[sflag:s29] =	ssyncadd.s32 $0xFFFFD880  }
0x331: {  	_ =	swait.ge [sflag:s29], $0x2780  }
0x332: {  	[sflag:s29] =	ssyncset.done $0x0  }
0x333: {  	s7 =	simm.s32 $0x9F00;
	[sflag:s29] =	ssyncadd.s32 $0xFFFFD880  }
0x334: {  	v1 =	vld [tilespmem:s7+$0x80]  }
0x335: {  	v2 =	vld [tilespmem:s7+$0xFFFFFF80]  }
0x336: {  	v3 =	vld [tilespmem:s7+$0x0]  }
0x337: {  	s6 =	simm.s32 $0x5000;
	v4 =	vld [tilespmem:s5+$0x80]  }
0x338: {  	v5 =	vld [tilespmem:s6+$0x80]  }
0x339: {  	v6 =	vld [tilespmem:s7+$0xFFFFFF00]  }
0x33a: {  	v7 =	vld [tilespmem:s5+$0xFFFFFF00]  }
0x33b: {  	v8 =	vld [tilespmem:s6+$0xFFFFFF00]  }
0x33c: {  	v46 =	vld [tilespmem:s5+$0xFFFFFF80]  }
0x33d: {  	v47 =	vld [tilespmem:s6+$0xFFFFFF80]  }
0x33e: {  	v11 =	vld [tilespmem:s5+$0x0]  }
0x33f: {  	v12 =	vld [tilespmem:s6+$0x0]  }
0x340: {  	[tilespmem:v1+s30+$0x0] =	vst.idx.add.f32.msk $0xffff, v4  }
0x341: {  	[tilespmem:v6+s30+$0x0] =	vst.idx.add.f32.msk $0xffff, v7  }
0x342: {  	[tilespmem:v2+s30+$0x0] =	vst.idx.add.f32.msk $0xffff, v46  }
0x343: {  	[tilespmem:v3+s30+$0x0] =	vst.idx.add.f32.msk $0xffff, v11  }
0x344: {  	[tilespmem:v1+s31+$0x0] =	vst.idx.add.f32.msk $0xffff, v5  }
0x345: {  	[tilespmem:v6+s31+$0x0] =	vst.idx.add.f32.msk $0xffff, v8  }
0x346: {  	[tilespmem:v2+s31+$0x0] =	vst.idx.add.f32.msk $0xffff, v47  }
0x347: {  	[tilespmem:v3+s31+$0x0] =	vst.idx.add.f32.msk $0xffff, v12  }
0x348: {  	v1 =	vld [tilespmem:s7+$0x90]  }
0x349: {  	v9 =	vld [tilespmem:s5+$0x90]  }
0x34a: {  	v10 =	vld [tilespmem:s6+$0x90]  }
0x34b: {  	v2 =	vld [tilespmem:s7+$0xFFFFFF10]  }
0x34c: {  	v3 =	vld [tilespmem:s7+$0xFFFFFF90]  }
0x34d: {  	v51 =	vld [tilespmem:s7+$0x10]  }
0x34e: {  	v7 =	vld [tilespmem:s5+$0xFFFFFF10]  }
0x34f: {  	v8 =	vld [tilespmem:s6+$0xFFFFFF10]  }
0x350: {  	v52 =	vld [tilespmem:s5+$0xFFFFFF90]  }
0x351: {  	v53 =	vld [tilespmem:s6+$0xFFFFFF90]  }
0x352: {  	v11 =	vld [tilespmem:s5+$0x10]  }
0x353: {  	v12 =	vld [tilespmem:s6+$0x10]  }
0x354: {  	[tilespmem:v1+s30+$0x0] =	vst.idx.add.f32.msk $0xffff, v9  }
0x355: {  	[tilespmem:v2+s30+$0x0] =	vst.idx.add.f32.msk $0xffff, v7  }
0x356: {  	[tilespmem:v3+s30+$0x0] =	vst.idx.add.f32.msk $0xffff, v52  }
0x357: {  	[tilespmem:v51+s30+$0x0] =	vst.idx.add.f32.msk $0xffff, v11  }
0x358: {  	[tilespmem:v1+s31+$0x0] =	vst.idx.add.f32.msk $0xffff, v10  }
0x359: {  	v1 =	vld [tilespmem:s7+$0xA0]  }
0x35a: {  	[tilespmem:v2+s31+$0x0] =	vst.idx.add.f32.msk $0xffff, v8  }
0x35b: {  	[tilespmem:v3+s31+$0x0] =	vst.idx.add.f32.msk $0xffff, v53  }
0x35c: {  	v48 =	vld [tilespmem:s5+$0xA0]  }
0x35d: {  	v49 =	vld [tilespmem:s6+$0xA0]  }
0x35e: {  	[tilespmem:v51+s31+$0x0] =	vst.idx.add.f32.msk $0xffff, v12  }
0x35f: {  	v3 =	vld [tilespmem:s7+$0xFFFFFFA0]  }
0x360: {  	v6 =	vld [tilespmem:s7+$0x20]  }
0x361: {  	[tilespmem:v1+s30+$0x0] =	vst.idx.add.f32.msk $0xffff, v48  }
0x362: {  	[tilespmem:v1+s31+$0x0] =	vst.idx.add.f32.msk $0xffff, v49  }
0x363: {  	v1 =	vld [tilespmem:s7+$0xB0]  }
0x364: {  	v7 =	vld [tilespmem:s5+$0xFFFFFF20]  }
0x365: {  	v8 =	vld [tilespmem:s6+$0xFFFFFF20]  }
0x366: {  	v4 =	vld [tilespmem:s5+$0xB0]  }
0x367: {  	v50 =	vld [tilespmem:s6+$0xB0]  }
0x368: {  	v56 =	vld [tilespmem:s5+$0xFFFFFFA0]  }
0x369: {  	v57 =	vld [tilespmem:s6+$0xFFFFFFA0]  }
0x36a: {  	v11 =	vld [tilespmem:s5+$0x20]  }
0x36b: {  	[tilespmem:v1+s30+$0x0] =	vst.idx.add.f32.msk $0xffff, v4  }
0x36c: {  	[tilespmem:v1+s31+$0x0] =	vst.idx.add.f32.msk $0xffff, v50  }
0x36d: {  	v1 =	vld [tilespmem:s7+$0xC0]  }
0x36e: {  	v12 =	vld [tilespmem:s6+$0x20]  }
0x36f: {  	[tilespmem:v3+s30+$0x0] =	vst.idx.add.f32.msk $0xffff, v56  }
0x370: {  	v9 =	vld [tilespmem:s5+$0xC0]  }
0x371: {  	v10 =	vld [tilespmem:s6+$0xC0]  }
0x372: {  	[tilespmem:v6+s30+$0x0] =	vst.idx.add.f32.msk $0xffff, v11  }
0x373: {  	[tilespmem:v3+s31+$0x0] =	vst.idx.add.f32.msk $0xffff, v57  }
0x374: {  	[tilespmem:v6+s31+$0x0] =	vst.idx.add.f32.msk $0xffff, v12  }
0x375: {  	[tilespmem:v1+s30+$0x0] =	vst.idx.add.f32.msk $0xffff, v9  }
0x376: {  	[tilespmem:v1+s31+$0x0] =	vst.idx.add.f32.msk $0xffff, v10  }
0x377: {  	v1 =	vld [tilespmem:s7+$0xD0]  }
0x378: {  	v3 =	vld [tilespmem:s7+$0x30]  }
0x379: {  	v60 =	vld [tilespmem:s5+$0xFFFFFFB0]  }
0x37a: {  	v2 =	vld [tilespmem:s5+$0xD0]  }
0x37b: {  	v61 =	vld [tilespmem:s6+$0xFFFFFFB0]  }
0x37c: {  	v62 =	vld [tilespmem:s5+$0x30]  }
0x37d: {  	v63 =	vld [tilespmem:s6+$0x30]  }
0x37e: {  	v54 =	vld [tilespmem:s6+$0xD0]  }
0x37f: {  	[tilespmem:v1+s30+$0x0] =	vst.idx.add.f32.msk $0xffff, v2  }
0x380: {  	v2 =	vld [tilespmem:s7+$0xFFFFFF20]  }
0x381: {  	[tilespmem:v3+s30+$0x0] =	vst.idx.add.f32.msk $0xffff, v62  }
0x382: {  	[tilespmem:v3+s31+$0x0] =	vst.idx.add.f32.msk $0xffff, v63  }
0x383: {  	[tilespmem:v1+s31+$0x0] =	vst.idx.add.f32.msk $0xffff, v54  }
0x384: {  	v1 =	vld [tilespmem:s7+$0xE0]  }
0x385: {  	v3 =	vld [tilespmem:s7+$0x40]  }
0x386: {  	v4 =	vld [tilespmem:s5+$0xE0]  }
0x387: {  	v55 =	vld [tilespmem:s6+$0xE0]  }
0x388: {  	[tilespmem:v2+s30+$0x0] =	vst.idx.add.f32.msk $0xffff, v7  }
0x389: {  	[tilespmem:v2+s31+$0x0] =	vst.idx.add.f32.msk $0xffff, v8  }
0x38a: {  	v2 =	vld [tilespmem:s7+$0xFFFFFFB0]  }
0x38b: {  	v8 =	vld [tilespmem:s5+$0x40]  }
0x38c: {  	[tilespmem:v1+s30+$0x0] =	vst.idx.add.f32.msk $0xffff, v4  }
0x38d: {  	v58 =	vld [tilespmem:s5+$0xFFFFFF30]  }
0x38e: {  	[tilespmem:v1+s31+$0x0] =	vst.idx.add.f32.msk $0xffff, v55  }
0x38f: {  	v1 =	vld [tilespmem:s7+$0xF0]  }
0x390: {  	v59 =	vld [tilespmem:s6+$0xFFFFFF30]  }
0x391: {  	v9 =	vld [tilespmem:s5+$0xF0]  }
0x392: {  	v10 =	vld [tilespmem:s6+$0xF0]  }
0x393: {  	[tilespmem:v2+s30+$0x0] =	vst.idx.add.f32.msk $0xffff, v60  }
0x394: {  	[tilespmem:v2+s31+$0x0] =	vst.idx.add.f32.msk $0xffff, v61  }
0x395: {  	v2 =	vld [tilespmem:s7+$0xFFFFFFC0]  }
0x396: {  	v6 =	vld [tilespmem:s5+$0xFFFFFFC0]  }
0x397: {  	[tilespmem:v1+s30+$0x0] =	vst.idx.add.f32.msk $0xffff, v9  }
0x398: {  	v9 =	vld [tilespmem:s6+$0x40]  }
0x399: {  	v7 =	vld [tilespmem:s6+$0xFFFFFFC0]  }
0x39a: {  	[tilespmem:v1+s31+$0x0] =	vst.idx.add.f32.msk $0xffff, v10  }
0x39b: {  	v1 =	vld [tilespmem:s7+$0xFFFFFF30]  }
0x39c: {  	[tilespmem:v3+s30+$0x0] =	vst.idx.add.f32.msk $0xffff, v8  }
0x39d: {  	[tilespmem:v3+s31+$0x0] =	vst.idx.add.f32.msk $0xffff, v9  }
0x39e: {  	v3 =	vld [tilespmem:s7+$0x50]  }
0x39f: {  	v8 =	vld [tilespmem:s5+$0x50]  }
0x3a0: {  	v9 =	vld [tilespmem:s6+$0x50]  }
0x3a1: {  	[tilespmem:v2+s30+$0x0] =	vst.idx.add.f32.msk $0xffff, v6  }
0x3a2: {  	[tilespmem:v2+s31+$0x0] =	vst.idx.add.f32.msk $0xffff, v7  }
0x3a3: {  	[tilespmem:v1+s30+$0x0] =	vst.idx.add.f32.msk $0xffff, v58  }
0x3a4: {  	v2 =	vld [tilespmem:s7+$0xFFFFFFD0]  }
0x3a5: {  	v6 =	vld [tilespmem:s5+$0xFFFFFFD0]  }
0x3a6: {  	v7 =	vld [tilespmem:s6+$0xFFFFFFD0]  }
0x3a7: {  	[tilespmem:v1+s31+$0x0] =	vst.idx.add.f32.msk $0xffff, v59  }
0x3a8: {  	v1 =	vld [tilespmem:s7+$0xFFFFFF40]  }
0x3a9: {  	v4 =	vld [tilespmem:s5+$0xFFFFFF40]  }
0x3aa: {  	v5 =	vld [tilespmem:s6+$0xFFFFFF40]  }
0x3ab: {  	[tilespmem:v3+s30+$0x0] =	vst.idx.add.f32.msk $0xffff, v8  }
0x3ac: {  	[tilespmem:v3+s31+$0x0] =	vst.idx.add.f32.msk $0xffff, v9  }
0x3ad: {  	v3 =	vld [tilespmem:s7+$0x60]  }
0x3ae: {  	v8 =	vld [tilespmem:s5+$0x60]  }
0x3af: {  	v9 =	vld [tilespmem:s6+$0x60]  }
0x3b0: {  	[tilespmem:v2+s30+$0x0] =	vst.idx.add.f32.msk $0xffff, v6  }
0x3b1: {  	[tilespmem:v2+s31+$0x0] =	vst.idx.add.f32.msk $0xffff, v7  }
0x3b2: {  	[tilespmem:v1+s30+$0x0] =	vst.idx.add.f32.msk $0xffff, v4  }
0x3b3: {  	v2 =	vld [tilespmem:s7+$0xFFFFFFE0]  }
0x3b4: {  	v6 =	vld [tilespmem:s5+$0xFFFFFFE0]  }
0x3b5: {  	[tilespmem:v1+s31+$0x0] =	vst.idx.add.f32.msk $0xffff, v5  }
0x3b6: {  	v1 =	vld [tilespmem:s7+$0xFFFFFF50]  }
0x3b7: {  	v7 =	vld [tilespmem:s6+$0xFFFFFFE0]  }
0x3b8: {  	v4 =	vld [tilespmem:s5+$0xFFFFFF50]  }
0x3b9: {  	v5 =	vld [tilespmem:s6+$0xFFFFFF50]  }
0x3ba: {  	[tilespmem:v3+s30+$0x0] =	vst.idx.add.f32.msk $0xffff, v8  }
0x3bb: {  	[tilespmem:v3+s31+$0x0] =	vst.idx.add.f32.msk $0xffff, v9  }
0x3bc: {  	v3 =	vld [tilespmem:s7+$0x70]  }
0x3bd: {  	v8 =	vld [tilespmem:s5+$0x70]  }
0x3be: {  	[tilespmem:v1+s30+$0x0] =	vst.idx.add.f32.msk $0xffff, v4  }
0x3bf: {  	[tilespmem:v1+s31+$0x0] =	vst.idx.add.f32.msk $0xffff, v5  }
0x3c0: {  	v1 =	vld [tilespmem:s7+$0xFFFFFF60]  }
0x3c1: {  	v9 =	vld [tilespmem:s6+$0x70]  }
0x3c2: {  	[tilespmem:v2+s30+$0x0] =	vst.idx.add.f32.msk $0xffff, v6  }
0x3c3: {  	v4 =	vld [tilespmem:s5+$0xFFFFFF60]  }
0x3c4: {  	v5 =	vld [tilespmem:s6+$0xFFFFFF60]  }
0x3c5: {  	[tilespmem:v2+s31+$0x0] =	vst.idx.add.f32.msk $0xffff, v7  }
0x3c6: {  	v2 =	vld [tilespmem:s7+$0xFFFFFFF0]  }
0x3c7: {  	v6 =	vld [tilespmem:s5+$0xFFFFFFF0]  }
0x3c8: {  	[tilespmem:v1+s30+$0x0] =	vst.idx.add.f32.msk $0xffff, v4  }
0x3c9: {  	[tilespmem:v1+s31+$0x0] =	vst.idx.add.f32.msk $0xffff, v5  }
0x3ca: {  	v1 =	vld [tilespmem:s7+$0xFFFFFF70]  }
0x3cb: {  	v7 =	vld [tilespmem:s6+$0xFFFFFFF0]  }
0x3cc: {  	[tilespmem:v3+s30+$0x0] =	vst.idx.add.f32.msk $0xffff, v8  }
0x3cd: {  	v4 =	vld [tilespmem:s5+$0xFFFFFF70]  }
0x3ce: {  	v5 =	vld [tilespmem:s6+$0xFFFFFF70]  }
0x3cf: {  	[tilespmem:v3+s31+$0x0] =	vst.idx.add.f32.msk $0xffff, v9  }
0x3d0: {  	[tilespmem:v2+s30+$0x0] =	vst.idx.add.f32.msk $0xffff, v6  }
0x3d1: {  	[tilespmem:v2+s31+$0x0] =	vst.idx.add.f32.msk $0xffff, v7  }
0x3d2: {  	[tilespmem:v1+s30+$0x0] =	vst.idx.add.f32.msk $0xffff, v4  }
0x3d3: {  	s8 =	simm.s32 $0xA100;
	s7 =	simm.s32 $0x0;
	[tilespmem:v1+s31+$0x0] =	vst.idx.add.f32.msk $0xffff, v5  }
.LBB2_10:
0x3d4: {  	v1 =	vld [tilespmem:s8+$0x80]  }
0x3d5: {  	v2 =	vld [tilespmem:s8+$0xFFFFFF80]  }
0x3d6: {  	s5 =	sadd.s32 $0x200, s5;
	v3 =	vld [tilespmem:s8+$0x0]  }
0x3d7: {  	s6 =	sadd.s32 $0x200, s6;
	v4 =	vld [tilespmem:s5+$0x80]  }
0x3d8: {  	v5 =	vld [tilespmem:s6+$0x80]  }
0x3d9: {  	v6 =	vld [tilespmem:s8+$0xFFFFFF00]  }
0x3da: {  	v7 =	vld [tilespmem:s5+$0xFFFFFF00]  }
0x3db: {  	v8 =	vld [tilespmem:s6+$0xFFFFFF00]  }
0x3dc: {  	s7 =	sadd.s32 $0x4, s7;
	[tilespmem:v1+s30+$0x0] =	vst.idx.add.f32.msk $0xffff, v4  }
0x3dd: {  	p0 =	slt.u32 s7, $0x48;
	[tilespmem:v1+s31+$0x0] =	vst.idx.add.f32.msk $0xffff, v5  }
0x3de: {  	v1 =	vld [tilespmem:s8+$0x90]  }
0x3df: {  	v4 =	vld [tilespmem:s5+$0xFFFFFF80]  }
0x3e0: {  	v5 =	vld [tilespmem:s6+$0xFFFFFF80]  }
0x3e1: {  	v9 =	vld [tilespmem:s5+$0x90]  }
0x3e2: {  	v10 =	vld [tilespmem:s6+$0x90]  }
0x3e3: {  	v11 =	vld [tilespmem:s5+$0x0]  }
0x3e4: {  	v12 =	vld [tilespmem:s6+$0x0]  }
0x3e5: {  	[tilespmem:v6+s30+$0x0] =	vst.idx.add.f32.msk $0xffff, v7  }
0x3e6: {  	[tilespmem:v1+s30+$0x0] =	vst.idx.add.f32.msk $0xffff, v9  }
0x3e7: {  	[tilespmem:v1+s31+$0x0] =	vst.idx.add.f32.msk $0xffff, v10  }
0x3e8: {  	v1 =	vld [tilespmem:s8+$0xA0]  }
0x3e9: {  	[tilespmem:v6+s31+$0x0] =	vst.idx.add.f32.msk $0xffff, v8  }
0x3ea: {  	[tilespmem:v2+s30+$0x0] =	vst.idx.add.f32.msk $0xffff, v4  }
0x3eb: {  	v4 =	vld [tilespmem:s5+$0xA0]  }
0x3ec: {  	v6 =	vld [tilespmem:s6+$0xA0]  }
0x3ed: {  	[tilespmem:v2+s31+$0x0] =	vst.idx.add.f32.msk $0xffff, v5  }
0x3ee: {  	[tilespmem:v3+s30+$0x0] =	vst.idx.add.f32.msk $0xffff, v11  }
0x3ef: {  	[tilespmem:v3+s31+$0x0] =	vst.idx.add.f32.msk $0xffff, v12  }
0x3f0: {  	[tilespmem:v1+s30+$0x0] =	vst.idx.add.f32.msk $0xffff, v4  }
0x3f1: {  	[tilespmem:v1+s31+$0x0] =	vst.idx.add.f32.msk $0xffff, v6  }
0x3f2: {  	v1 =	vld [tilespmem:s8+$0xB0]  }
0x3f3: {  	v2 =	vld [tilespmem:s8+$0xFFFFFF10]  }
0x3f4: {  	v3 =	vld [tilespmem:s8+$0xFFFFFF90]  }
0x3f5: {  	v4 =	vld [tilespmem:s5+$0xB0]  }
0x3f6: {  	v5 =	vld [tilespmem:s6+$0xB0]  }
0x3f7: {  	v6 =	vld [tilespmem:s8+$0x10]  }
0x3f8: {  	v7 =	vld [tilespmem:s5+$0xFFFFFF10]  }
0x3f9: {  	v8 =	vld [tilespmem:s6+$0xFFFFFF10]  }
0x3fa: {  	[tilespmem:v1+s30+$0x0] =	vst.idx.add.f32.msk $0xffff, v4  }
0x3fb: {  	[tilespmem:v1+s31+$0x0] =	vst.idx.add.f32.msk $0xffff, v5  }
0x3fc: {  	v1 =	vld [tilespmem:s8+$0xC0]  }
0x3fd: {  	v4 =	vld [tilespmem:s5+$0xFFFFFF90]  }
0x3fe: {  	v5 =	vld [tilespmem:s6+$0xFFFFFF90]  }
0x3ff: {  	v9 =	vld [tilespmem:s5+$0xC0]  }
0x400: {  	v10 =	vld [tilespmem:s6+$0xC0]  }
0x401: {  	v11 =	vld [tilespmem:s5+$0x10]  }
0x402: {  	v12 =	vld [tilespmem:s6+$0x10]  }
0x403: {  	[tilespmem:v2+s30+$0x0] =	vst.idx.add.f32.msk $0xffff, v7  }
0x404: {  	[tilespmem:v1+s30+$0x0] =	vst.idx.add.f32.msk $0xffff, v9  }
0x405: {  	[tilespmem:v1+s31+$0x0] =	vst.idx.add.f32.msk $0xffff, v10  }
0x406: {  	v1 =	vld [tilespmem:s8+$0xD0]  }
0x407: {  	[tilespmem:v2+s31+$0x0] =	vst.idx.add.f32.msk $0xffff, v8  }
0x408: {  	[tilespmem:v3+s30+$0x0] =	vst.idx.add.f32.msk $0xffff, v4  }
0x409: {  	v2 =	vld [tilespmem:s5+$0xD0]  }
0x40a: {  	v4 =	vld [tilespmem:s6+$0xD0]  }
0x40b: {  	[tilespmem:v3+s31+$0x0] =	vst.idx.add.f32.msk $0xffff, v5  }
0x40c: {  	[tilespmem:v6+s30+$0x0] =	vst.idx.add.f32.msk $0xffff, v11  }
0x40d: {  	[tilespmem:v6+s31+$0x0] =	vst.idx.add.f32.msk $0xffff, v12  }
0x40e: {  	[tilespmem:v1+s30+$0x0] =	vst.idx.add.f32.msk $0xffff, v2  }
0x40f: {  	[tilespmem:v1+s31+$0x0] =	vst.idx.add.f32.msk $0xffff, v4  }
0x410: {  	v1 =	vld [tilespmem:s8+$0xE0]  }
0x411: {  	v2 =	vld [tilespmem:s8+$0xFFFFFF20]  }
0x412: {  	v3 =	vld [tilespmem:s8+$0xFFFFFFA0]  }
0x413: {  	v4 =	vld [tilespmem:s5+$0xE0]  }
0x414: {  	v5 =	vld [tilespmem:s6+$0xE0]  }
0x415: {  	v6 =	vld [tilespmem:s8+$0x20]  }
0x416: {  	v7 =	vld [tilespmem:s5+$0xFFFFFF20]  }
0x417: {  	v8 =	vld [tilespmem:s6+$0xFFFFFF20]  }
0x418: {  	[tilespmem:v1+s30+$0x0] =	vst.idx.add.f32.msk $0xffff, v4  }
0x419: {  	[tilespmem:v1+s31+$0x0] =	vst.idx.add.f32.msk $0xffff, v5  }
0x41a: {  	v1 =	vld [tilespmem:s8+$0xF0]  }
0x41b: {  	v4 =	vld [tilespmem:s5+$0xFFFFFFA0]  }
0x41c: {  	v5 =	vld [tilespmem:s6+$0xFFFFFFA0]  }
0x41d: {  	v9 =	vld [tilespmem:s5+$0xF0]  }
0x41e: {  	v10 =	vld [tilespmem:s6+$0xF0]  }
0x41f: {  	v11 =	vld [tilespmem:s5+$0x20]  }
0x420: {  	v12 =	vld [tilespmem:s6+$0x20]  }
0x421: {  	[tilespmem:v2+s30+$0x0] =	vst.idx.add.f32.msk $0xffff, v7  }
0x422: {  	[tilespmem:v1+s30+$0x0] =	vst.idx.add.f32.msk $0xffff, v9  }
0x423: {  	s9 =	simm.s32 $0x0;
	[tilespmem:v1+s31+$0x0] =	vst.idx.add.f32.msk $0xffff, v10  }
0x424: {  	[tilespmem:v2+s31+$0x0] =	vst.idx.add.f32.msk $0xffff, v8  }
0x425: {  	[tilespmem:v3+s30+$0x0] =	vst.idx.add.f32.msk $0xffff, v4  }
0x426: {  	[tilespmem:v3+s31+$0x0] =	vst.idx.add.f32.msk $0xffff, v5  }
0x427: {  	[tilespmem:v6+s30+$0x0] =	vst.idx.add.f32.msk $0xffff, v11  }
0x428: {  	[tilespmem:v6+s31+$0x0] =	vst.idx.add.f32.msk $0xffff, v12  }
0x429: {  	v1 =	vld [tilespmem:s8+$0xFFFFFF30]  }
0x42a: {  	v2 =	vld [tilespmem:s8+$0xFFFFFFB0]  }
0x42b: {  	v3 =	vld [tilespmem:s8+$0x30]  }
0x42c: {  	v4 =	vld [tilespmem:s5+$0xFFFFFF30]  }
0x42d: {  	v5 =	vld [tilespmem:s6+$0xFFFFFF30]  }
0x42e: {  	v6 =	vld [tilespmem:s5+$0xFFFFFFB0]  }
0x42f: {  	v7 =	vld [tilespmem:s6+$0xFFFFFFB0]  }
0x430: {  	v8 =	vld [tilespmem:s5+$0x30]  }
0x431: {  	v9 =	vld [tilespmem:s6+$0x30]  }
0x432: {  	[tilespmem:v1+s30+$0x0] =	vst.idx.add.f32.msk $0xffff, v4  }
0x433: {  	[tilespmem:v1+s31+$0x0] =	vst.idx.add.f32.msk $0xffff, v5  }
0x434: {  	[tilespmem:v2+s30+$0x0] =	vst.idx.add.f32.msk $0xffff, v6  }
0x435: {  	[tilespmem:v2+s31+$0x0] =	vst.idx.add.f32.msk $0xffff, v7  }
0x436: {  	[tilespmem:v3+s30+$0x0] =	vst.idx.add.f32.msk $0xffff, v8  }
0x437: {  	[tilespmem:v3+s31+$0x0] =	vst.idx.add.f32.msk $0xffff, v9  }
0x438: {  	v1 =	vld [tilespmem:s8+$0xFFFFFF40]  }
0x439: {  	v2 =	vld [tilespmem:s8+$0xFFFFFFC0]  }
0x43a: {  	v3 =	vld [tilespmem:s8+$0x40]  }
0x43b: {  	v4 =	vld [tilespmem:s5+$0xFFFFFF40]  }
0x43c: {  	v5 =	vld [tilespmem:s6+$0xFFFFFF40]  }
0x43d: {  	v6 =	vld [tilespmem:s5+$0xFFFFFFC0]  }
0x43e: {  	v7 =	vld [tilespmem:s6+$0xFFFFFFC0]  }
0x43f: {  	v8 =	vld [tilespmem:s5+$0x40]  }
0x440: {  	v9 =	vld [tilespmem:s6+$0x40]  }
0x441: {  	[tilespmem:v1+s30+$0x0] =	vst.idx.add.f32.msk $0xffff, v4  }
0x442: {  	[tilespmem:v1+s31+$0x0] =	vst.idx.add.f32.msk $0xffff, v5  }
0x443: {  	[tilespmem:v2+s30+$0x0] =	vst.idx.add.f32.msk $0xffff, v6  }
0x444: {  	[tilespmem:v2+s31+$0x0] =	vst.idx.add.f32.msk $0xffff, v7  }
0x445: {  	[tilespmem:v3+s30+$0x0] =	vst.idx.add.f32.msk $0xffff, v8  }
0x446: {  	[tilespmem:v3+s31+$0x0] =	vst.idx.add.f32.msk $0xffff, v9  }
0x447: {  	v1 =	vld [tilespmem:s8+$0xFFFFFF50]  }
0x448: {  	v2 =	vld [tilespmem:s8+$0xFFFFFFD0]  }
0x449: {  	v3 =	vld [tilespmem:s8+$0x50]  }
0x44a: {  	v4 =	vld [tilespmem:s5+$0xFFFFFF50]  }
0x44b: {  	v5 =	vld [tilespmem:s6+$0xFFFFFF50]  }
0x44c: {  	v6 =	vld [tilespmem:s5+$0xFFFFFFD0]  }
0x44d: {  	v7 =	vld [tilespmem:s6+$0xFFFFFFD0]  }
0x44e: {  	v8 =	vld [tilespmem:s5+$0x50]  }
0x44f: {  	v9 =	vld [tilespmem:s6+$0x50]  }
0x450: {  	[tilespmem:v1+s30+$0x0] =	vst.idx.add.f32.msk $0xffff, v4  }
0x451: {  	[tilespmem:v1+s31+$0x0] =	vst.idx.add.f32.msk $0xffff, v5  }
0x452: {  	[tilespmem:v2+s30+$0x0] =	vst.idx.add.f32.msk $0xffff, v6  }
0x453: {  	[tilespmem:v2+s31+$0x0] =	vst.idx.add.f32.msk $0xffff, v7  }
0x454: {  	[tilespmem:v3+s30+$0x0] =	vst.idx.add.f32.msk $0xffff, v8  }
0x455: {  	[tilespmem:v3+s31+$0x0] =	vst.idx.add.f32.msk $0xffff, v9  }
0x456: {  	v1 =	vld [tilespmem:s8+$0xFFFFFF60]  }
0x457: {  	v2 =	vld [tilespmem:s8+$0xFFFFFFE0]  }
0x458: {  	v3 =	vld [tilespmem:s8+$0x60]  }
0x459: {  	v4 =	vld [tilespmem:s5+$0xFFFFFF60]  }
0x45a: {  	v5 =	vld [tilespmem:s6+$0xFFFFFF60]  }
0x45b: {  	v6 =	vld [tilespmem:s5+$0xFFFFFFE0]  }
0x45c: {  	v7 =	vld [tilespmem:s6+$0xFFFFFFE0]  }
0x45d: {  	v8 =	vld [tilespmem:s5+$0x60]  }
0x45e: {  	v9 =	vld [tilespmem:s6+$0x60]  }
0x45f: {  	[tilespmem:v1+s30+$0x0] =	vst.idx.add.f32.msk $0xffff, v4  }
0x460: {  	[tilespmem:v1+s31+$0x0] =	vst.idx.add.f32.msk $0xffff, v5  }
0x461: {  	[tilespmem:v2+s30+$0x0] =	vst.idx.add.f32.msk $0xffff, v6  }
0x462: {  	[tilespmem:v2+s31+$0x0] =	vst.idx.add.f32.msk $0xffff, v7  }
0x463: {  	[tilespmem:v3+s30+$0x0] =	vst.idx.add.f32.msk $0xffff, v8  }
0x464: {  	[tilespmem:v3+s31+$0x0] =	vst.idx.add.f32.msk $0xffff, v9  }
0x465: {  	v1 =	vld [tilespmem:s8+$0xFFFFFF70]  }
0x466: {  	v2 =	vld [tilespmem:s8+$0xFFFFFFF0]  }
0x467: {  	v3 =	vld [tilespmem:s8+$0x70]  }
0x468: {  	v4 =	vld [tilespmem:s5+$0xFFFFFF70]  }
0x469: {  	v5 =	vld [tilespmem:s6+$0xFFFFFF70]  }
0x46a: {  	v6 =	vld [tilespmem:s5+$0xFFFFFFF0]  }
0x46b: {  	v7 =	vld [tilespmem:s6+$0xFFFFFFF0]  }
0x46c: {  	v8 =	vld [tilespmem:s5+$0x70]  }
0x46d: {  	v9 =	vld [tilespmem:s6+$0x70]  }
0x46e: {  	[tilespmem:v1+s30+$0x0] =	vst.idx.add.f32.msk $0xffff, v4  }
.Ltmp5:
0x46f: {  	[tilespmem:v1+s31+$0x0] =	vst.idx.add.f32.msk $0xffff, v5;
	(pc) =	sbr.rel @p0 .LBB2_10-.Ltmp5, $4  }
0x470: {  	[tilespmem:v2+s30+$0x0] =	vst.idx.add.f32.msk $0xffff, v6  }
0x471: {  	[tilespmem:v2+s31+$0x0] =	vst.idx.add.f32.msk $0xffff, v7  }
0x472: {  	[tilespmem:v3+s30+$0x0] =	vst.idx.add.f32.msk $0xffff, v8  }
0x473: {  	s8 =	sadd.s32 $0x200, s8;
	[tilespmem:v3+s31+$0x0] =	vst.idx.add.f32.msk $0xffff, v9  }
.LBB2_11:
0x474: {  	s5 =	sshra.s32 s9, $0x2  }
0x475: {  	v1 =	vld [tilespmem:s5+$0xC400];
	_ =	sdelay $0x2  }
0x476: {  	v2 =	vld [tilespmem:s5+$0x2600]  }
0x477: {  	v3 =	vld [tilespmem:s5+$0x7500];
	_ =	sdelay $0x3  }
0x478: {  	[tilespmem:v1+s30+$0x0] =	vst.idx.add.f32.msk $0xffff, v2  }
0x479: {  	[tilespmem:v1+s31+$0x0] =	vst.idx.add.f32.msk $0xffff, v3  }
0x47a: {  	v1 =	vld [tilespmem:s5+$0xC410];
	_ =	sdelay $0x2  }
0x47b: {  	v2 =	vld [tilespmem:s5+$0x2610]  }
0x47c: {  	v3 =	vld [tilespmem:s5+$0x7510];
	_ =	sdelay $0x3  }
0x47d: {  	[tilespmem:v1+s30+$0x0] =	vst.idx.add.f32.msk $0xffff, v2  }
0x47e: {  	[tilespmem:v1+s31+$0x0] =	vst.idx.add.f32.msk $0xffff, v3  }
0x47f: {  	v1 =	vld [tilespmem:s5+$0xC420];
	_ =	sdelay $0x2  }
0x480: {  	v2 =	vld [tilespmem:s5+$0x2620]  }
0x481: {  	v3 =	vld [tilespmem:s5+$0x7520];
	_ =	sdelay $0x3  }
0x482: {  	[tilespmem:v1+s30+$0x0] =	vst.idx.add.f32.msk $0xffff, v2  }
0x483: {  	[tilespmem:v1+s31+$0x0] =	vst.idx.add.f32.msk $0xffff, v3  }
0x484: {  	v1 =	vld [tilespmem:s5+$0xC430];
	_ =	sdelay $0x2  }
0x485: {  	v2 =	vld [tilespmem:s5+$0x2630]  }
0x486: {  	v3 =	vld [tilespmem:s5+$0x7530];
	_ =	sdelay $0x3  }
0x487: {  	[tilespmem:v1+s30+$0x0] =	vst.idx.add.f32.msk $0xffff, v2  }
0x488: {  	[tilespmem:v1+s31+$0x0] =	vst.idx.add.f32.msk $0xffff, v3  }
0x489: {  	v1 =	vld [tilespmem:s5+$0xC440];
	_ =	sdelay $0x2  }
0x48a: {  	v2 =	vld [tilespmem:s5+$0x2640]  }
0x48b: {  	v3 =	vld [tilespmem:s5+$0x7540];
	_ =	sdelay $0x3  }
0x48c: {  	[tilespmem:v1+s30+$0x0] =	vst.idx.add.f32.msk $0xffff, v2  }
0x48d: {  	[tilespmem:v1+s31+$0x0] =	vst.idx.add.f32.msk $0xffff, v3  }
0x48e: {  	v1 =	vld [tilespmem:s5+$0xC450];
	_ =	sdelay $0x2  }
0x48f: {  	v2 =	vld [tilespmem:s5+$0x2650]  }
0x490: {  	v3 =	vld [tilespmem:s5+$0x7550];
	_ =	sdelay $0x3  }
0x491: {  	[tilespmem:v1+s30+$0x0] =	vst.idx.add.f32.msk $0xffff, v2  }
0x492: {  	[tilespmem:v1+s31+$0x0] =	vst.idx.add.f32.msk $0xffff, v3  }
0x493: {  	v1 =	vld [tilespmem:s5+$0xC460];
	_ =	sdelay $0x2  }
0x494: {  	v2 =	vld [tilespmem:s5+$0x2660]  }
0x495: {  	v3 =	vld [tilespmem:s5+$0x7560];
	_ =	sdelay $0x3  }
0x496: {  	[tilespmem:v1+s30+$0x0] =	vst.idx.add.f32.msk $0xffff, v2  }
0x497: {  	[tilespmem:v1+s31+$0x0] =	vst.idx.add.f32.msk $0xffff, v3  }
0x498: {  	v1 =	vld [tilespmem:s5+$0xC470];
	_ =	sdelay $0x2  }
0x499: {  	v2 =	vld [tilespmem:s5+$0x2670]  }
0x49a: {  	p0 =	sne.s32 s9, $0x400;
	v3 =	vld [tilespmem:s5+$0x7570]  }
.Ltmp6:
0x49b: {  	_ = 	snop;
	(pc) =	sbr.rel @p0 .LBB2_11-.Ltmp6, $3  }
0x49c: {  	_ =	sdelay $0x1  }
0x49d: {  	[tilespmem:v1+s30+$0x0] =	vst.idx.add.f32.msk $0xffff, v2  }
0x49e: {  	s9 =	sadd.s32 $0x200, s9;
	[tilespmem:v1+s31+$0x0] =	vst.idx.add.f32.msk $0xffff, v3  }
0x49f: {  	_ =	swait.ge [sflag:s0], $0x2780  }
0x4a0: {  	[sflag:s0] =	ssyncset.done $0x0  }
0x4a1: {  	[sflag:s0] =	ssyncadd.s32 $0xFFFFD880  }
0x4a2: {  	_ =	swait.ge [sflag:s0], $0x2780  }
0x4a3: {  	[sflag:s0] =	ssyncset.done $0x0  }
0x4a4: {  	[sflag:s0] =	ssyncadd.s32 $0xFFFFD880  }
0x4a5: {  	_ =	swait.ge [sflag:s0], $0x2780  }
0x4a6: {  	[sflag:s0] =	ssyncset.done $0x0  }
0x4a7: {  	s6 =	simm.s32 $0xC770;
	[sflag:s0] =	ssyncadd.s32 $0xFFFFD880  }
0x4a8: {  	v6 =	vld [tilespmem:s6+$0xFFFFFF90]  }
0x4a9: {  	p0 =	sle.u32 s3, $0x0;
	vm4 =	vmmov vm0;
	v2 =	vld [tilespmem:s6+$0xFFFFFE10]  }
0x4aa: {  	s7 =	simm.s32 $0x2970;
	vm4 =	vmneg @p0 vm4;
	v1 =	vld [tilespmem:s6+$0xFFFFFE90]  }
0x4ab: {  	s8 =	simm.s32 $0x7870;
	v8 =	vld [tilespmem:s7+$0xFFFFFF90]  }
0x4ac: {  	v7 =	vld [tilespmem:s8+$0xFFFFFF90]  }
0x4ad: {  	v3 =	vld [tilespmem:s6+$0xFFFFFF10]  }
0x4ae: {  	v5 =	vld [tilespmem:s7+$0xFFFFFE10]  }
0x4af: {  	v4 =	vld [tilespmem:s8+$0xFFFFFE10]  }
0x4b0: {  	s5 =	simm.s32 $0x0;
	s22 =	simm.s32 $0x4;
	s9 =	simm.s32 $0x0;
	[tilespmem:v6+s30+$0x0] =	vst.idx.add.f32.msk vm4, v8  }
.LBB2_13:
0x4b1: {  	p0 =	slt.u32 s22, $0x48;
	[tilespmem:v6+s31+$0x0] =	vst.idx.add.f32.msk vm4, v7  }
0x4b2: {  	p1 =	sge.u32 s9, s16;
	vm1 =	vmmov vm0;
	v6 =	vld [tilespmem:s6+$0xFFFFFFA0]  }
0x4b3: {  	vm1 =	vmneg @p1 vm1;
	v7 =	vld [tilespmem:s7+$0xFFFFFE90]  }
0x4b4: {  	v8 =	vld [tilespmem:s8+$0xFFFFFE90]  }
0x4b5: {  	v9 =	vld [tilespmem:s7+$0xFFFFFFA0]  }
0x4b6: {  	s23 =	sadd.s32 $0x1, s9;
	v10 =	vld [tilespmem:s8+$0xFFFFFFA0]  }
0x4b7: {  	vm2 =	vmmov vm0;
	p1 =	sge.u32 s23, s16;
	v11 =	vld [tilespmem:s7+$0xFFFFFF10]  }
0x4b8: {  	vm2 =	vmneg @p1 vm2;
	v12 =	vld [tilespmem:s8+$0xFFFFFF10]  }
0x4b9: {  	[tilespmem:v2+s30+$0x0] =	vst.idx.add.f32.msk vm1, v5  }
0x4ba: {  	s23 =	sadd.s32 $0x2, s9;
	s9 =	smov.u32 s22;
	[tilespmem:v6+s30+$0x0] =	vst.idx.add.f32.msk vm4, v9  }
0x4bb: {  	vm3 =	vmmov vm0;
	p1 =	sge.u32 s23, s16;
	[tilespmem:v6+s31+$0x0] =	vst.idx.add.f32.msk vm4, v10  }
0x4bc: {  	vm3 =	vmneg @p1 vm3;
	v5 =	vld [tilespmem:s6+$0xFFFFFFB0]  }
0x4bd: {  	[tilespmem:v2+s31+$0x0] =	vst.idx.add.f32.msk vm1, v4  }
0x4be: {  	[tilespmem:v1+s30+$0x0] =	vst.idx.add.f32.msk vm2, v7  }
0x4bf: {  	v2 =	vld [tilespmem:s7+$0xFFFFFFB0]  }
0x4c0: {  	v4 =	vld [tilespmem:s8+$0xFFFFFFB0]  }
0x4c1: {  	[tilespmem:v1+s31+$0x0] =	vst.idx.add.f32.msk vm2, v8  }
0x4c2: {  	[tilespmem:v3+s30+$0x0] =	vst.idx.add.f32.msk vm3, v11  }
0x4c3: {  	[tilespmem:v3+s31+$0x0] =	vst.idx.add.f32.msk vm3, v12  }
0x4c4: {  	[tilespmem:v5+s30+$0x0] =	vst.idx.add.f32.msk vm4, v2  }
0x4c5: {  	[tilespmem:v5+s31+$0x0] =	vst.idx.add.f32.msk vm4, v4  }
0x4c6: {  	v1 =	vld [tilespmem:s6+$0xFFFFFFC0]  }
0x4c7: {  	v2 =	vld [tilespmem:s6+$0xFFFFFE20]  }
0x4c8: {  	v3 =	vld [tilespmem:s6+$0xFFFFFEA0]  }
0x4c9: {  	v4 =	vld [tilespmem:s7+$0xFFFFFFC0]  }
0x4ca: {  	v5 =	vld [tilespmem:s8+$0xFFFFFFC0]  }
0x4cb: {  	v6 =	vld [tilespmem:s6+$0xFFFFFF20]  }
0x4cc: {  	v7 =	vld [tilespmem:s7+$0xFFFFFE20]  }
0x4cd: {  	v8 =	vld [tilespmem:s8+$0xFFFFFE20]  }
0x4ce: {  	[tilespmem:v1+s30+$0x0] =	vst.idx.add.f32.msk vm4, v4  }
0x4cf: {  	[tilespmem:v1+s31+$0x0] =	vst.idx.add.f32.msk vm4, v5  }
0x4d0: {  	v1 =	vld [tilespmem:s6+$0xFFFFFFD0]  }
0x4d1: {  	v4 =	vld [tilespmem:s7+$0xFFFFFEA0]  }
0x4d2: {  	v5 =	vld [tilespmem:s8+$0xFFFFFEA0]  }
0x4d3: {  	v9 =	vld [tilespmem:s7+$0xFFFFFFD0]  }
0x4d4: {  	v10 =	vld [tilespmem:s8+$0xFFFFFFD0]  }
0x4d5: {  	v11 =	vld [tilespmem:s7+$0xFFFFFF20]  }
0x4d6: {  	v12 =	vld [tilespmem:s8+$0xFFFFFF20]  }
0x4d7: {  	[tilespmem:v2+s30+$0x0] =	vst.idx.add.f32.msk vm1, v7  }
0x4d8: {  	[tilespmem:v1+s30+$0x0] =	vst.idx.add.f32.msk vm4, v9  }
0x4d9: {  	[tilespmem:v1+s31+$0x0] =	vst.idx.add.f32.msk vm4, v10  }
0x4da: {  	v1 =	vld [tilespmem:s6+$0xFFFFFFE0]  }
0x4db: {  	[tilespmem:v2+s31+$0x0] =	vst.idx.add.f32.msk vm1, v8  }
0x4dc: {  	[tilespmem:v3+s30+$0x0] =	vst.idx.add.f32.msk vm2, v4  }
0x4dd: {  	v2 =	vld [tilespmem:s7+$0xFFFFFFE0]  }
0x4de: {  	v4 =	vld [tilespmem:s8+$0xFFFFFFE0]  }
0x4df: {  	[tilespmem:v3+s31+$0x0] =	vst.idx.add.f32.msk vm2, v5  }
0x4e0: {  	[tilespmem:v6+s30+$0x0] =	vst.idx.add.f32.msk vm3, v11  }
0x4e1: {  	[tilespmem:v6+s31+$0x0] =	vst.idx.add.f32.msk vm3, v12  }
0x4e2: {  	[tilespmem:v1+s30+$0x0] =	vst.idx.add.f32.msk vm4, v2  }
0x4e3: {  	[tilespmem:v1+s31+$0x0] =	vst.idx.add.f32.msk vm4, v4  }
0x4e4: {  	v1 =	vld [tilespmem:s6+$0xFFFFFFF0]  }
0x4e5: {  	v2 =	vld [tilespmem:s6+$0xFFFFFE30]  }
0x4e6: {  	v3 =	vld [tilespmem:s6+$0xFFFFFEB0]  }
0x4e7: {  	v4 =	vld [tilespmem:s7+$0xFFFFFFF0]  }
0x4e8: {  	v5 =	vld [tilespmem:s8+$0xFFFFFFF0]  }
0x4e9: {  	v6 =	vld [tilespmem:s6+$0xFFFFFF30]  }
0x4ea: {  	v7 =	vld [tilespmem:s7+$0xFFFFFE30]  }
0x4eb: {  	v8 =	vld [tilespmem:s8+$0xFFFFFE30]  }
0x4ec: {  	[tilespmem:v1+s30+$0x0] =	vst.idx.add.f32.msk vm4, v4  }
0x4ed: {  	[tilespmem:v1+s31+$0x0] =	vst.idx.add.f32.msk vm4, v5  }
0x4ee: {  	v1 =	vld [tilespmem:s6+$0x0]  }
0x4ef: {  	v4 =	vld [tilespmem:s7+$0xFFFFFEB0]  }
0x4f0: {  	v5 =	vld [tilespmem:s8+$0xFFFFFEB0]  }
0x4f1: {  	v9 =	vld [tilespmem:s7+$0x0]  }
0x4f2: {  	v10 =	vld [tilespmem:s8+$0x0]  }
0x4f3: {  	v11 =	vld [tilespmem:s7+$0xFFFFFF30]  }
0x4f4: {  	v12 =	vld [tilespmem:s8+$0xFFFFFF30]  }
0x4f5: {  	[tilespmem:v2+s30+$0x0] =	vst.idx.add.f32.msk vm1, v7  }
0x4f6: {  	[tilespmem:v1+s30+$0x0] =	vst.idx.add.f32.msk vm4, v9  }
0x4f7: {  	[tilespmem:v1+s31+$0x0] =	vst.idx.add.f32.msk vm4, v10  }
0x4f8: {  	[tilespmem:v2+s31+$0x0] =	vst.idx.add.f32.msk vm1, v8  }
0x4f9: {  	[tilespmem:v3+s30+$0x0] =	vst.idx.add.f32.msk vm2, v4  }
0x4fa: {  	[tilespmem:v3+s31+$0x0] =	vst.idx.add.f32.msk vm2, v5  }
0x4fb: {  	[tilespmem:v6+s30+$0x0] =	vst.idx.add.f32.msk vm3, v11  }
0x4fc: {  	[tilespmem:v6+s31+$0x0] =	vst.idx.add.f32.msk vm3, v12  }
0x4fd: {  	v1 =	vld [tilespmem:s6+$0xFFFFFE40]  }
0x4fe: {  	v2 =	vld [tilespmem:s6+$0xFFFFFEC0]  }
0x4ff: {  	v3 =	vld [tilespmem:s6+$0xFFFFFF40]  }
0x500: {  	v4 =	vld [tilespmem:s7+$0xFFFFFE40]  }
0x501: {  	v5 =	vld [tilespmem:s8+$0xFFFFFE40]  }
0x502: {  	v6 =	vld [tilespmem:s7+$0xFFFFFEC0]  }
0x503: {  	v7 =	vld [tilespmem:s8+$0xFFFFFEC0]  }
0x504: {  	v8 =	vld [tilespmem:s7+$0xFFFFFF40]  }
0x505: {  	v9 =	vld [tilespmem:s8+$0xFFFFFF40]  }
0x506: {  	[tilespmem:v1+s30+$0x0] =	vst.idx.add.f32.msk vm1, v4  }
0x507: {  	[tilespmem:v1+s31+$0x0] =	vst.idx.add.f32.msk vm1, v5  }
0x508: {  	[tilespmem:v2+s30+$0x0] =	vst.idx.add.f32.msk vm2, v6  }
0x509: {  	[tilespmem:v2+s31+$0x0] =	vst.idx.add.f32.msk vm2, v7  }
0x50a: {  	[tilespmem:v3+s30+$0x0] =	vst.idx.add.f32.msk vm3, v8  }
0x50b: {  	[tilespmem:v3+s31+$0x0] =	vst.idx.add.f32.msk vm3, v9  }
0x50c: {  	v1 =	vld [tilespmem:s6+$0xFFFFFE50]  }
0x50d: {  	v2 =	vld [tilespmem:s6+$0xFFFFFED0]  }
0x50e: {  	v3 =	vld [tilespmem:s6+$0xFFFFFF50]  }
0x50f: {  	v4 =	vld [tilespmem:s7+$0xFFFFFE50]  }
0x510: {  	v5 =	vld [tilespmem:s8+$0xFFFFFE50]  }
0x511: {  	v6 =	vld [tilespmem:s7+$0xFFFFFED0]  }
0x512: {  	v7 =	vld [tilespmem:s8+$0xFFFFFED0]  }
0x513: {  	v8 =	vld [tilespmem:s7+$0xFFFFFF50]  }
0x514: {  	v9 =	vld [tilespmem:s8+$0xFFFFFF50]  }
0x515: {  	[tilespmem:v1+s30+$0x0] =	vst.idx.add.f32.msk vm1, v4  }
0x516: {  	[tilespmem:v1+s31+$0x0] =	vst.idx.add.f32.msk vm1, v5  }
0x517: {  	[tilespmem:v2+s30+$0x0] =	vst.idx.add.f32.msk vm2, v6  }
0x518: {  	[tilespmem:v2+s31+$0x0] =	vst.idx.add.f32.msk vm2, v7  }
0x519: {  	[tilespmem:v3+s30+$0x0] =	vst.idx.add.f32.msk vm3, v8  }
0x51a: {  	[tilespmem:v3+s31+$0x0] =	vst.idx.add.f32.msk vm3, v9  }
0x51b: {  	v1 =	vld [tilespmem:s6+$0xFFFFFE60]  }
0x51c: {  	v2 =	vld [tilespmem:s6+$0xFFFFFEE0]  }
0x51d: {  	v3 =	vld [tilespmem:s6+$0xFFFFFF60]  }
0x51e: {  	v4 =	vld [tilespmem:s7+$0xFFFFFE60]  }
0x51f: {  	v5 =	vld [tilespmem:s8+$0xFFFFFE60]  }
0x520: {  	v6 =	vld [tilespmem:s7+$0xFFFFFEE0]  }
0x521: {  	v7 =	vld [tilespmem:s8+$0xFFFFFEE0]  }
0x522: {  	v8 =	vld [tilespmem:s7+$0xFFFFFF60]  }
0x523: {  	v9 =	vld [tilespmem:s8+$0xFFFFFF60]  }
0x524: {  	[tilespmem:v1+s30+$0x0] =	vst.idx.add.f32.msk vm1, v4  }
0x525: {  	[tilespmem:v1+s31+$0x0] =	vst.idx.add.f32.msk vm1, v5  }
0x526: {  	[tilespmem:v2+s30+$0x0] =	vst.idx.add.f32.msk vm2, v6  }
0x527: {  	[tilespmem:v2+s31+$0x0] =	vst.idx.add.f32.msk vm2, v7  }
0x528: {  	[tilespmem:v3+s30+$0x0] =	vst.idx.add.f32.msk vm3, v8  }
0x529: {  	[tilespmem:v3+s31+$0x0] =	vst.idx.add.f32.msk vm3, v9  }
0x52a: {  	v1 =	vld [tilespmem:s6+$0xFFFFFE70]  }
0x52b: {  	v2 =	vld [tilespmem:s6+$0xFFFFFEF0]  }
0x52c: {  	v3 =	vld [tilespmem:s6+$0xFFFFFF70]  }
0x52d: {  	v4 =	vld [tilespmem:s7+$0xFFFFFE70]  }
0x52e: {  	v5 =	vld [tilespmem:s8+$0xFFFFFE70]  }
0x52f: {  	v6 =	vld [tilespmem:s7+$0xFFFFFEF0]  }
0x530: {  	v7 =	vld [tilespmem:s8+$0xFFFFFEF0]  }
0x531: {  	v8 =	vld [tilespmem:s7+$0xFFFFFF70]  }
0x532: {  	v9 =	vld [tilespmem:s8+$0xFFFFFF70]  }
0x533: {  	[tilespmem:v1+s30+$0x0] =	vst.idx.add.f32.msk vm1, v4  }
0x534: {  	[tilespmem:v1+s31+$0x0] =	vst.idx.add.f32.msk vm1, v5  }
0x535: {  	[tilespmem:v2+s30+$0x0] =	vst.idx.add.f32.msk vm2, v6  }
0x536: {  	[tilespmem:v2+s31+$0x0] =	vst.idx.add.f32.msk vm2, v7  }
0x537: {  	[tilespmem:v3+s30+$0x0] =	vst.idx.add.f32.msk vm3, v8  }
0x538: {  	[tilespmem:v3+s31+$0x0] =	vst.idx.add.f32.msk vm3, v9  }
0x539: {  	v1 =	vld [tilespmem:s6+$0xFFFFFE80]  }
0x53a: {  	v2 =	vld [tilespmem:s6+$0xFFFFFF00]  }
0x53b: {  	v3 =	vld [tilespmem:s6+$0xFFFFFF80]  }
0x53c: {  	v4 =	vld [tilespmem:s7+$0xFFFFFE80]  }
0x53d: {  	v5 =	vld [tilespmem:s8+$0xFFFFFE80]  }
0x53e: {  	v6 =	vld [tilespmem:s7+$0xFFFFFF00]  }
0x53f: {  	v7 =	vld [tilespmem:s8+$0xFFFFFF00]  }
0x540: {  	v8 =	vld [tilespmem:s7+$0xFFFFFF80]  }
0x541: {  	v9 =	vld [tilespmem:s8+$0xFFFFFF80]  }
0x542: {  	[tilespmem:v1+s30+$0x0] =	vst.idx.add.f32.msk vm1, v4  }
0x543: {  	[tilespmem:v1+s31+$0x0] =	vst.idx.add.f32.msk vm1, v5  }
0x544: {  	[tilespmem:v2+s30+$0x0] =	vst.idx.add.f32.msk vm2, v6  }
0x545: {  	[tilespmem:v2+s31+$0x0] =	vst.idx.add.f32.msk vm2, v7  }
0x546: {  	[tilespmem:v3+s30+$0x0] =	vst.idx.add.f32.msk vm3, v8  }
0x547: {  	s6 =	sadd.s32 $0x200, s6;
	[tilespmem:v3+s31+$0x0] =	vst.idx.add.f32.msk vm3, v9  }
0x548: {  	v6 =	vld [tilespmem:s6+$0xFFFFFF90]  }
0x549: {  	p1 =	sge.u32 s22, s3;
	vm4 =	vmmov vm0;
	v2 =	vld [tilespmem:s6+$0xFFFFFE10]  }
0x54a: {  	vm4 =	vmneg @p1 vm4;
	s7 =	sadd.s32 $0x200, s7;
	v1 =	vld [tilespmem:s6+$0xFFFFFE90]  }
0x54b: {  	s8 =	sadd.s32 $0x200, s8;
	v8 =	vld [tilespmem:s7+$0xFFFFFF90]  }
.Ltmp7:
0x54c: {  	v7 =	vld [tilespmem:s8+$0xFFFFFF90];
	(pc) =	sbr.rel @p0 .LBB2_13-.Ltmp7, $4  }
0x54d: {  	v3 =	vld [tilespmem:s6+$0xFFFFFF10]  }
0x54e: {  	v5 =	vld [tilespmem:s7+$0xFFFFFE10]  }
0x54f: {  	v4 =	vld [tilespmem:s8+$0xFFFFFE10]  }
0x550: {  	s22 =	sadd.s32 $0x4, s22;
	[tilespmem:v6+s30+$0x0] =	vst.idx.add.f32.msk vm4, v8  }
0x551: {  	_ =	sdelay $0x4  }
0x552: {  	[tilespmem:v6+s31+$0x0] =	vst.idx.add.f32.msk vm4, v7  }
0x553: {  	p0 =	sge.u32 s9, s16;
	vm1 =	vmmov vm0;
	v46 =	vld [tilespmem:s7+$0xFFFFFE90]  }
0x554: {  	v8 =	vld [tilespmem:s8+$0xFFFFFE90];
	s22 =	sadd.s32 $0x1, s9;
	vm1 =	vmneg @p0 vm1  }
0x555: {  	vm2 =	vmmov vm0;
	v6 =	vld [tilespmem:s6+$0xFFFFFFA0];
	p0 =	sge.u32 s22, s16  }
0x556: {  	v11 =	vld [tilespmem:s7+$0xFFFFFF10];
	vm2 =	vmneg @p0 vm2  }
0x557: {  	v12 =	vld [tilespmem:s8+$0xFFFFFF10];
	s23 =	sadd.s32 $0x2, s9  }
0x558: {  	vm3 =	vmmov vm0;
	v9 =	vld [tilespmem:s7+$0xFFFFFFA0];
	p0 =	sge.u32 s23, s16  }
0x559: {  	v10 =	vld [tilespmem:s8+$0xFFFFFFA0];
	vm3 =	vmneg @p0 vm3  }
0x55a: {  	[tilespmem:v2+s30+$0x0] =	vst.idx.add.f32.msk vm1, v5  }
0x55b: {  	[tilespmem:v2+s31+$0x0] =	vst.idx.add.f32.msk vm1, v4  }
0x55c: {  	[tilespmem:v1+s30+$0x0] =	vst.idx.add.f32.msk vm2, v46  }
0x55d: {  	[tilespmem:v6+s30+$0x0] =	vst.idx.add.f32.msk vm4, v9  }
0x55e: {  	[tilespmem:v1+s31+$0x0] =	vst.idx.add.f32.msk vm2, v8  }
0x55f: {  	[tilespmem:v3+s30+$0x0] =	vst.idx.add.f32.msk vm3, v11  }
0x560: {  	v50 =	vld [tilespmem:s7+$0xFFFFFE20]  }
0x561: {  	v51 =	vld [tilespmem:s8+$0xFFFFFE20]  }
0x562: {  	[tilespmem:v6+s31+$0x0] =	vst.idx.add.f32.msk vm4, v10  }
0x563: {  	[tilespmem:v3+s31+$0x0] =	vst.idx.add.f32.msk vm3, v12  }
0x564: {  	v3 =	vld [tilespmem:s6+$0xFFFFFEA0]  }
0x565: {  	v52 =	vld [tilespmem:s7+$0xFFFFFEA0]  }
0x566: {  	v47 =	vld [tilespmem:s6+$0xFFFFFFB0]  }
0x567: {  	v53 =	vld [tilespmem:s8+$0xFFFFFEA0]  }
0x568: {  	v2 =	vld [tilespmem:s7+$0xFFFFFFB0]  }
0x569: {  	v49 =	vld [tilespmem:s6+$0xFFFFFF20]  }
0x56a: {  	v48 =	vld [tilespmem:s8+$0xFFFFFFB0]  }
0x56b: {  	v11 =	vld [tilespmem:s7+$0xFFFFFF20]  }
0x56c: {  	v12 =	vld [tilespmem:s8+$0xFFFFFF20]  }
0x56d: {  	[tilespmem:v3+s30+$0x0] =	vst.idx.add.f32.msk vm2, v52  }
0x56e: {  	[tilespmem:v47+s30+$0x0] =	vst.idx.add.f32.msk vm4, v2  }
0x56f: {  	v2 =	vld [tilespmem:s6+$0xFFFFFE20]  }
0x570: {  	[tilespmem:v3+s31+$0x0] =	vst.idx.add.f32.msk vm2, v53  }
0x571: {  	[tilespmem:v49+s30+$0x0] =	vst.idx.add.f32.msk vm3, v11  }
0x572: {  	[tilespmem:v47+s31+$0x0] =	vst.idx.add.f32.msk vm4, v48  }
0x573: {  	[tilespmem:v49+s31+$0x0] =	vst.idx.add.f32.msk vm3, v12  }
0x574: {  	v3 =	vld [tilespmem:s6+$0xFFFFFEB0]  }
0x575: {  	v56 =	vld [tilespmem:s7+$0xFFFFFEB0]  }
0x576: {  	v57 =	vld [tilespmem:s8+$0xFFFFFEB0]  }
0x577: {  	v1 =	vld [tilespmem:s6+$0xFFFFFFC0]  }
0x578: {  	v4 =	vld [tilespmem:s7+$0xFFFFFFC0]  }
0x579: {  	v5 =	vld [tilespmem:s8+$0xFFFFFFC0]  }
0x57a: {  	v6 =	vld [tilespmem:s6+$0xFFFFFF30]  }
0x57b: {  	v11 =	vld [tilespmem:s7+$0xFFFFFF30]  }
0x57c: {  	v12 =	vld [tilespmem:s8+$0xFFFFFF30]  }
0x57d: {  	[tilespmem:v2+s30+$0x0] =	vst.idx.add.f32.msk vm1, v50  }
0x57e: {  	[tilespmem:v2+s31+$0x0] =	vst.idx.add.f32.msk vm1, v51  }
0x57f: {  	[tilespmem:v3+s30+$0x0] =	vst.idx.add.f32.msk vm2, v56  }
0x580: {  	[tilespmem:v1+s30+$0x0] =	vst.idx.add.f32.msk vm4, v4  }
0x581: {  	[tilespmem:v1+s31+$0x0] =	vst.idx.add.f32.msk vm4, v5  }
0x582: {  	v1 =	vld [tilespmem:s6+$0xFFFFFFD0]  }
0x583: {  	v7 =	vld [tilespmem:s7+$0xFFFFFE30]  }
0x584: {  	v8 =	vld [tilespmem:s8+$0xFFFFFE30]  }
0x585: {  	v9 =	vld [tilespmem:s7+$0xFFFFFFD0]  }
0x586: {  	v10 =	vld [tilespmem:s8+$0xFFFFFFD0]  }
0x587: {  	[tilespmem:v3+s31+$0x0] =	vst.idx.add.f32.msk vm2, v57  }
0x588: {  	[tilespmem:v6+s30+$0x0] =	vst.idx.add.f32.msk vm3, v11  }
0x589: {  	[tilespmem:v6+s31+$0x0] =	vst.idx.add.f32.msk vm3, v12  }
0x58a: {  	[tilespmem:v1+s30+$0x0] =	vst.idx.add.f32.msk vm4, v9  }
0x58b: {  	[tilespmem:v1+s31+$0x0] =	vst.idx.add.f32.msk vm4, v10  }
0x58c: {  	v1 =	vld [tilespmem:s6+$0xFFFFFFE0]  }
0x58d: {  	v60 =	vld [tilespmem:s7+$0xFFFFFEC0]  }
0x58e: {  	v3 =	vld [tilespmem:s6+$0xFFFFFF40]  }
0x58f: {  	v2 =	vld [tilespmem:s7+$0xFFFFFFE0]  }
0x590: {  	v61 =	vld [tilespmem:s8+$0xFFFFFEC0]  }
0x591: {  	v62 =	vld [tilespmem:s7+$0xFFFFFF40]  }
0x592: {  	v63 =	vld [tilespmem:s8+$0xFFFFFF40]  }
0x593: {  	v54 =	vld [tilespmem:s8+$0xFFFFFFE0]  }
0x594: {  	[tilespmem:v1+s30+$0x0] =	vst.idx.add.f32.msk vm4, v2  }
0x595: {  	v2 =	vld [tilespmem:s6+$0xFFFFFE30]  }
0x596: {  	[tilespmem:v3+s30+$0x0] =	vst.idx.add.f32.msk vm3, v62  }
0x597: {  	[tilespmem:v3+s31+$0x0] =	vst.idx.add.f32.msk vm3, v63  }
0x598: {  	[tilespmem:v1+s31+$0x0] =	vst.idx.add.f32.msk vm4, v54  }
0x599: {  	v1 =	vld [tilespmem:s6+$0xFFFFFFF0]  }
0x59a: {  	v3 =	vld [tilespmem:s6+$0xFFFFFF50]  }
0x59b: {  	v4 =	vld [tilespmem:s7+$0xFFFFFFF0]  }
0x59c: {  	v55 =	vld [tilespmem:s8+$0xFFFFFFF0]  }
0x59d: {  	[tilespmem:v2+s30+$0x0] =	vst.idx.add.f32.msk vm1, v7  }
0x59e: {  	[tilespmem:v2+s31+$0x0] =	vst.idx.add.f32.msk vm1, v8  }
0x59f: {  	v2 =	vld [tilespmem:s6+$0xFFFFFEC0]  }
0x5a0: {  	v8 =	vld [tilespmem:s7+$0xFFFFFF50]  }
0x5a1: {  	[tilespmem:v1+s30+$0x0] =	vst.idx.add.f32.msk vm4, v4  }
0x5a2: {  	v58 =	vld [tilespmem:s7+$0xFFFFFE40]  }
0x5a3: {  	[tilespmem:v1+s31+$0x0] =	vst.idx.add.f32.msk vm4, v55  }
0x5a4: {  	v1 =	vld [tilespmem:s6+$0x0]  }
0x5a5: {  	v59 =	vld [tilespmem:s8+$0xFFFFFE40]  }
0x5a6: {  	v9 =	vld [tilespmem:s7+$0x0]  }
0x5a7: {  	v10 =	vld [tilespmem:s8+$0x0]  }
0x5a8: {  	[tilespmem:v2+s30+$0x0] =	vst.idx.add.f32.msk vm2, v60  }
0x5a9: {  	[tilespmem:v2+s31+$0x0] =	vst.idx.add.f32.msk vm2, v61  }
0x5aa: {  	v2 =	vld [tilespmem:s6+$0xFFFFFED0]  }
0x5ab: {  	v6 =	vld [tilespmem:s7+$0xFFFFFED0]  }
0x5ac: {  	[tilespmem:v1+s30+$0x0] =	vst.idx.add.f32.msk vm4, v9  }
0x5ad: {  	v9 =	vld [tilespmem:s8+$0xFFFFFF50]  }
0x5ae: {  	v7 =	vld [tilespmem:s8+$0xFFFFFED0]  }
0x5af: {  	[tilespmem:v1+s31+$0x0] =	vst.idx.add.f32.msk vm4, v10  }
0x5b0: {  	v1 =	vld [tilespmem:s6+$0xFFFFFE40]  }
0x5b1: {  	[tilespmem:v3+s30+$0x0] =	vst.idx.add.f32.msk vm3, v8  }
0x5b2: {  	[tilespmem:v3+s31+$0x0] =	vst.idx.add.f32.msk vm3, v9  }
0x5b3: {  	v3 =	vld [tilespmem:s6+$0xFFFFFF60]  }
0x5b4: {  	v8 =	vld [tilespmem:s7+$0xFFFFFF60]  }
0x5b5: {  	v9 =	vld [tilespmem:s8+$0xFFFFFF60]  }
0x5b6: {  	[tilespmem:v2+s30+$0x0] =	vst.idx.add.f32.msk vm2, v6  }
0x5b7: {  	[tilespmem:v2+s31+$0x0] =	vst.idx.add.f32.msk vm2, v7  }
0x5b8: {  	[tilespmem:v1+s30+$0x0] =	vst.idx.add.f32.msk vm1, v58  }
0x5b9: {  	v2 =	vld [tilespmem:s6+$0xFFFFFEE0]  }
0x5ba: {  	v6 =	vld [tilespmem:s7+$0xFFFFFEE0]  }
0x5bb: {  	v7 =	vld [tilespmem:s8+$0xFFFFFEE0]  }
0x5bc: {  	[tilespmem:v1+s31+$0x0] =	vst.idx.add.f32.msk vm1, v59  }
0x5bd: {  	v1 =	vld [tilespmem:s6+$0xFFFFFE50]  }
0x5be: {  	v4 =	vld [tilespmem:s7+$0xFFFFFE50]  }
0x5bf: {  	v5 =	vld [tilespmem:s8+$0xFFFFFE50]  }
0x5c0: {  	[tilespmem:v3+s30+$0x0] =	vst.idx.add.f32.msk vm3, v8  }
0x5c1: {  	[tilespmem:v3+s31+$0x0] =	vst.idx.add.f32.msk vm3, v9  }
0x5c2: {  	v3 =	vld [tilespmem:s6+$0xFFFFFF70]  }
0x5c3: {  	v8 =	vld [tilespmem:s7+$0xFFFFFF70]  }
0x5c4: {  	v9 =	vld [tilespmem:s8+$0xFFFFFF70]  }
0x5c5: {  	[tilespmem:v2+s30+$0x0] =	vst.idx.add.f32.msk vm2, v6  }
0x5c6: {  	[tilespmem:v2+s31+$0x0] =	vst.idx.add.f32.msk vm2, v7  }
0x5c7: {  	[tilespmem:v1+s30+$0x0] =	vst.idx.add.f32.msk vm1, v4  }
0x5c8: {  	v2 =	vld [tilespmem:s6+$0xFFFFFEF0]  }
0x5c9: {  	v6 =	vld [tilespmem:s7+$0xFFFFFEF0]  }
0x5ca: {  	[tilespmem:v1+s31+$0x0] =	vst.idx.add.f32.msk vm1, v5  }
0x5cb: {  	v1 =	vld [tilespmem:s6+$0xFFFFFE60]  }
0x5cc: {  	v7 =	vld [tilespmem:s8+$0xFFFFFEF0]  }
0x5cd: {  	v4 =	vld [tilespmem:s7+$0xFFFFFE60]  }
0x5ce: {  	v5 =	vld [tilespmem:s8+$0xFFFFFE60]  }
0x5cf: {  	[tilespmem:v3+s30+$0x0] =	vst.idx.add.f32.msk vm3, v8  }
0x5d0: {  	[tilespmem:v3+s31+$0x0] =	vst.idx.add.f32.msk vm3, v9  }
0x5d1: {  	v3 =	vld [tilespmem:s6+$0xFFFFFF80]  }
0x5d2: {  	v8 =	vld [tilespmem:s7+$0xFFFFFF80]  }
0x5d3: {  	[tilespmem:v1+s30+$0x0] =	vst.idx.add.f32.msk vm1, v4  }
0x5d4: {  	[tilespmem:v1+s31+$0x0] =	vst.idx.add.f32.msk vm1, v5  }
0x5d5: {  	v1 =	vld [tilespmem:s6+$0xFFFFFE70]  }
0x5d6: {  	v9 =	vld [tilespmem:s8+$0xFFFFFF80]  }
0x5d7: {  	[tilespmem:v2+s30+$0x0] =	vst.idx.add.f32.msk vm2, v6  }
0x5d8: {  	v4 =	vld [tilespmem:s7+$0xFFFFFE70]  }
0x5d9: {  	v5 =	vld [tilespmem:s8+$0xFFFFFE70]  }
0x5da: {  	[tilespmem:v2+s31+$0x0] =	vst.idx.add.f32.msk vm2, v7  }
0x5db: {  	v2 =	vld [tilespmem:s6+$0xFFFFFF00]  }
0x5dc: {  	v6 =	vld [tilespmem:s7+$0xFFFFFF00]  }
0x5dd: {  	[tilespmem:v1+s30+$0x0] =	vst.idx.add.f32.msk vm1, v4  }
0x5de: {  	[tilespmem:v1+s31+$0x0] =	vst.idx.add.f32.msk vm1, v5  }
0x5df: {  	v1 =	vld [tilespmem:s6+$0xFFFFFE80]  }
0x5e0: {  	v7 =	vld [tilespmem:s8+$0xFFFFFF00]  }
0x5e1: {  	[tilespmem:v3+s30+$0x0] =	vst.idx.add.f32.msk vm3, v8  }
0x5e2: {  	v4 =	vld [tilespmem:s7+$0xFFFFFE80]  }
0x5e3: {  	v5 =	vld [tilespmem:s8+$0xFFFFFE80]  }
0x5e4: {  	[tilespmem:v3+s31+$0x0] =	vst.idx.add.f32.msk vm3, v9  }
0x5e5: {  	[tilespmem:v2+s30+$0x0] =	vst.idx.add.f32.msk vm2, v6  }
0x5e6: {  	[tilespmem:v2+s31+$0x0] =	vst.idx.add.f32.msk vm2, v7  }
0x5e7: {  	[tilespmem:v1+s30+$0x0] =	vst.idx.add.f32.msk vm1, v4  }
0x5e8: {  	[tilespmem:v1+s31+$0x0] =	vst.idx.add.f32.msk vm1, v5  }
.LBB2_15:
0x5e9: {  	s6 =	sshra.s32 s5, $0x2  }
0x5ea: {  	v1 =	vld [tilespmem:s6+$0xEB80];
	_ =	sdelay $0x2  }
0x5eb: {  	v2 =	vld [tilespmem:s6+$0x4D80]  }
0x5ec: {  	v3 =	vld [tilespmem:s6+$0x9C80];
	_ =	sdelay $0x3  }
0x5ed: {  	[tilespmem:v1+s30+$0x0] =	vst.idx.add.f32.msk $0xffff, v2  }
0x5ee: {  	[tilespmem:v1+s31+$0x0] =	vst.idx.add.f32.msk $0xffff, v3  }
0x5ef: {  	v1 =	vld [tilespmem:s6+$0xEB90];
	_ =	sdelay $0x2  }
0x5f0: {  	v2 =	vld [tilespmem:s6+$0x4D90]  }
0x5f1: {  	v3 =	vld [tilespmem:s6+$0x9C90];
	_ =	sdelay $0x3  }
0x5f2: {  	[tilespmem:v1+s30+$0x0] =	vst.idx.add.f32.msk $0xffff, v2  }
0x5f3: {  	[tilespmem:v1+s31+$0x0] =	vst.idx.add.f32.msk $0xffff, v3  }
0x5f4: {  	v1 =	vld [tilespmem:s6+$0xEBA0];
	_ =	sdelay $0x2  }
0x5f5: {  	v2 =	vld [tilespmem:s6+$0x4DA0]  }
0x5f6: {  	v3 =	vld [tilespmem:s6+$0x9CA0];
	_ =	sdelay $0x3  }
0x5f7: {  	[tilespmem:v1+s30+$0x0] =	vst.idx.add.f32.msk $0xffff, v2  }
0x5f8: {  	[tilespmem:v1+s31+$0x0] =	vst.idx.add.f32.msk $0xffff, v3  }
0x5f9: {  	v1 =	vld [tilespmem:s6+$0xEBB0];
	_ =	sdelay $0x2  }
0x5fa: {  	v2 =	vld [tilespmem:s6+$0x4DB0]  }
0x5fb: {  	v3 =	vld [tilespmem:s6+$0x9CB0];
	_ =	sdelay $0x3  }
0x5fc: {  	[tilespmem:v1+s30+$0x0] =	vst.idx.add.f32.msk $0xffff, v2  }
0x5fd: {  	[tilespmem:v1+s31+$0x0] =	vst.idx.add.f32.msk $0xffff, v3  }
0x5fe: {  	v1 =	vld [tilespmem:s6+$0xEBC0];
	_ =	sdelay $0x2  }
0x5ff: {  	v2 =	vld [tilespmem:s6+$0x4DC0]  }
0x600: {  	v3 =	vld [tilespmem:s6+$0x9CC0];
	_ =	sdelay $0x3  }
0x601: {  	[tilespmem:v1+s30+$0x0] =	vst.idx.add.f32.msk $0xffff, v2  }
0x602: {  	[tilespmem:v1+s31+$0x0] =	vst.idx.add.f32.msk $0xffff, v3  }
0x603: {  	v1 =	vld [tilespmem:s6+$0xEBD0];
	_ =	sdelay $0x2  }
0x604: {  	v2 =	vld [tilespmem:s6+$0x4DD0]  }
0x605: {  	v3 =	vld [tilespmem:s6+$0x9CD0];
	_ =	sdelay $0x3  }
0x606: {  	[tilespmem:v1+s30+$0x0] =	vst.idx.add.f32.msk $0xffff, v2  }
0x607: {  	[tilespmem:v1+s31+$0x0] =	vst.idx.add.f32.msk $0xffff, v3  }
0x608: {  	v1 =	vld [tilespmem:s6+$0xEBE0];
	_ =	sdelay $0x2  }
0x609: {  	v2 =	vld [tilespmem:s6+$0x4DE0]  }
0x60a: {  	v3 =	vld [tilespmem:s6+$0x9CE0];
	_ =	sdelay $0x3  }
0x60b: {  	[tilespmem:v1+s30+$0x0] =	vst.idx.add.f32.msk $0xffff, v2  }
0x60c: {  	[tilespmem:v1+s31+$0x0] =	vst.idx.add.f32.msk $0xffff, v3  }
0x60d: {  	v1 =	vld [tilespmem:s6+$0xEBF0];
	_ =	sdelay $0x2  }
0x60e: {  	v2 =	vld [tilespmem:s6+$0x4DF0]  }
0x60f: {  	p0 =	sne.s32 s5, $0x400;
	v3 =	vld [tilespmem:s6+$0x9CF0]  }
.Ltmp8:
0x610: {  	_ = 	snop;
	(pc) =	sbr.rel @p0 .LBB2_15-.Ltmp8, $3  }
0x611: {  	_ =	sdelay $0x1  }
0x612: {  	[tilespmem:v1+s30+$0x0] =	vst.idx.add.f32.msk $0xffff, v2  }
0x613: {  	s5 =	sadd.s32 $0x200, s5;
	[tilespmem:v1+s31+$0x0] =	vst.idx.add.f32.msk $0xffff, v3  }
0x614: {  	[hbm4b:s17+s2] =	stream.linear.scatter [tilespmem:s30], [sflag:$0x3], $0x2800, $0x38;
	[tilespmem:$0x13D00] =	vst v63  }
0x615: {  	s4 =	sadd.s32 $0x1, s4;
	_ =	swait.ge [sflag:s1], $0x2800  }
0x616: {  	p0 =	sne.s32 s4, s19;
	[sflag:s1] =	ssyncset.done $0x0  }
.Ltmp9:
0x617: {  	[sflag:s1] =	ssyncadd.s32 $0xFFFFD800;
	(pc) =	sbr.rel @p0 .LBB2_1-.Ltmp9, $4  }
0x618: {  	[hbm4b:s18+s2] =	stream.linear.scatter [tilespmem:s31], [sflag:$0x3], $0x2800, $0x38;
	[tilespmem:$0x13D00] =	vst v63  }
0x619: {  	_ =	swait.ge [sflag:s1], $0x2800  }
0x61a: {  	[sflag:s1] =	ssyncset.done $0x0  }
0x61b: {  	s22 =	simm.s32 $0x4F00;
	s23 =	simm.s32 $0x100;
	[sflag:s1] =	ssyncadd.s32 $0xFFFFD800  }
0x61c: {  	_ =	sfence.sel $0x180000  }
0x61d: {  	[bflag:$0x0] =	sbarrier.arrive $0xFFFF  }
0x61e: {  	_ =	strace $0x90000047  }
0x61f: {  	s0 =	stileid.u32;
	[bflag:$0x2] =	sbarrier.arrive $0xFFFF  }
0x620: {  	p0 =	sne.s32 s0, $0x0;
	s0 =	rddreg [dreg:$0x3]  }
0x621: {  	s0 =	sadd.s32 @!p0 $0x100000, s0  }
0x622: {  	[sflag:s0] =	ssyncadd.tile.s32 @!p0 $0x1;
	_ =	shalt  }
.Lfunc_end2:
_tile_overlayer_lowered:
.L_overlay_start_2:
0x623: {  	(tag) =	ssettag $0x2  }
0x624: {  	s0 =	rddreg [dreg:$0x0];
	s2 =	stileid.u32  }
0x625: {  	s1 =	rddreg [dreg:$0x1];
	p0 =	sne.s32 s2, $0x0  }
0x626: {  	s3 =	rddreg [dreg:$0x2];
	[bflag:$0x3] =	sbarrier.arrive $0xFFFF;
	s2 =	simm.s32 @!p0 $0x1C03  }
0x627: {  	[timem:s3], [sflag:s2] =	dma.local @!p0 [hbm:s0], s1  }
0x628: {  	s0 =	simm.s32 @!p0 $0x3  }
0x629: {  	_ =	swait.ge @!p0 [sflag:s0], s1  }
0x62a: {  	s1 =	ssub.s32 @!p0 $0x0, s1;
	[sflag:s0] =	ssyncset.done @!p0 $0x0  }
0x62b: {  	[sflag:s0] =	ssyncadd.s32 @!p0 s1  }
0x62c: {  	[bflag:$0x3] =	sbarrier.arrive $0xFFFF  }
0x62d: {  	_ =	shalt  }

</sc_bundles>
